<compile_context>
chip_gen: v7x
topology: tpu7x:2x2x1
jax: 0.10.2.dev20260603
libtpu: 0.0.44.dev20260713+nightly
codegen_flags: <defaults>
</compile_context>

<pallas_src>
import functools

import jax
import jax.numpy as jnp
from jax import lax
from jax.experimental import pallas as pl
from jax.experimental.pallas import tpu as pltpu
from jax.experimental.pallas import tpu_sc as plsc

_NB = 512
_C = 32


def _knn_body(x1_ref, x2t_ref, idx_ref, w_ref):
    s = x2t_ref.shape[2]
    f32 = jnp.float32
    bf16 = jnp.bfloat16

    x1 = x1_ref[0]
    x2t = x2t_ref[0]
    a0 = x1[:, 0:1]
    a1 = x1[:, 1:2]
    a2 = x1[:, 2:3]
    c0 = x2t[0:1, :]
    c1 = x2t[1:2, :]
    c2 = x2t[2:3, :]

    dot2 = jnp.dot((-2.0 * x1).astype(bf16), x2t.astype(bf16),
                   preferred_element_type=f32)
    ss1 = a0 * a0 + a1 * a1 + a2 * a2
    ss2 = c0 * c0 + c1 * c1 + c2 * c2
    d = (dot2 + ss1) + ss2

    iota = lax.broadcasted_iota(jnp.int32, d.shape, 1).astype(f32)
    inf = f32(jnp.inf)
    sf = f32(s)

    m1 = jnp.min(d, axis=1, keepdims=True)
    i1 = jnp.min(jnp.where(d == m1, iota, sf), axis=1, keepdims=True)
    dm = jnp.where(iota == i1, inf, d)
    m2 = jnp.min(dm, axis=1, keepdims=True)
    i2 = jnp.min(jnp.where(dm == m2, iota, sf), axis=1, keepdims=True)
    dm = jnp.where(iota == i2, inf, dm)
    m3 = jnp.min(dm, axis=1, keepdims=True)
    i3 = jnp.min(jnp.where(dm == m3, iota, sf), axis=1, keepdims=True)

    r1 = 1.0 / (m1 + 1e-8)
    r2 = 1.0 / (m2 + 1e-8)
    r3 = 1.0 / (m3 + 1e-8)
    rn = r1 + r2 + r3

    base = f32(pl.program_id(0) * s)
    idx_ref[0, :, 0:1] = (i1 + base).astype(jnp.int32)
    idx_ref[0, :, 1:2] = (i2 + base).astype(jnp.int32)
    idx_ref[0, :, 2:3] = (i3 + base).astype(jnp.int32)
    w_ref[0, :, 0:1] = r1 / rn
    w_ref[0, :, 1:2] = r2 / rn
    w_ref[0, :, 2:3] = r3 / rn


def _mlp_body(p1_ref, it_ref, w1a_ref, w1b_ref, b1_ref, w2_ref, b2_ref,
              out_ref):
    f32 = jnp.float32
    bf16 = jnp.bfloat16
    zero = f32(0.0)
    h = jnp.dot(p1_ref[0].astype(bf16), w1a_ref[...],
                preferred_element_type=f32)
    h = h + jnp.dot(it_ref[0].astype(bf16), w1b_ref[...],
                    preferred_element_type=f32)
    h = jnp.maximum(h + b1_ref[...], zero)
    h = jnp.dot(h.astype(bf16), w2_ref[...], preferred_element_type=f32)
    h = jnp.maximum(h + b2_ref[...], zero)
    out_ref[0] = h


def _make_sc_interp(bn, d2, nw, npw):
    nch = npw // _C
    c3 = 3 * _C
    mesh = plsc.VectorSubcoreMesh(core_axis_name="c", subcore_axis_name="s")

    @functools.partial(
        pl.kernel,
        out_type=jax.ShapeDtypeStruct((bn, d2), jnp.float32),
        mesh=mesh,
        compiler_params=pltpu.CompilerParams(needs_layout_passes=False),
        scratch_types=[
            pltpu.VMEM((c3,), jnp.int32),
            pltpu.VMEM((c3,), jnp.float32),
            pltpu.VMEM((c3, d2), jnp.float32),
            pltpu.VMEM((_C, d2), jnp.float32),
            pltpu.SemaphoreType.DMA,
        ],
    )
    def sc_interp(p2_hbm, idx_hbm, w_hbm, out_hbm, idx_v, w_v, rows_v,
                  out_v, sem):
        wid = lax.axis_index("s") * 2 + lax.axis_index("c")

        def chunk_body(ch, carry):
            pltpu.sync_copy(idx_hbm.at[wid, ch], idx_v)
            pltpu.sync_copy(w_hbm.at[wid, ch], w_v)
            pltpu.async_copy(p2_hbm.at[idx_v], rows_v, sem).wait()

            def point_body(p, carry2):
                w0 = plsc.load_gather(
                    w_v, [jnp.full((16,), 3 * p, jnp.int32)])
                w1 = plsc.load_gather(
                    w_v, [jnp.full((16,), 3 * p + 1, jnp.int32)])
                w2 = plsc.load_gather(
                    w_v, [jnp.full((16,), 3 * p + 2, jnp.int32)])
                for j in range(d2 // 16):
                    sl = pl.ds(16 * j, 16)
                    acc = (w0 * rows_v[3 * p, sl]
                           + w1 * rows_v[3 * p + 1, sl]
                           + w2 * rows_v[3 * p + 2, sl])
                    out_v[p, sl] = acc
                return carry2

            lax.fori_loop(0, _C, point_body, 0, unroll=4)
            base = wid * npw + ch * _C
            pltpu.sync_copy(out_v, out_hbm.at[pl.ds(base, _C)])
            return carry

        lax.fori_loop(0, nch, chunk_body, 0, unroll=False)

    return sc_interp


def kernel(xyz1, xyz2, points1, points2, W1, b1, W2, b2):
    B, N, _ = xyz1.shape
    S = xyz2.shape[1]
    D1 = points1.shape[2]
    D2 = points2.shape[2]
    F1 = W1.shape[1]
    F2 = W2.shape[1]
    nb = min(_NB, N)
    bn = B * N

    xyz2_t = jnp.transpose(xyz2, (0, 2, 1))

    idx, w = pl.pallas_call(
        _knn_body,
        grid=(B, N // nb),
        in_specs=[
            pl.BlockSpec((1, nb, 3), lambda b, i: (b, i, 0)),
            pl.BlockSpec((1, 3, S), lambda b, i: (b, 0, 0)),
        ],
        out_specs=[
            pl.BlockSpec((1, nb, 3), lambda b, i: (b, i, 0)),
            pl.BlockSpec((1, nb, 3), lambda b, i: (b, i, 0)),
        ],
        out_shape=[
            jax.ShapeDtypeStruct((B, N, 3), jnp.int32),
            jax.ShapeDtypeStruct((B, N, 3), jnp.float32),
        ],
    )(xyz1, xyz2_t)

    nw = 32
    npw = bn // nw
    nch = npw // _C
    idx_r = idx.reshape(nw, nch, 3 * _C)
    w_r = w.reshape(nw, nch, 3 * _C)
    p2_flat = points2.reshape(B * S, D2)

    interp = _make_sc_interp(bn, D2, nw, npw)(p2_flat, idx_r, w_r)
    interp = interp.reshape(B, N, D2)

    w1a = W1[:D1].astype(jnp.bfloat16)
    w1b = W1[D1:].astype(jnp.bfloat16)
    w2m = W2.astype(jnp.bfloat16)
    b1r = b1.reshape(1, F1)
    b2r = b2.reshape(1, F2)

    out = pl.pallas_call(
        _mlp_body,
        grid=(B, N // nb),
        in_specs=[
            pl.BlockSpec((1, nb, D1), lambda b, i: (b, i, 0)),
            pl.BlockSpec((1, nb, D2), lambda b, i: (b, i, 0)),
            pl.BlockSpec((D1, F1), lambda b, i: (0, 0)),
            pl.BlockSpec((D2, F1), lambda b, i: (0, 0)),
            pl.BlockSpec((1, F1), lambda b, i: (0, 0)),
            pl.BlockSpec((F1, F2), lambda b, i: (0, 0)),
            pl.BlockSpec((1, F2), lambda b, i: (0, 0)),
        ],
        out_specs=pl.BlockSpec((1, nb, F2), lambda b, i: (b, i, 0)),
        out_shape=jax.ShapeDtypeStruct((B, N, F2), jnp.float32),
    )(points1, interp, w1a, w1b, b1r, w2m, b2r)
    return out

# --- scband reference (transcript-rebuilt; emitter-appended) ---
"""Pipeline reference for scband-point-net-feature-propagation-77068893160406 (READ-ONLY COPY).

The authoritative reference and input builder live on the scoring server;
editing this copy changes nothing except your own understanding.
"""

import jax, jax.numpy as jnp
import numpy as np

B, N, S, D1, D2 = 16, 4096, 1024, 128, 256
MLP = [256, 256]

def setup_inputs(seed: int = 0) -> dict:
    key = jax.random.key(seed)
    ks = jax.random.split(key, 10)
    xyz1 = jax.random.normal(ks[0], (B, N, 3), dtype=jnp.float32)
    xyz2 = jax.random.normal(ks[1], (B, S, 3), dtype=jnp.float32)
    points1 = jax.random.normal(ks[2], (B, N, D1), dtype=jnp.float32)
    points2 = jax.random.normal(ks[3], (B, S, D2), dtype=jnp.float32)
    in_ch = D1 + D2
    W1 = jax.random.normal(ks[4], (in_ch, MLP[0]), dtype=jnp.float32) * (1.0 / np.sqrt(in_ch))
    b1 = jnp.zeros((MLP[0],), dtype=jnp.float32)
    W2 = jax.random.normal(ks[5], (MLP[0], MLP[1]), dtype=jnp.float32) * (1.0 / np.sqrt(MLP[0]))
    b2 = jnp.zeros((MLP[1],), dtype=jnp.float32)
    return {"xyz1": xyz1, "xyz2": xyz2, "points1": points1, "points2": points2,
            "W1": W1, "b1": b1, "W2": W2, "b2": b2}

def _square_distance(src, dst):
    # src: [B, N, C], dst: [B, S, C] -> [B, N, S]
    d = -2.0 * jnp.einsum('bnc,bsc->bns', src, dst)
    d = d + jnp.sum(src ** 2, axis=-1)[:, :, None]
    d = d + jnp.sum(dst ** 2, axis=-1)[:, None, :]
    return d

def reference(xyz1, xyz2, points1, points2, W1, b1, W2, b2):
    b, n, _ = xyz1.shape
    s = xyz2.shape[1]
    dists = _square_distance(xyz1, xyz2)            # [B, N, S]
    idx_full = jnp.argsort(dists, axis=-1)          # ascending
    idx = idx_full[:, :, :3]                        # 3 nearest neighbors
    d3 = jnp.take_along_axis(dists, idx, axis=-1)   # [B, N, 3]
    dist_recip = 1.0 / (d3 + 1e-08)
    norm = jnp.sum(dist_recip, axis=2, keepdims=True)
    weight = dist_recip / norm                      # [B, N, 3]
    batch_idx = jnp.arange(b)[:, None, None]
    gathered = points2[batch_idx, idx]              # [B, N, 3, D2]
    interpolated = jnp.sum(gathered * weight[:, :, :, None], axis=2)  # [B, N, D2]
    new_points = jnp.concatenate([points1, interpolated], axis=-1)     # [B, N, D1+D2]
    h = jax.nn.relu(jnp.einsum('bnd,df->bnf', new_points, W1) + b1)
    h = jax.nn.relu(jnp.einsum('bnd,df->bnf', h, W2) + b2)
    return h

if __name__ == "__main__":
    import jax
    _d = setup_inputs()
    print(jax.jit(kernel)(*tuple(_d.values())))

</pallas_src>

<mosaic_0001>
#map = affine_map<(d0, d1) -> (0, 0)>
#map1 = affine_map<(d0, d1) -> (0, 0, 0)>
module attributes {stable_mosaic.version = 14 : i64} {
  func.func @sc_interp(%arg0: i32, %arg1: i32, %arg2: memref<16384x256xf32, #tpu.memory_space<hbm>>, %arg3: memref<32x64x96xi32, #tpu.memory_space<hbm>>, %arg4: memref<32x64x96xf32, #tpu.memory_space<hbm>>, %arg5: memref<65536x256xf32, #tpu.memory_space<hbm>>, %arg6: memref<96xi32, #tpu.memory_space<vmem>>, %arg7: memref<96xf32, #tpu.memory_space<vmem>>, %arg8: memref<96x256xf32, #tpu.memory_space<vmem>>, %arg9: memref<32x256xf32, #tpu.memory_space<vmem>>, %arg10: memref<!tpu.dma_semaphore, #tpu.memory_space<semaphore_mem>>) attributes {dimension_semantics = [#tpu.dimension_semantics<core_parallel>, #tpu.dimension_semantics<subcore_parallel>], iteration_bounds = array<i64: 2, 16>, scalar_prefetch = 0 : i64, scratch_operands = 5 : i64, tpu.core_type = #tpu.core_type<sc_vector_subcore>, window_params = [{transform_indices = #map}, {transform_indices = #map1}, {transform_indices = #map1}, {transform_indices = #map}]} {
    %mul3A = arith.constant 2 : i32
    %mul3A_0 = arith.muli %arg1, %mul3A : i32
    %add3A = arith.addi %mul3A_0, %arg0 : i32
    %scan3A = arith.constant 0 : i32
    %scan3A_1 = arith.constant 0 : i32
    %scan3A_2 = arith.constant 64 : i32
    %scan3A_3 = arith.addi %scan3A_1, %scan3A_2 : i32
    %scan3A_4 = arith.constant 1 : i32
    scf.for %scan3A_6 = %scan3A_1 to %scan3A_3 step %scan3A_4  : i32 {
      "tpu.region"() ({
        %run_scoped3A = tpu.sem_alloc : memref<!tpu.dma_semaphore, #tpu.memory_space<semaphore_mem>>
        %dma_start3A_22 = arith.constant 0 : i32
        %dma_start3A_23 = tpu.memref_slice %arg3[%add3A, %scan3A_6, %dma_start3A_22] : memref<32x64x96xi32, #tpu.memory_space<hbm>> -> memref<1x1x96xi32, #tpu.memory_space<hbm>>
        %dma_start3A_24 = tpu.memref_squeeze %dma_start3A_23 : memref<1x1x96xi32, #tpu.memory_space<hbm>> -> memref<96xi32, #tpu.memory_space<hbm>>
        %dma_start3A_25 = arith.constant 0 : i32
        %dma_start3A_26 = tpu.memref_slice %arg3[%add3A, %scan3A_6, %dma_start3A_25] : memref<32x64x96xi32, #tpu.memory_space<hbm>> -> memref<1x1x96xi32, #tpu.memory_space<hbm>>
        %dma_start3A_27 = tpu.memref_squeeze %dma_start3A_26 : memref<1x1x96xi32, #tpu.memory_space<hbm>> -> memref<96xi32, #tpu.memory_space<hbm>>
        tpu.enqueue_dma source(%dma_start3A_27 : memref<96xi32, #tpu.memory_space<hbm>>) target(%arg6 : memref<96xi32, #tpu.memory_space<vmem>>) target_semaphore(%run_scoped3A : memref<!tpu.dma_semaphore, #tpu.memory_space<semaphore_mem>>)
        %dma_wait3A_28 = arith.constant 0 : i32
        %dma_wait3A_29 = tpu.memref_slice %arg3[%add3A, %scan3A_6, %dma_wait3A_28] : memref<32x64x96xi32, #tpu.memory_space<hbm>> -> memref<1x1x96xi32, #tpu.memory_space<hbm>>
        %dma_wait3A_30 = tpu.memref_squeeze %dma_wait3A_29 : memref<1x1x96xi32, #tpu.memory_space<hbm>> -> memref<96xi32, #tpu.memory_space<hbm>>
        %dma_wait3A_31 = arith.constant 0 : i32
        %dma_wait3A_32 = tpu.memref_slice %arg3[%add3A, %scan3A_6, %dma_wait3A_31] : memref<32x64x96xi32, #tpu.memory_space<hbm>> -> memref<1x1x96xi32, #tpu.memory_space<hbm>>
        %dma_wait3A_33 = tpu.memref_squeeze %dma_wait3A_32 : memref<1x1x96xi32, #tpu.memory_space<hbm>> -> memref<96xi32, #tpu.memory_space<hbm>>
        tpu.wait_dma2 semaphore(%run_scoped3A : memref<!tpu.dma_semaphore, #tpu.memory_space<semaphore_mem>>) src(%dma_wait3A_33 : memref<96xi32, #tpu.memory_space<hbm>>) dst(%arg6 : memref<96xi32, #tpu.memory_space<vmem>>)
        tpu.yield
      }) : () -> ()
      "tpu.region"() ({
        %run_scoped3A = tpu.sem_alloc : memref<!tpu.dma_semaphore, #tpu.memory_space<semaphore_mem>>
        %dma_start3A_22 = arith.constant 0 : i32
        %dma_start3A_23 = tpu.memref_slice %arg4[%add3A, %scan3A_6, %dma_start3A_22] : memref<32x64x96xf32, #tpu.memory_space<hbm>> -> memref<1x1x96xf32, #tpu.memory_space<hbm>>
        %dma_start3A_24 = tpu.memref_squeeze %dma_start3A_23 : memref<1x1x96xf32, #tpu.memory_space<hbm>> -> memref<96xf32, #tpu.memory_space<hbm>>
        %dma_start3A_25 = arith.constant 0 : i32
        %dma_start3A_26 = tpu.memref_slice %arg4[%add3A, %scan3A_6, %dma_start3A_25] : memref<32x64x96xf32, #tpu.memory_space<hbm>> -> memref<1x1x96xf32, #tpu.memory_space<hbm>>
        %dma_start3A_27 = tpu.memref_squeeze %dma_start3A_26 : memref<1x1x96xf32, #tpu.memory_space<hbm>> -> memref<96xf32, #tpu.memory_space<hbm>>
        tpu.enqueue_dma source(%dma_start3A_27 : memref<96xf32, #tpu.memory_space<hbm>>) target(%arg7 : memref<96xf32, #tpu.memory_space<vmem>>) target_semaphore(%run_scoped3A : memref<!tpu.dma_semaphore, #tpu.memory_space<semaphore_mem>>)
        %dma_wait3A_28 = arith.constant 0 : i32
        %dma_wait3A_29 = tpu.memref_slice %arg4[%add3A, %scan3A_6, %dma_wait3A_28] : memref<32x64x96xf32, #tpu.memory_space<hbm>> -> memref<1x1x96xf32, #tpu.memory_space<hbm>>
        %dma_wait3A_30 = tpu.memref_squeeze %dma_wait3A_29 : memref<1x1x96xf32, #tpu.memory_space<hbm>> -> memref<96xf32, #tpu.memory_space<hbm>>
        %dma_wait3A_31 = arith.constant 0 : i32
        %dma_wait3A_32 = tpu.memref_slice %arg4[%add3A, %scan3A_6, %dma_wait3A_31] : memref<32x64x96xf32, #tpu.memory_space<hbm>> -> memref<1x1x96xf32, #tpu.memory_space<hbm>>
        %dma_wait3A_33 = tpu.memref_squeeze %dma_wait3A_32 : memref<1x1x96xf32, #tpu.memory_space<hbm>> -> memref<96xf32, #tpu.memory_space<hbm>>
        tpu.wait_dma2 semaphore(%run_scoped3A : memref<!tpu.dma_semaphore, #tpu.memory_space<semaphore_mem>>) src(%dma_wait3A_33 : memref<96xf32, #tpu.memory_space<hbm>>) dst(%arg7 : memref<96xf32, #tpu.memory_space<vmem>>)
        tpu.yield
      }) : () -> ()
      %dma_start3A = arith.constant 0 : i32
      %dma_start3A_7 = arith.constant 0 : i32
      %dma_start3A_8 = tpu.memref_slice %arg2[%dma_start3A, %dma_start3A_7] : memref<16384x256xf32, #tpu.memory_space<hbm>> -> memref<16384x256xf32, #tpu.memory_space<hbm>>
      tpu.enqueue_indirect_dma source(%dma_start3A_8 : memref<16384x256xf32, #tpu.memory_space<hbm>>) target(%arg8 : memref<96x256xf32, #tpu.memory_space<vmem>>) offsets(%arg6 : memref<96xi32, #tpu.memory_space<vmem>>) semaphore(%arg10 : memref<!tpu.dma_semaphore, #tpu.memory_space<semaphore_mem>>)
      %dma_wait3A = arith.constant 0 : i32
      %dma_wait3A_9 = arith.constant 0 : i32
      %dma_wait3A_10 = tpu.memref_slice %arg2[%dma_wait3A, %dma_wait3A_9] : memref<16384x256xf32, #tpu.memory_space<hbm>> -> memref<16384x256xf32, #tpu.memory_space<hbm>>
      tpu.wait_indirect_dma semaphore(%arg10 : memref<!tpu.dma_semaphore, #tpu.memory_space<semaphore_mem>>) src(%dma_wait3A_10 : memref<16384x256xf32, #tpu.memory_space<hbm>>) dst(%arg8 : memref<96x256xf32, #tpu.memory_space<vmem>>)
      %scan3A_11 = arith.constant 0 : i32
      %scan3A_12 = arith.constant 0 : i32
      %scan3A_13 = arith.constant 32 : i32
      %scan3A_14 = arith.addi %scan3A_12, %scan3A_13 : i32
      %scan3A_15 = arith.constant 4 : i32
      scf.for %scan3A_22 = %scan3A_12 to %scan3A_14 step %scan3A_15  : i32 {
        %mul3A_23 = arith.constant 3 : i32
        %mul3A_24 = arith.muli %mul3A_23, %scan3A_22 : i32
        %broadcast_in_dim3A = vector.broadcast %mul3A_24 : i32 to vector<16xi32>
        %gather3A = tpu.vector_load_idx %arg7[%broadcast_in_dim3A] : memref<96xf32, #tpu.memory_space<vmem>>[vector<16xi32>], vector<16xf32>,
        %mul3A_25 = arith.constant 3 : i32
        %mul3A_26 = arith.muli %mul3A_25, %scan3A_22 : i32
        %add3A_27 = arith.constant 1 : i32
        %add3A_28 = arith.addi %mul3A_26, %add3A_27 : i32
        %broadcast_in_dim3A_29 = vector.broadcast %add3A_28 : i32 to vector<16xi32>
        %gather3A_30 = tpu.vector_load_idx %arg7[%broadcast_in_dim3A_29] : memref<96xf32, #tpu.memory_space<vmem>>[vector<16xi32>], vector<16xf32>,
        %mul3A_31 = arith.constant 3 : i32
        %mul3A_32 = arith.muli %mul3A_31, %scan3A_22 : i32
        %add3A_33 = arith.constant 2 : i32
        %add3A_34 = arith.addi %mul3A_32, %add3A_33 : i32
        %broadcast_in_dim3A_35 = vector.broadcast %add3A_34 : i32 to vector<16xi32>
        %gather3A_36 = tpu.vector_load_idx %arg7[%broadcast_in_dim3A_35] : memref<96xf32, #tpu.memory_space<vmem>>[vector<16xi32>], vector<16xf32>,
        %mul3A_37 = arith.constant 3 : i32
        %mul3A_38 = arith.muli %mul3A_37, %scan3A_22 : i32
        %get3A = arith.index_cast %mul3A_38 : i32 to index
        %get3A_39 = arith.constant 0 : index
        %get3A_40 = tpu.vector_load %arg8[%get3A, %get3A_39] {strides = array<i32>} : memref<96x256xf32, #tpu.memory_space<vmem>>, vector<16xf32>,
        %mul3A_41 = arith.mulf %gather3A, %get3A_40 : vector<16xf32>
        %mul3A_42 = arith.constant 3 : i32
        %mul3A_43 = arith.muli %mul3A_42, %scan3A_22 : i32
        %add3A_44 = arith.constant 1 : i32
        %add3A_45 = arith.addi %mul3A_43, %add3A_44 : i32
        %get3A_46 = arith.index_cast %add3A_45 : i32 to index
        %get3A_47 = arith.constant 0 : index
        %get3A_48 = tpu.vector_load %arg8[%get3A_46, %get3A_47] {strides = array<i32>} : memref<96x256xf32, #tpu.memory_space<vmem>>, vector<16xf32>,
        %mul3A_49 = arith.mulf %gather3A_30, %get3A_48 : vector<16xf32>
        %add3A_50 = arith.addf %mul3A_41, %mul3A_49 : vector<16xf32>
        %mul3A_51 = arith.constant 3 : i32
        %mul3A_52 = arith.muli %mul3A_51, %scan3A_22 : i32
        %add3A_53 = arith.constant 2 : i32
        %add3A_54 = arith.addi %mul3A_52, %add3A_53 : i32
        %get3A_55 = arith.index_cast %add3A_54 : i32 to index
        %get3A_56 = arith.constant 0 : index
        %get3A_57 = tpu.vector_load %arg8[%get3A_55, %get3A_56] {strides = array<i32>} : memref<96x256xf32, #tpu.memory_space<vmem>>, vector<16xf32>,
        %mul3A_58 = arith.mulf %gather3A_36, %get3A_57 : vector<16xf32>
        %add3A_59 = arith.addf %add3A_50, %mul3A_58 : vector<16xf32>
        %swap3A = arith.index_cast %scan3A_22 : i32 to index
        %swap3A_60 = arith.constant 0 : index
        %swap3A_61 = tpu.vector_load %arg9[%swap3A, %swap3A_60] {strides = array<i32>} : memref<32x256xf32, #tpu.memory_space<vmem>>, vector<16xf32>,
        tpu.vector_store %arg9[%swap3A, %swap3A_60], %add3A_59 {strides = array<i32>} : memref<32x256xf32, #tpu.memory_space<vmem>>, vector<16xf32>,
        %mul3A_62 = arith.constant 3 : i32
        %mul3A_63 = arith.muli %mul3A_62, %scan3A_22 : i32
        %get3A_64 = arith.index_cast %mul3A_63 : i32 to index
        %get3A_65 = arith.constant 16 : index
        %get3A_66 = tpu.vector_load %arg8[%get3A_64, %get3A_65] {strides = array<i32>} : memref<96x256xf32, #tpu.memory_space<vmem>>, vector<16xf32>,
        %mul3A_67 = arith.mulf %gather3A, %get3A_66 : vector<16xf32>
        %mul3A_68 = arith.constant 3 : i32
        %mul3A_69 = arith.muli %mul3A_68, %scan3A_22 : i32
        %add3A_70 = arith.constant 1 : i32
        %add3A_71 = arith.addi %mul3A_69, %add3A_70 : i32
        %get3A_72 = arith.index_cast %add3A_71 : i32 to index
        %get3A_73 = arith.constant 16 : index
        %get3A_74 = tpu.vector_load %arg8[%get3A_72, %get3A_73] {strides = array<i32>} : memref<96x256xf32, #tpu.memory_space<vmem>>, vector<16xf32>,
        %mul3A_75 = arith.mulf %gather3A_30, %get3A_74 : vector<16xf32>
        %add3A_76 = arith.addf %mul3A_67, %mul3A_75 : vector<16xf32>
        %mul3A_77 = arith.constant 3 : i32
        %mul3A_78 = arith.muli %mul3A_77, %scan3A_22 : i32
        %add3A_79 = arith.constant 2 : i32
        %add3A_80 = arith.addi %mul3A_78, %add3A_79 : i32
        %get3A_81 = arith.index_cast %add3A_80 : i32 to index
        %get3A_82 = arith.constant 16 : index
        %get3A_83 = tpu.vector_load %arg8[%get3A_81, %get3A_82] {strides = array<i32>} : memref<96x256xf32, #tpu.memory_space<vmem>>, vector<16xf32>,
        %mul3A_84 = arith.mulf %gather3A_36, %get3A_83 : vector<16xf32>
        %add3A_85 = arith.addf %add3A_76, %mul3A_84 : vector<16xf32>
        %swap3A_86 = arith.index_cast %scan3A_22 : i32 to index
        %swap3A_87 = arith.constant 16 : index
        %swap3A_88 = tpu.vector_load %arg9[%swap3A_86, %swap3A_87] {strides = array<i32>} : memref<32x256xf32, #tpu.memory_space<vmem>>, vector<16xf32>,
        tpu.vector_store %arg9[%swap3A_86, %swap3A_87], %add3A_85 {strides = array<i32>} : memref<32x256xf32, #tpu.memory_space<vmem>>, vector<16xf32>,
        %mul3A_89 = arith.constant 3 : i32
        %mul3A_90 = arith.muli %mul3A_89, %scan3A_22 : i32
        %get3A_91 = arith.index_cast %mul3A_90 : i32 to index
        %get3A_92 = arith.constant 32 : index
        %get3A_93 = tpu.vector_load %arg8[%get3A_91, %get3A_92] {strides = array<i32>} : memref<96x256xf32, #tpu.memory_space<vmem>>, vector<16xf32>,
        %mul3A_94 = arith.mulf %gather3A, %get3A_93 : vector<16xf32>
        %mul3A_95 = arith.constant 3 : i32
        %mul3A_96 = arith.muli %mul3A_95, %scan3A_22 : i32
        %add3A_97 = arith.constant 1 : i32
        %add3A_98 = arith.addi %mul3A_96, %add3A_97 : i32
        %get3A_99 = arith.index_cast %add3A_98 : i32 to index
        %get3A_100 = arith.constant 32 : index
        %get3A_101 = tpu.vector_load %arg8[%get3A_99, %get3A_100] {strides = array<i32>} : memref<96x256xf32, #tpu.memory_space<vmem>>, vector<16xf32>,
        %mul3A_102 = arith.mulf %gather3A_30, %get3A_101 : vector<16xf32>
        %add3A_103 = arith.addf %mul3A_94, %mul3A_102 : vector<16xf32>
        %mul3A_104 = arith.constant 3 : i32
        %mul3A_105 = arith.muli %mul3A_104, %scan3A_22 : i32
        %add3A_106 = arith.constant 2 : i32
        %add3A_107 = arith.addi %mul3A_105, %add3A_106 : i32
        %get3A_108 = arith.index_cast %add3A_107 : i32 to index
        %get3A_109 = arith.constant 32 : index
        %get3A_110 = tpu.vector_load %arg8[%get3A_108, %get3A_109] {strides = array<i32>} : memref<96x256xf32, #tpu.memory_space<vmem>>, vector<16xf32>,
        %mul3A_111 = arith.mulf %gather3A_36, %get3A_110 : vector<16xf32>
        %add3A_112 = arith.addf %add3A_103, %mul3A_111 : vector<16xf32>
        %swap3A_113 = arith.index_cast %scan3A_22 : i32 to index
        %swap3A_114 = arith.constant 32 : index
        %swap3A_115 = tpu.vector_load %arg9[%swap3A_113, %swap3A_114] {strides = array<i32>} : memref<32x256xf32, #tpu.memory_space<vmem>>, vector<16xf32>,
        tpu.vector_store %arg9[%swap3A_113, %swap3A_114], %add3A_112 {strides = array<i32>} : memref<32x256xf32, #tpu.memory_space<vmem>>, vector<16xf32>,
        %mul3A_116 = arith.constant 3 : i32
        %mul3A_117 = arith.muli %mul3A_116, %scan3A_22 : i32
        %get3A_118 = arith.index_cast %mul3A_117 : i32 to index
        %get3A_119 = arith.constant 48 : index
        %get3A_120 = tpu.vector_load %arg8[%get3A_118, %get3A_119] {strides = array<i32>} : memref<96x256xf32, #tpu.memory_space<vmem>>, vector<16xf32>,
        %mul3A_121 = arith.mulf %gather3A, %get3A_120 : vector<16xf32>
        %mul3A_122 = arith.constant 3 : i32
        %mul3A_123 = arith.muli %mul3A_122, %scan3A_22 : i32
        %add3A_124 = arith.constant 1 : i32
        %add3A_125 = arith.addi %mul3A_123, %add3A_124 : i32
        %get3A_126 = arith.index_cast %add3A_125 : i32 to index
        %get3A_127 = arith.constant 48 : index
        %get3A_128 = tpu.vector_load %arg8[%get3A_126, %get3A_127] {strides = array<i32>} : memref<96x256xf32, #tpu.memory_space<vmem>>, vector<16xf32>,
        %mul3A_129 = arith.mulf %gather3A_30, %get3A_128 : vector<16xf32>
        %add3A_130 = arith.addf %mul3A_121, %mul3A_129 : vector<16xf32>
        %mul3A_131 = arith.constant 3 : i32
        %mul3A_132 = arith.muli %mul3A_131, %scan3A_22 : i32
        %add3A_133 = arith.constant 2 : i32
        %add3A_134 = arith.addi %mul3A_132, %add3A_133 : i32
        %get3A_135 = arith.index_cast %add3A_134 : i32 to index
        %get3A_136 = arith.constant 48 : index
        %get3A_137 = tpu.vector_load %arg8[%get3A_135, %get3A_136] {strides = array<i32>} : memref<96x256xf32, #tpu.memory_space<vmem>>, vector<16xf32>,
        %mul3A_138 = arith.mulf %gather3A_36, %get3A_137 : vector<16xf32>
        %add3A_139 = arith.addf %add3A_130, %mul3A_138 : vector<16xf32>
        %swap3A_140 = arith.index_cast %scan3A_22 : i32 to index
        %swap3A_141 = arith.constant 48 : index
        %swap3A_142 = tpu.vector_load %arg9[%swap3A_140, %swap3A_141] {strides = array<i32>} : memref<32x256xf32, #tpu.memory_space<vmem>>, vector<16xf32>,
        tpu.vector_store %arg9[%swap3A_140, %swap3A_141], %add3A_139 {strides = array<i32>} : memref<32x256xf32, #tpu.memory_space<vmem>>, vector<16xf32>,
        %mul3A_143 = arith.constant 3 : i32
        %mul3A_144 = arith.muli %mul3A_143, %scan3A_22 : i32
        %get3A_145 = arith.index_cast %mul3A_144 : i32 to index
        %get3A_146 = arith.constant 64 : index
        %get3A_147 = tpu.vector_load %arg8[%get3A_145, %get3A_146] {strides = array<i32>} : memref<96x256xf32, #tpu.memory_space<vmem>>, vector<16xf32>,
        %mul3A_148 = arith.mulf %gather3A, %get3A_147 : vector<16xf32>
        %mul3A_149 = arith.constant 3 : i32
        %mul3A_150 = arith.muli %mul3A_149, %scan3A_22 : i32
        %add3A_151 = arith.constant 1 : i32
        %add3A_152 = arith.addi %mul3A_150, %add3A_151 : i32
        %get3A_153 = arith.index_cast %add3A_152 : i32 to index
        %get3A_154 = arith.constant 64 : index
        %get3A_155 = tpu.vector_load %arg8[%get3A_153, %get3A_154] {strides = array<i32>} : memref<96x256xf32, #tpu.memory_space<vmem>>, vector<16xf32>,
        %mul3A_156 = arith.mulf %gather3A_30, %get3A_155 : vector<16xf32>
        %add3A_157 = arith.addf %mul3A_148, %mul3A_156 : vector<16xf32>
        %mul3A_158 = arith.constant 3 : i32
        %mul3A_159 = arith.muli %mul3A_158, %scan3A_22 : i32
        %add3A_160 = arith.constant 2 : i32
        %add3A_161 = arith.addi %mul3A_159, %add3A_160 : i32
        %get3A_162 = arith.index_cast %add3A_161 : i32 to index
        %get3A_163 = arith.constant 64 : index
        %get3A_164 = tpu.vector_load %arg8[%get3A_162, %get3A_163] {strides = array<i32>} : memref<96x256xf32, #tpu.memory_space<vmem>>, vector<16xf32>,
        %mul3A_165 = arith.mulf %gather3A_36, %get3A_164 : vector<16xf32>
        %add3A_166 = arith.addf %add3A_157, %mul3A_165 : vector<16xf32>
        %swap3A_167 = arith.index_cast %scan3A_22 : i32 to index
        %swap3A_168 = arith.constant 64 : index
        %swap3A_169 = tpu.vector_load %arg9[%swap3A_167, %swap3A_168] {strides = array<i32>} : memref<32x256xf32, #tpu.memory_space<vmem>>, vector<16xf32>,
        tpu.vector_store %arg9[%swap3A_167, %swap3A_168], %add3A_166 {strides = array<i32>} : memref<32x256xf32, #tpu.memory_space<vmem>>, vector<16xf32>,
        %mul3A_170 = arith.constant 3 : i32
        %mul3A_171 = arith.muli %mul3A_170, %scan3A_22 : i32
        %get3A_172 = arith.index_cast %mul3A_171 : i32 to index
        %get3A_173 = arith.constant 80 : index
        %get3A_174 = tpu.vector_load %arg8[%get3A_172, %get3A_173] {strides = array<i32>} : memref<96x256xf32, #tpu.memory_space<vmem>>, vector<16xf32>,
        %mul3A_175 = arith.mulf %gather3A, %get3A_174 : vector<16xf32>
        %mul3A_176 = arith.constant 3 : i32
        %mul3A_177 = arith.muli %mul3A_176, %scan3A_22 : i32
        %add3A_178 = arith.constant 1 : i32
        %add3A_179 = arith.addi %mul3A_177, %add3A_178 : i32
        %get3A_180 = arith.index_cast %add3A_179 : i32 to index
        %get3A_181 = arith.constant 80 : index
        %get3A_182 = tpu.vector_load %arg8[%get3A_180, %get3A_181] {strides = array<i32>} : memref<96x256xf32, #tpu.memory_space<vmem>>, vector<16xf32>,
        %mul3A_183 = arith.mulf %gather3A_30, %get3A_182 : vector<16xf32>
        %add3A_184 = arith.addf %mul3A_175, %mul3A_183 : vector<16xf32>
        %mul3A_185 = arith.constant 3 : i32
        %mul3A_186 = arith.muli %mul3A_185, %scan3A_22 : i32
        %add3A_187 = arith.constant 2 : i32
        %add3A_188 = arith.addi %mul3A_186, %add3A_187 : i32
        %get3A_189 = arith.index_cast %add3A_188 : i32 to index
        %get3A_190 = arith.constant 80 : index
        %get3A_191 = tpu.vector_load %arg8[%get3A_189, %get3A_190] {strides = array<i32>} : memref<96x256xf32, #tpu.memory_space<vmem>>, vector<16xf32>,
        %mul3A_192 = arith.mulf %gather3A_36, %get3A_191 : vector<16xf32>
        %add3A_193 = arith.addf %add3A_184, %mul3A_192 : vector<16xf32>
        %swap3A_194 = arith.index_cast %scan3A_22 : i32 to index
        %swap3A_195 = arith.constant 80 : index
        %swap3A_196 = tpu.vector_load %arg9[%swap3A_194, %swap3A_195] {strides = array<i32>} : memref<32x256xf32, #tpu.memory_space<vmem>>, vector<16xf32>,
        tpu.vector_store %arg9[%swap3A_194, %swap3A_195], %add3A_193 {strides = array<i32>} : memref<32x256xf32, #tpu.memory_space<vmem>>, vector<16xf32>,
        %mul3A_197 = arith.constant 3 : i32
        %mul3A_198 = arith.muli %mul3A_197, %scan3A_22 : i32
        %get3A_199 = arith.index_cast %mul3A_198 : i32 to index
        %get3A_200 = arith.constant 96 : index
        %get3A_201 = tpu.vector_load %arg8[%get3A_199, %get3A_200] {strides = array<i32>} : memref<96x256xf32, #tpu.memory_space<vmem>>, vector<16xf32>,
        %mul3A_202 = arith.mulf %gather3A, %get3A_201 : vector<16xf32>
        %mul3A_203 = arith.constant 3 : i32
        %mul3A_204 = arith.muli %mul3A_203, %scan3A_22 : i32
        %add3A_205 = arith.constant 1 : i32
        %add3A_206 = arith.addi %mul3A_204, %add3A_205 : i32
        %get3A_207 = arith.index_cast %add3A_206 : i32 to index
        %get3A_208 = arith.constant 96 : index
        %get3A_209 = tpu.vector_load %arg8[%get3A_207, %get3A_208] {strides = array<i32>} : memref<96x256xf32, #tpu.memory_space<vmem>>, vector<16xf32>,
        %mul3A_210 = arith.mulf %gather3A_30, %get3A_209 : vector<16xf32>
        %add3A_211 = arith.addf %mul3A_202, %mul3A_210 : vector<16xf32>
        %mul3A_212 = arith.constant 3 : i32
        %mul3A_213 = arith.muli %mul3A_212, %scan3A_22 : i32
        %add3A_214 = arith.constant 2 : i32
        %add3A_215 = arith.addi %mul3A_213, %add3A_214 : i32
        %get3A_216 = arith.index_cast %add3A_215 : i32 to index
        %get3A_217 = arith.constant 96 : index
        %get3A_218 = tpu.vector_load %arg8[%get3A_216, %get3A_217] {strides = array<i32>} : memref<96x256xf32, #tpu.memory_space<vmem>>, vector<16xf32>,
        %mul3A_219 = arith.mulf %gather3A_36, %get3A_218 : vector<16xf32>
        %add3A_220 = arith.addf %add3A_211, %mul3A_219 : vector<16xf32>
        %swap3A_221 = arith.index_cast %scan3A_22 : i32 to index
        %swap3A_222 = arith.constant 96 : index
        %swap3A_223 = tpu.vector_load %arg9[%swap3A_221, %swap3A_222] {strides = array<i32>} : memref<32x256xf32, #tpu.memory_space<vmem>>, vector<16xf32>,
        tpu.vector_store %arg9[%swap3A_221, %swap3A_222], %add3A_220 {strides = array<i32>} : memref<32x256xf32, #tpu.memory_space<vmem>>, vector<16xf32>,
        %mul3A_224 = arith.constant 3 : i32
        %mul3A_225 = arith.muli %mul3A_224, %scan3A_22 : i32
        %get3A_226 = arith.index_cast %mul3A_225 : i32 to index
        %get3A_227 = arith.constant 112 : index
        %get3A_228 = tpu.vector_load %arg8[%get3A_226, %get3A_227] {strides = array<i32>} : memref<96x256xf32, #tpu.memory_space<vmem>>, vector<16xf32>,
        %mul3A_229 = arith.mulf %gather3A, %get3A_228 : vector<16xf32>
        %mul3A_230 = arith.constant 3 : i32
        %mul3A_231 = arith.muli %mul3A_230, %scan3A_22 : i32
        %add3A_232 = arith.constant 1 : i32
        %add3A_233 = arith.addi %mul3A_231, %add3A_232 : i32
        %get3A_234 = arith.index_cast %add3A_233 : i32 to index
        %get3A_235 = arith.constant 112 : index
        %get3A_236 = tpu.vector_load %arg8[%get3A_234, %get3A_235] {strides = array<i32>} : memref<96x256xf32, #tpu.memory_space<vmem>>, vector<16xf32>,
        %mul3A_237 = arith.mulf %gather3A_30, %get3A_236 : vector<16xf32>
        %add3A_238 = arith.addf %mul3A_229, %mul3A_237 : vector<16xf32>
        %mul3A_239 = arith.constant 3 : i32
        %mul3A_240 = arith.muli %mul3A_239, %scan3A_22 : i32
        %add3A_241 = arith.constant 2 : i32
        %add3A_242 = arith.addi %mul3A_240, %add3A_241 : i32
        %get3A_243 = arith.index_cast %add3A_242 : i32 to index
        %get3A_244 = arith.constant 112 : index
        %get3A_245 = tpu.vector_load %arg8[%get3A_243, %get3A_244] {strides = array<i32>} : memref<96x256xf32, #tpu.memory_space<vmem>>, vector<16xf32>,
        %mul3A_246 = arith.mulf %gather3A_36, %get3A_245 : vector<16xf32>
        %add3A_247 = arith.addf %add3A_238, %mul3A_246 : vector<16xf32>
        %swap3A_248 = arith.index_cast %scan3A_22 : i32 to index
        %swap3A_249 = arith.constant 112 : index
        %swap3A_250 = tpu.vector_load %arg9[%swap3A_248, %swap3A_249] {strides = array<i32>} : memref<32x256xf32, #tpu.memory_space<vmem>>, vector<16xf32>,
        tpu.vector_store %arg9[%swap3A_248, %swap3A_249], %add3A_247 {strides = array<i32>} : memref<32x256xf32, #tpu.memory_space<vmem>>, vector<16xf32>,
        %mul3A_251 = arith.constant 3 : i32
        %mul3A_252 = arith.muli %mul3A_251, %scan3A_22 : i32
        %get3A_253 = arith.index_cast %mul3A_252 : i32 to index
        %get3A_254 = arith.constant 128 : index
        %get3A_255 = tpu.vector_load %arg8[%get3A_253, %get3A_254] {strides = array<i32>} : memref<96x256xf32, #tpu.memory_space<vmem>>, vector<16xf32>,
        %mul3A_256 = arith.mulf %gather3A, %get3A_255 : vector<16xf32>
        %mul3A_257 = arith.constant 3 : i32
        %mul3A_258 = arith.muli %mul3A_257, %scan3A_22 : i32
        %add3A_259 = arith.constant 1 : i32
        %add3A_260 = arith.addi %mul3A_258, %add3A_259 : i32
        %get3A_261 = arith.index_cast %add3A_260 : i32 to index
        %get3A_262 = arith.constant 128 : index
        %get3A_263 = tpu.vector_load %arg8[%get3A_261, %get3A_262] {strides = array<i32>} : memref<96x256xf32, #tpu.memory_space<vmem>>, vector<16xf32>,
        %mul3A_264 = arith.mulf %gather3A_30, %get3A_263 : vector<16xf32>
        %add3A_265 = arith.addf %mul3A_256, %mul3A_264 : vector<16xf32>
        %mul3A_266 = arith.constant 3 : i32
        %mul3A_267 = arith.muli %mul3A_266, %scan3A_22 : i32
        %add3A_268 = arith.constant 2 : i32
        %add3A_269 = arith.addi %mul3A_267, %add3A_268 : i32
        %get3A_270 = arith.index_cast %add3A_269 : i32 to index
        %get3A_271 = arith.constant 128 : index
        %get3A_272 = tpu.vector_load %arg8[%get3A_270, %get3A_271] {strides = array<i32>} : memref<96x256xf32, #tpu.memory_space<vmem>>, vector<16xf32>,
        %mul3A_273 = arith.mulf %gather3A_36, %get3A_272 : vector<16xf32>
        %add3A_274 = arith.addf %add3A_265, %mul3A_273 : vector<16xf32>
        %swap3A_275 = arith.index_cast %scan3A_22 : i32 to index
        %swap3A_276 = arith.constant 128 : index
        %swap3A_277 = tpu.vector_load %arg9[%swap3A_275, %swap3A_276] {strides = array<i32>} : memref<32x256xf32, #tpu.memory_space<vmem>>, vector<16xf32>,
        tpu.vector_store %arg9[%swap3A_275, %swap3A_276], %add3A_274 {strides = array<i32>} : memref<32x256xf32, #tpu.memory_space<vmem>>, vector<16xf32>,
        %mul3A_278 = arith.constant 3 : i32
        %mul3A_279 = arith.muli %mul3A_278, %scan3A_22 : i32
        %get3A_280 = arith.index_cast %mul3A_279 : i32 to index
        %get3A_281 = arith.constant 144 : index
        %get3A_282 = tpu.vector_load %arg8[%get3A_280, %get3A_281] {strides = array<i32>} : memref<96x256xf32, #tpu.memory_space<vmem>>, vector<16xf32>,
        %mul3A_283 = arith.mulf %gather3A, %get3A_282 : vector<16xf32>
        %mul3A_284 = arith.constant 3 : i32
        %mul3A_285 = arith.muli %mul3A_284, %scan3A_22 : i32
        %add3A_286 = arith.constant 1 : i32
        %add3A_287 = arith.addi %mul3A_285, %add3A_286 : i32
        %get3A_288 = arith.index_cast %add3A_287 : i32 to index
        %get3A_289 = arith.constant 144 : index
        %get3A_290 = tpu.vector_load %arg8[%get3A_288, %get3A_289] {strides = array<i32>} : memref<96x256xf32, #tpu.memory_space<vmem>>, vector<16xf32>,
        %mul3A_291 = arith.mulf %gather3A_30, %get3A_290 : vector<16xf32>
        %add3A_292 = arith.addf %mul3A_283, %mul3A_291 : vector<16xf32>
        %mul3A_293 = arith.constant 3 : i32
        %mul3A_294 = arith.muli %mul3A_293, %scan3A_22 : i32
        %add3A_295 = arith.constant 2 : i32
        %add3A_296 = arith.addi %mul3A_294, %add3A_295 : i32
        %get3A_297 = arith.index_cast %add3A_296 : i32 to index
        %get3A_298 = arith.constant 144 : index
        %get3A_299 = tpu.vector_load %arg8[%get3A_297, %get3A_298] {strides = array<i32>} : memref<96x256xf32, #tpu.memory_space<vmem>>, vector<16xf32>,
        %mul3A_300 = arith.mulf %gather3A_36, %get3A_299 : vector<16xf32>
        %add3A_301 = arith.addf %add3A_292, %mul3A_300 : vector<16xf32>
        %swap3A_302 = arith.index_cast %scan3A_22 : i32 to index
        %swap3A_303 = arith.constant 144 : index
        %swap3A_304 = tpu.vector_load %arg9[%swap3A_302, %swap3A_303] {strides = array<i32>} : memref<32x256xf32, #tpu.memory_space<vmem>>, vector<16xf32>,
        tpu.vector_store %arg9[%swap3A_302, %swap3A_303], %add3A_301 {strides = array<i32>} : memref<32x256xf32, #tpu.memory_space<vmem>>, vector<16xf32>,
        %mul3A_305 = arith.constant 3 : i32
        %mul3A_306 = arith.muli %mul3A_305, %scan3A_22 : i32
        %get3A_307 = arith.index_cast %mul3A_306 : i32 to index
        %get3A_308 = arith.constant 160 : index
        %get3A_309 = tpu.vector_load %arg8[%get3A_307, %get3A_308] {strides = array<i32>} : memref<96x256xf32, #tpu.memory_space<vmem>>, vector<16xf32>,
        %mul3A_310 = arith.mulf %gather3A, %get3A_309 : vector<16xf32>
        %mul3A_311 = arith.constant 3 : i32
        %mul3A_312 = arith.muli %mul3A_311, %scan3A_22 : i32
        %add3A_313 = arith.constant 1 : i32
        %add3A_314 = arith.addi %mul3A_312, %add3A_313 : i32
        %get3A_315 = arith.index_cast %add3A_314 : i32 to index
        %get3A_316 = arith.constant 160 : index
        %get3A_317 = tpu.vector_load %arg8[%get3A_315, %get3A_316] {strides = array<i32>} : memref<96x256xf32, #tpu.memory_space<vmem>>, vector<16xf32>,
        %mul3A_318 = arith.mulf %gather3A_30, %get3A_317 : vector<16xf32>
        %add3A_319 = arith.addf %mul3A_310, %mul3A_318 : vector<16xf32>
        %mul3A_320 = arith.constant 3 : i32
        %mul3A_321 = arith.muli %mul3A_320, %scan3A_22 : i32
        %add3A_322 = arith.constant 2 : i32
        %add3A_323 = arith.addi %mul3A_321, %add3A_322 : i32
        %get3A_324 = arith.index_cast %add3A_323 : i32 to index
        %get3A_325 = arith.constant 160 : index
        %get3A_326 = tpu.vector_load %arg8[%get3A_324, %get3A_325] {strides = array<i32>} : memref<96x256xf32, #tpu.memory_space<vmem>>, vector<16xf32>,
        %mul3A_327 = arith.mulf %gather3A_36, %get3A_326 : vector<16xf32>
        %add3A_328 = arith.addf %add3A_319, %mul3A_327 : vector<16xf32>
        %swap3A_329 = arith.index_cast %scan3A_22 : i32 to index
        %swap3A_330 = arith.constant 160 : index
        %swap3A_331 = tpu.vector_load %arg9[%swap3A_329, %swap3A_330] {strides = array<i32>} : memref<32x256xf32, #tpu.memory_space<vmem>>, vector<16xf32>,
        tpu.vector_store %arg9[%swap3A_329, %swap3A_330], %add3A_328 {strides = array<i32>} : memref<32x256xf32, #tpu.memory_space<vmem>>, vector<16xf32>,
        %mul3A_332 = arith.constant 3 : i32
        %mul3A_333 = arith.muli %mul3A_332, %scan3A_22 : i32
        %get3A_334 = arith.index_cast %mul3A_333 : i32 to index
        %get3A_335 = arith.constant 176 : index
        %get3A_336 = tpu.vector_load %arg8[%get3A_334, %get3A_335] {strides = array<i32>} : memref<96x256xf32, #tpu.memory_space<vmem>>, vector<16xf32>,
        %mul3A_337 = arith.mulf %gather3A, %get3A_336 : vector<16xf32>
        %mul3A_338 = arith.constant 3 : i32
        %mul3A_339 = arith.muli %mul3A_338, %scan3A_22 : i32
        %add3A_340 = arith.constant 1 : i32
        %add3A_341 = arith.addi %mul3A_339, %add3A_340 : i32
        %get3A_342 = arith.index_cast %add3A_341 : i32 to index
        %get3A_343 = arith.constant 176 : index
        %get3A_344 = tpu.vector_load %arg8[%get3A_342, %get3A_343] {strides = array<i32>} : memref<96x256xf32, #tpu.memory_space<vmem>>, vector<16xf32>,
        %mul3A_345 = arith.mulf %gather3A_30, %get3A_344 : vector<16xf32>
        %add3A_346 = arith.addf %mul3A_337, %mul3A_345 : vector<16xf32>
        %mul3A_347 = arith.constant 3 : i32
        %mul3A_348 = arith.muli %mul3A_347, %scan3A_22 : i32
        %add3A_349 = arith.constant 2 : i32
        %add3A_350 = arith.addi %mul3A_348, %add3A_349 : i32
        %get3A_351 = arith.index_cast %add3A_350 : i32 to index
        %get3A_352 = arith.constant 176 : index
        %get3A_353 = tpu.vector_load %arg8[%get3A_351, %get3A_352] {strides = array<i32>} : memref<96x256xf32, #tpu.memory_space<vmem>>, vector<16xf32>,
        %mul3A_354 = arith.mulf %gather3A_36, %get3A_353 : vector<16xf32>
        %add3A_355 = arith.addf %add3A_346, %mul3A_354 : vector<16xf32>
        %swap3A_356 = arith.index_cast %scan3A_22 : i32 to index
        %swap3A_357 = arith.constant 176 : index
        %swap3A_358 = tpu.vector_load %arg9[%swap3A_356, %swap3A_357] {strides = array<i32>} : memref<32x256xf32, #tpu.memory_space<vmem>>, vector<16xf32>,
        tpu.vector_store %arg9[%swap3A_356, %swap3A_357], %add3A_355 {strides = array<i32>} : memref<32x256xf32, #tpu.memory_space<vmem>>, vector<16xf32>,
        %mul3A_359 = arith.constant 3 : i32
        %mul3A_360 = arith.muli %mul3A_359, %scan3A_22 : i32
        %get3A_361 = arith.index_cast %mul3A_360 : i32 to index
        %get3A_362 = arith.constant 192 : index
        %get3A_363 = tpu.vector_load %arg8[%get3A_361, %get3A_362] {strides = array<i32>} : memref<96x256xf32, #tpu.memory_space<vmem>>, vector<16xf32>,
        %mul3A_364 = arith.mulf %gather3A, %get3A_363 : vector<16xf32>
        %mul3A_365 = arith.constant 3 : i32
        %mul3A_366 = arith.muli %mul3A_365, %scan3A_22 : i32
        %add3A_367 = arith.constant 1 : i32
        %add3A_368 = arith.addi %mul3A_366, %add3A_367 : i32
        %get3A_369 = arith.index_cast %add3A_368 : i32 to index
        %get3A_370 = arith.constant 192 : index
        %get3A_371 = tpu.vector_load %arg8[%get3A_369, %get3A_370] {strides = array<i32>} : memref<96x256xf32, #tpu.memory_space<vmem>>, vector<16xf32>,
        %mul3A_372 = arith.mulf %gather3A_30, %get3A_371 : vector<16xf32>
        %add3A_373 = arith.addf %mul3A_364, %mul3A_372 : vector<16xf32>
        %mul3A_374 = arith.constant 3 : i32
        %mul3A_375 = arith.muli %mul3A_374, %scan3A_22 : i32
        %add3A_376 = arith.constant 2 : i32
        %add3A_377 = arith.addi %mul3A_375, %add3A_376 : i32
        %get3A_378 = arith.index_cast %add3A_377 : i32 to index
        %get3A_379 = arith.constant 192 : index
        %get3A_380 = tpu.vector_load %arg8[%get3A_378, %get3A_379] {strides = array<i32>} : memref<96x256xf32, #tpu.memory_space<vmem>>, vector<16xf32>,
        %mul3A_381 = arith.mulf %gather3A_36, %get3A_380 : vector<16xf32>
        %add3A_382 = arith.addf %add3A_373, %mul3A_381 : vector<16xf32>
        %swap3A_383 = arith.index_cast %scan3A_22 : i32 to index
        %swap3A_384 = arith.constant 192 : index
        %swap3A_385 = tpu.vector_load %arg9[%swap3A_383, %swap3A_384] {strides = array<i32>} : memref<32x256xf32, #tpu.memory_space<vmem>>, vector<16xf32>,
        tpu.vector_store %arg9[%swap3A_383, %swap3A_384], %add3A_382 {strides = array<i32>} : memref<32x256xf32, #tpu.memory_space<vmem>>, vector<16xf32>,
        %mul3A_386 = arith.constant 3 : i32
        %mul3A_387 = arith.muli %mul3A_386, %scan3A_22 : i32
        %get3A_388 = arith.index_cast %mul3A_387 : i32 to index
        %get3A_389 = arith.constant 208 : index
        %get3A_390 = tpu.vector_load %arg8[%get3A_388, %get3A_389] {strides = array<i32>} : memref<96x256xf32, #tpu.memory_space<vmem>>, vector<16xf32>,
        %mul3A_391 = arith.mulf %gather3A, %get3A_390 : vector<16xf32>
        %mul3A_392 = arith.constant 3 : i32
        %mul3A_393 = arith.muli %mul3A_392, %scan3A_22 : i32
        %add3A_394 = arith.constant 1 : i32
        %add3A_395 = arith.addi %mul3A_393, %add3A_394 : i32
        %get3A_396 = arith.index_cast %add3A_395 : i32 to index
        %get3A_397 = arith.constant 208 : index
        %get3A_398 = tpu.vector_load %arg8[%get3A_396, %get3A_397] {strides = array<i32>} : memref<96x256xf32, #tpu.memory_space<vmem>>, vector<16xf32>,
        %mul3A_399 = arith.mulf %gather3A_30, %get3A_398 : vector<16xf32>
        %add3A_400 = arith.addf %mul3A_391, %mul3A_399 : vector<16xf32>
        %mul3A_401 = arith.constant 3 : i32
        %mul3A_402 = arith.muli %mul3A_401, %scan3A_22 : i32
        %add3A_403 = arith.constant 2 : i32
        %add3A_404 = arith.addi %mul3A_402, %add3A_403 : i32
        %get3A_405 = arith.index_cast %add3A_404 : i32 to index
        %get3A_406 = arith.constant 208 : index
        %get3A_407 = tpu.vector_load %arg8[%get3A_405, %get3A_406] {strides = array<i32>} : memref<96x256xf32, #tpu.memory_space<vmem>>, vector<16xf32>,
        %mul3A_408 = arith.mulf %gather3A_36, %get3A_407 : vector<16xf32>
        %add3A_409 = arith.addf %add3A_400, %mul3A_408 : vector<16xf32>
        %swap3A_410 = arith.index_cast %scan3A_22 : i32 to index
        %swap3A_411 = arith.constant 208 : index
        %swap3A_412 = tpu.vector_load %arg9[%swap3A_410, %swap3A_411] {strides = array<i32>} : memref<32x256xf32, #tpu.memory_space<vmem>>, vector<16xf32>,
        tpu.vector_store %arg9[%swap3A_410, %swap3A_411], %add3A_409 {strides = array<i32>} : memref<32x256xf32, #tpu.memory_space<vmem>>, vector<16xf32>,
        %mul3A_413 = arith.constant 3 : i32
        %mul3A_414 = arith.muli %mul3A_413, %scan3A_22 : i32
        %get3A_415 = arith.index_cast %mul3A_414 : i32 to index
        %get3A_416 = arith.constant 224 : index
        %get3A_417 = tpu.vector_load %arg8[%get3A_415, %get3A_416] {strides = array<i32>} : memref<96x256xf32, #tpu.memory_space<vmem>>, vector<16xf32>,
        %mul3A_418 = arith.mulf %gather3A, %get3A_417 : vector<16xf32>
        %mul3A_419 = arith.constant 3 : i32
        %mul3A_420 = arith.muli %mul3A_419, %scan3A_22 : i32
        %add3A_421 = arith.constant 1 : i32
        %add3A_422 = arith.addi %mul3A_420, %add3A_421 : i32
        %get3A_423 = arith.index_cast %add3A_422 : i32 to index
        %get3A_424 = arith.constant 224 : index
        %get3A_425 = tpu.vector_load %arg8[%get3A_423, %get3A_424] {strides = array<i32>} : memref<96x256xf32, #tpu.memory_space<vmem>>, vector<16xf32>,
        %mul3A_426 = arith.mulf %gather3A_30, %get3A_425 : vector<16xf32>
        %add3A_427 = arith.addf %mul3A_418, %mul3A_426 : vector<16xf32>
        %mul3A_428 = arith.constant 3 : i32
        %mul3A_429 = arith.muli %mul3A_428, %scan3A_22 : i32
        %add3A_430 = arith.constant 2 : i32
        %add3A_431 = arith.addi %mul3A_429, %add3A_430 : i32
        %get3A_432 = arith.index_cast %add3A_431 : i32 to index
        %get3A_433 = arith.constant 224 : index
        %get3A_434 = tpu.vector_load %arg8[%get3A_432, %get3A_433] {strides = array<i32>} : memref<96x256xf32, #tpu.memory_space<vmem>>, vector<16xf32>,
        %mul3A_435 = arith.mulf %gather3A_36, %get3A_434 : vector<16xf32>
        %add3A_436 = arith.addf %add3A_427, %mul3A_435 : vector<16xf32>
        %swap3A_437 = arith.index_cast %scan3A_22 : i32 to index
        %swap3A_438 = arith.constant 224 : index
        %swap3A_439 = tpu.vector_load %arg9[%swap3A_437, %swap3A_438] {strides = array<i32>} : memref<32x256xf32, #tpu.memory_space<vmem>>, vector<16xf32>,
        tpu.vector_store %arg9[%swap3A_437, %swap3A_438], %add3A_436 {strides = array<i32>} : memref<32x256xf32, #tpu.memory_space<vmem>>, vector<16xf32>,
        %mul3A_440 = arith.constant 3 : i32
        %mul3A_441 = arith.muli %mul3A_440, %scan3A_22 : i32
        %get3A_442 = arith.index_cast %mul3A_441 : i32 to index
        %get3A_443 = arith.constant 240 : index
        %get3A_444 = tpu.vector_load %arg8[%get3A_442, %get3A_443] {strides = array<i32>} : memref<96x256xf32, #tpu.memory_space<vmem>>, vector<16xf32>,
        %mul3A_445 = arith.mulf %gather3A, %get3A_444 : vector<16xf32>
        %mul3A_446 = arith.constant 3 : i32
        %mul3A_447 = arith.muli %mul3A_446, %scan3A_22 : i32
        %add3A_448 = arith.constant 1 : i32
        %add3A_449 = arith.addi %mul3A_447, %add3A_448 : i32
        %get3A_450 = arith.index_cast %add3A_449 : i32 to index
        %get3A_451 = arith.constant 240 : index
        %get3A_452 = tpu.vector_load %arg8[%get3A_450, %get3A_451] {strides = array<i32>} : memref<96x256xf32, #tpu.memory_space<vmem>>, vector<16xf32>,
        %mul3A_453 = arith.mulf %gather3A_30, %get3A_452 : vector<16xf32>
        %add3A_454 = arith.addf %mul3A_445, %mul3A_453 : vector<16xf32>
        %mul3A_455 = arith.constant 3 : i32
        %mul3A_456 = arith.muli %mul3A_455, %scan3A_22 : i32
        %add3A_457 = arith.constant 2 : i32
        %add3A_458 = arith.addi %mul3A_456, %add3A_457 : i32
        %get3A_459 = arith.index_cast %add3A_458 : i32 to index
        %get3A_460 = arith.constant 240 : index
        %get3A_461 = tpu.vector_load %arg8[%get3A_459, %get3A_460] {strides = array<i32>} : memref<96x256xf32, #tpu.memory_space<vmem>>, vector<16xf32>,
        %mul3A_462 = arith.mulf %gather3A_36, %get3A_461 : vector<16xf32>
        %add3A_463 = arith.addf %add3A_454, %mul3A_462 : vector<16xf32>
        %swap3A_464 = arith.index_cast %scan3A_22 : i32 to index
        %swap3A_465 = arith.constant 240 : index
        %swap3A_466 = tpu.vector_load %arg9[%swap3A_464, %swap3A_465] {strides = array<i32>} : memref<32x256xf32, #tpu.memory_space<vmem>>, vector<16xf32>,
        tpu.vector_store %arg9[%swap3A_464, %swap3A_465], %add3A_463 {strides = array<i32>} : memref<32x256xf32, #tpu.memory_space<vmem>>, vector<16xf32>,
        %scan3A_467 = arith.constant 1 : i32
        %scan3A_468 = arith.addi %scan3A_22, %scan3A_467 : i32
        %mul3A_469 = arith.constant 3 : i32
        %mul3A_470 = arith.muli %mul3A_469, %scan3A_468 : i32
        %broadcast_in_dim3A_471 = vector.broadcast %mul3A_470 : i32 to vector<16xi32>
        %gather3A_472 = tpu.vector_load_idx %arg7[%broadcast_in_dim3A_471] : memref<96xf32, #tpu.memory_space<vmem>>[vector<16xi32>], vector<16xf32>,
        %mul3A_473 = arith.constant 3 : i32
        %mul3A_474 = arith.muli %mul3A_473, %scan3A_468 : i32
        %add3A_475 = arith.constant 1 : i32
        %add3A_476 = arith.addi %mul3A_474, %add3A_475 : i32
        %broadcast_in_dim3A_477 = vector.broadcast %add3A_476 : i32 to vector<16xi32>
        %gather3A_478 = tpu.vector_load_idx %arg7[%broadcast_in_dim3A_477] : memref<96xf32, #tpu.memory_space<vmem>>[vector<16xi32>], vector<16xf32>,
        %mul3A_479 = arith.constant 3 : i32
        %mul3A_480 = arith.muli %mul3A_479, %scan3A_468 : i32
        %add3A_481 = arith.constant 2 : i32
        %add3A_482 = arith.addi %mul3A_480, %add3A_481 : i32
        %broadcast_in_dim3A_483 = vector.broadcast %add3A_482 : i32 to vector<16xi32>
        %gather3A_484 = tpu.vector_load_idx %arg7[%broadcast_in_dim3A_483] : memref<96xf32, #tpu.memory_space<vmem>>[vector<16xi32>], vector<16xf32>,
        %mul3A_485 = arith.constant 3 : i32
        %mul3A_486 = arith.muli %mul3A_485, %scan3A_468 : i32
        %get3A_487 = arith.index_cast %mul3A_486 : i32 to index
        %get3A_488 = arith.constant 0 : index
        %get3A_489 = tpu.vector_load %arg8[%get3A_487, %get3A_488] {strides = array<i32>} : memref<96x256xf32, #tpu.memory_space<vmem>>, vector<16xf32>,
        %mul3A_490 = arith.mulf %gather3A_472, %get3A_489 : vector<16xf32>
        %mul3A_491 = arith.constant 3 : i32
        %mul3A_492 = arith.muli %mul3A_491, %scan3A_468 : i32
        %add3A_493 = arith.constant 1 : i32
        %add3A_494 = arith.addi %mul3A_492, %add3A_493 : i32
        %get3A_495 = arith.index_cast %add3A_494 : i32 to index
        %get3A_496 = arith.constant 0 : index
        %get3A_497 = tpu.vector_load %arg8[%get3A_495, %get3A_496] {strides = array<i32>} : memref<96x256xf32, #tpu.memory_space<vmem>>, vector<16xf32>,
        %mul3A_498 = arith.mulf %gather3A_478, %get3A_497 : vector<16xf32>
        %add3A_499 = arith.addf %mul3A_490, %mul3A_498 : vector<16xf32>
        %mul3A_500 = arith.constant 3 : i32
        %mul3A_501 = arith.muli %mul3A_500, %scan3A_468 : i32
        %add3A_502 = arith.constant 2 : i32
        %add3A_503 = arith.addi %mul3A_501, %add3A_502 : i32
        %get3A_504 = arith.index_cast %add3A_503 : i32 to index
        %get3A_505 = arith.constant 0 : index
        %get3A_506 = tpu.vector_load %arg8[%get3A_504, %get3A_505] {strides = array<i32>} : memref<96x256xf32, #tpu.memory_space<vmem>>, vector<16xf32>,
        %mul3A_507 = arith.mulf %gather3A_484, %get3A_506 : vector<16xf32>
        %add3A_508 = arith.addf %add3A_499, %mul3A_507 : vector<16xf32>
        %swap3A_509 = arith.index_cast %scan3A_468 : i32 to index
        %swap3A_510 = arith.constant 0 : index
        %swap3A_511 = tpu.vector_load %arg9[%swap3A_509, %swap3A_510] {strides = array<i32>} : memref<32x256xf32, #tpu.memory_space<vmem>>, vector<16xf32>,
        tpu.vector_store %arg9[%swap3A_509, %swap3A_510], %add3A_508 {strides = array<i32>} : memref<32x256xf32, #tpu.memory_space<vmem>>, vector<16xf32>,
        %mul3A_512 = arith.constant 3 : i32
        %mul3A_513 = arith.muli %mul3A_512, %scan3A_468 : i32
        %get3A_514 = arith.index_cast %mul3A_513 : i32 to index
        %get3A_515 = arith.constant 16 : index
        %get3A_516 = tpu.vector_load %arg8[%get3A_514, %get3A_515] {strides = array<i32>} : memref<96x256xf32, #tpu.memory_space<vmem>>, vector<16xf32>,
        %mul3A_517 = arith.mulf %gather3A_472, %get3A_516 : vector<16xf32>
        %mul3A_518 = arith.constant 3 : i32
        %mul3A_519 = arith.muli %mul3A_518, %scan3A_468 : i32
        %add3A_520 = arith.constant 1 : i32
        %add3A_521 = arith.addi %mul3A_519, %add3A_520 : i32
        %get3A_522 = arith.index_cast %add3A_521 : i32 to index
        %get3A_523 = arith.constant 16 : index
        %get3A_524 = tpu.vector_load %arg8[%get3A_522, %get3A_523] {strides = array<i32>} : memref<96x256xf32, #tpu.memory_space<vmem>>, vector<16xf32>,
        %mul3A_525 = arith.mulf %gather3A_478, %get3A_524 : vector<16xf32>
        %add3A_526 = arith.addf %mul3A_517, %mul3A_525 : vector<16xf32>
        %mul3A_527 = arith.constant 3 : i32
        %mul3A_528 = arith.muli %mul3A_527, %scan3A_468 : i32
        %add3A_529 = arith.constant 2 : i32
        %add3A_530 = arith.addi %mul3A_528, %add3A_529 : i32
        %get3A_531 = arith.index_cast %add3A_530 : i32 to index
        %get3A_532 = arith.constant 16 : index
        %get3A_533 = tpu.vector_load %arg8[%get3A_531, %get3A_532] {strides = array<i32>} : memref<96x256xf32, #tpu.memory_space<vmem>>, vector<16xf32>,
        %mul3A_534 = arith.mulf %gather3A_484, %get3A_533 : vector<16xf32>
        %add3A_535 = arith.addf %add3A_526, %mul3A_534 : vector<16xf32>
        %swap3A_536 = arith.index_cast %scan3A_468 : i32 to index
        %swap3A_537 = arith.constant 16 : index
        %swap3A_538 = tpu.vector_load %arg9[%swap3A_536, %swap3A_537] {strides = array<i32>} : memref<32x256xf32, #tpu.memory_space<vmem>>, vector<16xf32>,
        tpu.vector_store %arg9[%swap3A_536, %swap3A_537], %add3A_535 {strides = array<i32>} : memref<32x256xf32, #tpu.memory_space<vmem>>, vector<16xf32>,
        %mul3A_539 = arith.constant 3 : i32
        %mul3A_540 = arith.muli %mul3A_539, %scan3A_468 : i32
        %get3A_541 = arith.index_cast %mul3A_540 : i32 to index
        %get3A_542 = arith.constant 32 : index
        %get3A_543 = tpu.vector_load %arg8[%get3A_541, %get3A_542] {strides = array<i32>} : memref<96x256xf32, #tpu.memory_space<vmem>>, vector<16xf32>,
        %mul3A_544 = arith.mulf %gather3A_472, %get3A_543 : vector<16xf32>
        %mul3A_545 = arith.constant 3 : i32
        %mul3A_546 = arith.muli %mul3A_545, %scan3A_468 : i32
        %add3A_547 = arith.constant 1 : i32
        %add3A_548 = arith.addi %mul3A_546, %add3A_547 : i32
        %get3A_549 = arith.index_cast %add3A_548 : i32 to index
        %get3A_550 = arith.constant 32 : index
        %get3A_551 = tpu.vector_load %arg8[%get3A_549, %get3A_550] {strides = array<i32>} : memref<96x256xf32, #tpu.memory_space<vmem>>, vector<16xf32>,
        %mul3A_552 = arith.mulf %gather3A_478, %get3A_551 : vector<16xf32>
        %add3A_553 = arith.addf %mul3A_544, %mul3A_552 : vector<16xf32>
        %mul3A_554 = arith.constant 3 : i32
        %mul3A_555 = arith.muli %mul3A_554, %scan3A_468 : i32
        %add3A_556 = arith.constant 2 : i32
        %add3A_557 = arith.addi %mul3A_555, %add3A_556 : i32
        %get3A_558 = arith.index_cast %add3A_557 : i32 to index
        %get3A_559 = arith.constant 32 : index
        %get3A_560 = tpu.vector_load %arg8[%get3A_558, %get3A_559] {strides = array<i32>} : memref<96x256xf32, #tpu.memory_space<vmem>>, vector<16xf32>,
        %mul3A_561 = arith.mulf %gather3A_484, %get3A_560 : vector<16xf32>
        %add3A_562 = arith.addf %add3A_553, %mul3A_561 : vector<16xf32>
        %swap3A_563 = arith.index_cast %scan3A_468 : i32 to index
        %swap3A_564 = arith.constant 32 : index
        %swap3A_565 = tpu.vector_load %arg9[%swap3A_563, %swap3A_564] {strides = array<i32>} : memref<32x256xf32, #tpu.memory_space<vmem>>, vector<16xf32>,
        tpu.vector_store %arg9[%swap3A_563, %swap3A_564], %add3A_562 {strides = array<i32>} : memref<32x256xf32, #tpu.memory_space<vmem>>, vector<16xf32>,
        %mul3A_566 = arith.constant 3 : i32
        %mul3A_567 = arith.muli %mul3A_566, %scan3A_468 : i32
        %get3A_568 = arith.index_cast %mul3A_567 : i32 to index
        %get3A_569 = arith.constant 48 : index
        %get3A_570 = tpu.vector_load %arg8[%get3A_568, %get3A_569] {strides = array<i32>} : memref<96x256xf32, #tpu.memory_space<vmem>>, vector<16xf32>,
        %mul3A_571 = arith.mulf %gather3A_472, %get3A_570 : vector<16xf32>
        %mul3A_572 = arith.constant 3 : i32
        %mul3A_573 = arith.muli %mul3A_572, %scan3A_468 : i32
        %add3A_574 = arith.constant 1 : i32
        %add3A_575 = arith.addi %mul3A_573, %add3A_574 : i32
        %get3A_576 = arith.index_cast %add3A_575 : i32 to index
        %get3A_577 = arith.constant 48 : index
        %get3A_578 = tpu.vector_load %arg8[%get3A_576, %get3A_577] {strides = array<i32>} : memref<96x256xf32, #tpu.memory_space<vmem>>, vector<16xf32>,
        %mul3A_579 = arith.mulf %gather3A_478, %get3A_578 : vector<16xf32>
        %add3A_580 = arith.addf %mul3A_571, %mul3A_579 : vector<16xf32>
        %mul3A_581 = arith.constant 3 : i32
        %mul3A_582 = arith.muli %mul3A_581, %scan3A_468 : i32
        %add3A_583 = arith.constant 2 : i32
        %add3A_584 = arith.addi %mul3A_582, %add3A_583 : i32
        %get3A_585 = arith.index_cast %add3A_584 : i32 to index
        %get3A_586 = arith.constant 48 : index
        %get3A_587 = tpu.vector_load %arg8[%get3A_585, %get3A_586] {strides = array<i32>} : memref<96x256xf32, #tpu.memory_space<vmem>>, vector<16xf32>,
        %mul3A_588 = arith.mulf %gather3A_484, %get3A_587 : vector<16xf32>
        %add3A_589 = arith.addf %add3A_580, %mul3A_588 : vector<16xf32>
        %swap3A_590 = arith.index_cast %scan3A_468 : i32 to index
        %swap3A_591 = arith.constant 48 : index
        %swap3A_592 = tpu.vector_load %arg9[%swap3A_590, %swap3A_591] {strides = array<i32>} : memref<32x256xf32, #tpu.memory_space<vmem>>, vector<16xf32>,
        tpu.vector_store %arg9[%swap3A_590, %swap3A_591], %add3A_589 {strides = array<i32>} : memref<32x256xf32, #tpu.memory_space<vmem>>, vector<16xf32>,
        %mul3A_593 = arith.constant 3 : i32
        %mul3A_594 = arith.muli %mul3A_593, %scan3A_468 : i32
        %get3A_595 = arith.index_cast %mul3A_594 : i32 to index
        %get3A_596 = arith.constant 64 : index
        %get3A_597 = tpu.vector_load %arg8[%get3A_595, %get3A_596] {strides = array<i32>} : memref<96x256xf32, #tpu.memory_space<vmem>>, vector<16xf32>,
        %mul3A_598 = arith.mulf %gather3A_472, %get3A_597 : vector<16xf32>
        %mul3A_599 = arith.constant 3 : i32
        %mul3A_600 = arith.muli %mul3A_599, %scan3A_468 : i32
        %add3A_601 = arith.constant 1 : i32
        %add3A_602 = arith.addi %mul3A_600, %add3A_601 : i32
        %get3A_603 = arith.index_cast %add3A_602 : i32 to index
        %get3A_604 = arith.constant 64 : index
        %get3A_605 = tpu.vector_load %arg8[%get3A_603, %get3A_604] {strides = array<i32>} : memref<96x256xf32, #tpu.memory_space<vmem>>, vector<16xf32>,
        %mul3A_606 = arith.mulf %gather3A_478, %get3A_605 : vector<16xf32>
        %add3A_607 = arith.addf %mul3A_598, %mul3A_606 : vector<16xf32>
        %mul3A_608 = arith.constant 3 : i32
        %mul3A_609 = arith.muli %mul3A_608, %scan3A_468 : i32
        %add3A_610 = arith.constant 2 : i32
        %add3A_611 = arith.addi %mul3A_609, %add3A_610 : i32
        %get3A_612 = arith.index_cast %add3A_611 : i32 to index
        %get3A_613 = arith.constant 64 : index
        %get3A_614 = tpu.vector_load %arg8[%get3A_612, %get3A_613] {strides = array<i32>} : memref<96x256xf32, #tpu.memory_space<vmem>>, vector<16xf32>,
        %mul3A_615 = arith.mulf %gather3A_484, %get3A_614 : vector<16xf32>
        %add3A_616 = arith.addf %add3A_607, %mul3A_615 : vector<16xf32>
        %swap3A_617 = arith.index_cast %scan3A_468 : i32 to index
        %swap3A_618 = arith.constant 64 : index
        %swap3A_619 = tpu.vector_load %arg9[%swap3A_617, %swap3A_618] {strides = array<i32>} : memref<32x256xf32, #tpu.memory_space<vmem>>, vector<16xf32>,
        tpu.vector_store %arg9[%swap3A_617, %swap3A_618], %add3A_616 {strides = array<i32>} : memref<32x256xf32, #tpu.memory_space<vmem>>, vector<16xf32>,
        %mul3A_620 = arith.constant 3 : i32
        %mul3A_621 = arith.muli %mul3A_620, %scan3A_468 : i32
        %get3A_622 = arith.index_cast %mul3A_621 : i32 to index
        %get3A_623 = arith.constant 80 : index
        %get3A_624 = tpu.vector_load %arg8[%get3A_622, %get3A_623] {strides = array<i32>} : memref<96x256xf32, #tpu.memory_space<vmem>>, vector<16xf32>,
        %mul3A_625 = arith.mulf %gather3A_472, %get3A_624 : vector<16xf32>
        %mul3A_626 = arith.constant 3 : i32
        %mul3A_627 = arith.muli %mul3A_626, %scan3A_468 : i32
        %add3A_628 = arith.constant 1 : i32
        %add3A_629 = arith.addi %mul3A_627, %add3A_628 : i32
        %get3A_630 = arith.index_cast %add3A_629 : i32 to index
        %get3A_631 = arith.constant 80 : index
        %get3A_632 = tpu.vector_load %arg8[%get3A_630, %get3A_631] {strides = array<i32>} : memref<96x256xf32, #tpu.memory_space<vmem>>, vector<16xf32>,
        %mul3A_633 = arith.mulf %gather3A_478, %get3A_632 : vector<16xf32>
        %add3A_634 = arith.addf %mul3A_625, %mul3A_633 : vector<16xf32>
        %mul3A_635 = arith.constant 3 : i32
        %mul3A_636 = arith.muli %mul3A_635, %scan3A_468 : i32
        %add3A_637 = arith.constant 2 : i32
        %add3A_638 = arith.addi %mul3A_636, %add3A_637 : i32
        %get3A_639 = arith.index_cast %add3A_638 : i32 to index
        %get3A_640 = arith.constant 80 : index
        %get3A_641 = tpu.vector_load %arg8[%get3A_639, %get3A_640] {strides = array<i32>} : memref<96x256xf32, #tpu.memory_space<vmem>>, vector<16xf32>,
        %mul3A_642 = arith.mulf %gather3A_484, %get3A_641 : vector<16xf32>
        %add3A_643 = arith.addf %add3A_634, %mul3A_642 : vector<16xf32>
        %swap3A_644 = arith.index_cast %scan3A_468 : i32 to index
        %swap3A_645 = arith.constant 80 : index
        %swap3A_646 = tpu.vector_load %arg9[%swap3A_644, %swap3A_645] {strides = array<i32>} : memref<32x256xf32, #tpu.memory_space<vmem>>, vector<16xf32>,
        tpu.vector_store %arg9[%swap3A_644, %swap3A_645], %add3A_643 {strides = array<i32>} : memref<32x256xf32, #tpu.memory_space<vmem>>, vector<16xf32>,
        %mul3A_647 = arith.constant 3 : i32
        %mul3A_648 = arith.muli %mul3A_647, %scan3A_468 : i32
        %get3A_649 = arith.index_cast %mul3A_648 : i32 to index
        %get3A_650 = arith.constant 96 : index
        %get3A_651 = tpu.vector_load %arg8[%get3A_649, %get3A_650] {strides = array<i32>} : memref<96x256xf32, #tpu.memory_space<vmem>>, vector<16xf32>,
        %mul3A_652 = arith.mulf %gather3A_472, %get3A_651 : vector<16xf32>
        %mul3A_653 = arith.constant 3 : i32
        %mul3A_654 = arith.muli %mul3A_653, %scan3A_468 : i32
        %add3A_655 = arith.constant 1 : i32
        %add3A_656 = arith.addi %mul3A_654, %add3A_655 : i32
        %get3A_657 = arith.index_cast %add3A_656 : i32 to index
        %get3A_658 = arith.constant 96 : index
        %get3A_659 = tpu.vector_load %arg8[%get3A_657, %get3A_658] {strides = array<i32>} : memref<96x256xf32, #tpu.memory_space<vmem>>, vector<16xf32>,
        %mul3A_660 = arith.mulf %gather3A_478, %get3A_659 : vector<16xf32>
        %add3A_661 = arith.addf %mul3A_652, %mul3A_660 : vector<16xf32>
        %mul3A_662 = arith.constant 3 : i32
        %mul3A_663 = arith.muli %mul3A_662, %scan3A_468 : i32
        %add3A_664 = arith.constant 2 : i32
        %add3A_665 = arith.addi %mul3A_663, %add3A_664 : i32
        %get3A_666 = arith.index_cast %add3A_665 : i32 to index
        %get3A_667 = arith.constant 96 : index
        %get3A_668 = tpu.vector_load %arg8[%get3A_666, %get3A_667] {strides = array<i32>} : memref<96x256xf32, #tpu.memory_space<vmem>>, vector<16xf32>,
        %mul3A_669 = arith.mulf %gather3A_484, %get3A_668 : vector<16xf32>
        %add3A_670 = arith.addf %add3A_661, %mul3A_669 : vector<16xf32>
        %swap3A_671 = arith.index_cast %scan3A_468 : i32 to index
        %swap3A_672 = arith.constant 96 : index
        %swap3A_673 = tpu.vector_load %arg9[%swap3A_671, %swap3A_672] {strides = array<i32>} : memref<32x256xf32, #tpu.memory_space<vmem>>, vector<16xf32>,
        tpu.vector_store %arg9[%swap3A_671, %swap3A_672], %add3A_670 {strides = array<i32>} : memref<32x256xf32, #tpu.memory_space<vmem>>, vector<16xf32>,
        %mul3A_674 = arith.constant 3 : i32
        %mul3A_675 = arith.muli %mul3A_674, %scan3A_468 : i32
        %get3A_676 = arith.index_cast %mul3A_675 : i32 to index
        %get3A_677 = arith.constant 112 : index
        %get3A_678 = tpu.vector_load %arg8[%get3A_676, %get3A_677] {strides = array<i32>} : memref<96x256xf32, #tpu.memory_space<vmem>>, vector<16xf32>,
        %mul3A_679 = arith.mulf %gather3A_472, %get3A_678 : vector<16xf32>
        %mul3A_680 = arith.constant 3 : i32
        %mul3A_681 = arith.muli %mul3A_680, %scan3A_468 : i32
        %add3A_682 = arith.constant 1 : i32
        %add3A_683 = arith.addi %mul3A_681, %add3A_682 : i32
        %get3A_684 = arith.index_cast %add3A_683 : i32 to index
        %get3A_685 = arith.constant 112 : index
        %get3A_686 = tpu.vector_load %arg8[%get3A_684, %get3A_685] {strides = array<i32>} : memref<96x256xf32, #tpu.memory_space<vmem>>, vector<16xf32>,
        %mul3A_687 = arith.mulf %gather3A_478, %get3A_686 : vector<16xf32>
        %add3A_688 = arith.addf %mul3A_679, %mul3A_687 : vector<16xf32>
        %mul3A_689 = arith.constant 3 : i32
        %mul3A_690 = arith.muli %mul3A_689, %scan3A_468 : i32
        %add3A_691 = arith.constant 2 : i32
        %add3A_692 = arith.addi %mul3A_690, %add3A_691 : i32
        %get3A_693 = arith.index_cast %add3A_692 : i32 to index
        %get3A_694 = arith.constant 112 : index
        %get3A_695 = tpu.vector_load %arg8[%get3A_693, %get3A_694] {strides = array<i32>} : memref<96x256xf32, #tpu.memory_space<vmem>>, vector<16xf32>,
        %mul3A_696 = arith.mulf %gather3A_484, %get3A_695 : vector<16xf32>
        %add3A_697 = arith.addf %add3A_688, %mul3A_696 : vector<16xf32>
        %swap3A_698 = arith.index_cast %scan3A_468 : i32 to index
        %swap3A_699 = arith.constant 112 : index
        %swap3A_700 = tpu.vector_load %arg9[%swap3A_698, %swap3A_699] {strides = array<i32>} : memref<32x256xf32, #tpu.memory_space<vmem>>, vector<16xf32>,
        tpu.vector_store %arg9[%swap3A_698, %swap3A_699], %add3A_697 {strides = array<i32>} : memref<32x256xf32, #tpu.memory_space<vmem>>, vector<16xf32>,
        %mul3A_701 = arith.constant 3 : i32
        %mul3A_702 = arith.muli %mul3A_701, %scan3A_468 : i32
        %get3A_703 = arith.index_cast %mul3A_702 : i32 to index
        %get3A_704 = arith.constant 128 : index
        %get3A_705 = tpu.vector_load %arg8[%get3A_703, %get3A_704] {strides = array<i32>} : memref<96x256xf32, #tpu.memory_space<vmem>>, vector<16xf32>,
        %mul3A_706 = arith.mulf %gather3A_472, %get3A_705 : vector<16xf32>
        %mul3A_707 = arith.constant 3 : i32
        %mul3A_708 = arith.muli %mul3A_707, %scan3A_468 : i32
        %add3A_709 = arith.constant 1 : i32
        %add3A_710 = arith.addi %mul3A_708, %add3A_709 : i32
        %get3A_711 = arith.index_cast %add3A_710 : i32 to index
        %get3A_712 = arith.constant 128 : index
        %get3A_713 = tpu.vector_load %arg8[%get3A_711, %get3A_712] {strides = array<i32>} : memref<96x256xf32, #tpu.memory_space<vmem>>, vector<16xf32>,
        %mul3A_714 = arith.mulf %gather3A_478, %get3A_713 : vector<16xf32>
        %add3A_715 = arith.addf %mul3A_706, %mul3A_714 : vector<16xf32>
        %mul3A_716 = arith.constant 3 : i32
        %mul3A_717 = arith.muli %mul3A_716, %scan3A_468 : i32
        %add3A_718 = arith.constant 2 : i32
        %add3A_719 = arith.addi %mul3A_717, %add3A_718 : i32
        %get3A_720 = arith.index_cast %add3A_719 : i32 to index
        %get3A_721 = arith.constant 128 : index
        %get3A_722 = tpu.vector_load %arg8[%get3A_720, %get3A_721] {strides = array<i32>} : memref<96x256xf32, #tpu.memory_space<vmem>>, vector<16xf32>,
        %mul3A_723 = arith.mulf %gather3A_484, %get3A_722 : vector<16xf32>
        %add3A_724 = arith.addf %add3A_715, %mul3A_723 : vector<16xf32>
        %swap3A_725 = arith.index_cast %scan3A_468 : i32 to index
        %swap3A_726 = arith.constant 128 : index
        %swap3A_727 = tpu.vector_load %arg9[%swap3A_725, %swap3A_726] {strides = array<i32>} : memref<32x256xf32, #tpu.memory_space<vmem>>, vector<16xf32>,
        tpu.vector_store %arg9[%swap3A_725, %swap3A_726], %add3A_724 {strides = array<i32>} : memref<32x256xf32, #tpu.memory_space<vmem>>, vector<16xf32>,
        %mul3A_728 = arith.constant 3 : i32
        %mul3A_729 = arith.muli %mul3A_728, %scan3A_468 : i32
        %get3A_730 = arith.index_cast %mul3A_729 : i32 to index
        %get3A_731 = arith.constant 144 : index
        %get3A_732 = tpu.vector_load %arg8[%get3A_730, %get3A_731] {strides = array<i32>} : memref<96x256xf32, #tpu.memory_space<vmem>>, vector<16xf32>,
        %mul3A_733 = arith.mulf %gather3A_472, %get3A_732 : vector<16xf32>
        %mul3A_734 = arith.constant 3 : i32
        %mul3A_735 = arith.muli %mul3A_734, %scan3A_468 : i32
        %add3A_736 = arith.constant 1 : i32
        %add3A_737 = arith.addi %mul3A_735, %add3A_736 : i32
        %get3A_738 = arith.index_cast %add3A_737 : i32 to index
        %get3A_739 = arith.constant 144 : index
        %get3A_740 = tpu.vector_load %arg8[%get3A_738, %get3A_739] {strides = array<i32>} : memref<96x256xf32, #tpu.memory_space<vmem>>, vector<16xf32>,
        %mul3A_741 = arith.mulf %gather3A_478, %get3A_740 : vector<16xf32>
        %add3A_742 = arith.addf %mul3A_733, %mul3A_741 : vector<16xf32>
        %mul3A_743 = arith.constant 3 : i32
        %mul3A_744 = arith.muli %mul3A_743, %scan3A_468 : i32
        %add3A_745 = arith.constant 2 : i32
        %add3A_746 = arith.addi %mul3A_744, %add3A_745 : i32
        %get3A_747 = arith.index_cast %add3A_746 : i32 to index
        %get3A_748 = arith.constant 144 : index
        %get3A_749 = tpu.vector_load %arg8[%get3A_747, %get3A_748] {strides = array<i32>} : memref<96x256xf32, #tpu.memory_space<vmem>>, vector<16xf32>,
        %mul3A_750 = arith.mulf %gather3A_484, %get3A_749 : vector<16xf32>
        %add3A_751 = arith.addf %add3A_742, %mul3A_750 : vector<16xf32>
        %swap3A_752 = arith.index_cast %scan3A_468 : i32 to index
        %swap3A_753 = arith.constant 144 : index
        %swap3A_754 = tpu.vector_load %arg9[%swap3A_752, %swap3A_753] {strides = array<i32>} : memref<32x256xf32, #tpu.memory_space<vmem>>, vector<16xf32>,
        tpu.vector_store %arg9[%swap3A_752, %swap3A_753], %add3A_751 {strides = array<i32>} : memref<32x256xf32, #tpu.memory_space<vmem>>, vector<16xf32>,
        %mul3A_755 = arith.constant 3 : i32
        %mul3A_756 = arith.muli %mul3A_755, %scan3A_468 : i32
        %get3A_757 = arith.index_cast %mul3A_756 : i32 to index
        %get3A_758 = arith.constant 160 : index
        %get3A_759 = tpu.vector_load %arg8[%get3A_757, %get3A_758] {strides = array<i32>} : memref<96x256xf32, #tpu.memory_space<vmem>>, vector<16xf32>,
        %mul3A_760 = arith.mulf %gather3A_472, %get3A_759 : vector<16xf32>
        %mul3A_761 = arith.constant 3 : i32
        %mul3A_762 = arith.muli %mul3A_761, %scan3A_468 : i32
        %add3A_763 = arith.constant 1 : i32
        %add3A_764 = arith.addi %mul3A_762, %add3A_763 : i32
        %get3A_765 = arith.index_cast %add3A_764 : i32 to index
        %get3A_766 = arith.constant 160 : index
        %get3A_767 = tpu.vector_load %arg8[%get3A_765, %get3A_766] {strides = array<i32>} : memref<96x256xf32, #tpu.memory_space<vmem>>, vector<16xf32>,
        %mul3A_768 = arith.mulf %gather3A_478, %get3A_767 : vector<16xf32>
        %add3A_769 = arith.addf %mul3A_760, %mul3A_768 : vector<16xf32>
        %mul3A_770 = arith.constant 3 : i32
        %mul3A_771 = arith.muli %mul3A_770, %scan3A_468 : i32
        %add3A_772 = arith.constant 2 : i32
        %add3A_773 = arith.addi %mul3A_771, %add3A_772 : i32
        %get3A_774 = arith.index_cast %add3A_773 : i32 to index
        %get3A_775 = arith.constant 160 : index
        %get3A_776 = tpu.vector_load %arg8[%get3A_774, %get3A_775] {strides = array<i32>} : memref<96x256xf32, #tpu.memory_space<vmem>>, vector<16xf32>,
        %mul3A_777 = arith.mulf %gather3A_484, %get3A_776 : vector<16xf32>
        %add3A_778 = arith.addf %add3A_769, %mul3A_777 : vector<16xf32>
        %swap3A_779 = arith.index_cast %scan3A_468 : i32 to index
        %swap3A_780 = arith.constant 160 : index
        %swap3A_781 = tpu.vector_load %arg9[%swap3A_779, %swap3A_780] {strides = array<i32>} : memref<32x256xf32, #tpu.memory_space<vmem>>, vector<16xf32>,
        tpu.vector_store %arg9[%swap3A_779, %swap3A_780], %add3A_778 {strides = array<i32>} : memref<32x256xf32, #tpu.memory_space<vmem>>, vector<16xf32>,
        %mul3A_782 = arith.constant 3 : i32
        %mul3A_783 = arith.muli %mul3A_782, %scan3A_468 : i32
        %get3A_784 = arith.index_cast %mul3A_783 : i32 to index
        %get3A_785 = arith.constant 176 : index
        %get3A_786 = tpu.vector_load %arg8[%get3A_784, %get3A_785] {strides = array<i32>} : memref<96x256xf32, #tpu.memory_space<vmem>>, vector<16xf32>,
        %mul3A_787 = arith.mulf %gather3A_472, %get3A_786 : vector<16xf32>
        %mul3A_788 = arith.constant 3 : i32
        %mul3A_789 = arith.muli %mul3A_788, %scan3A_468 : i32
        %add3A_790 = arith.constant 1 : i32
        %add3A_791 = arith.addi %mul3A_789, %add3A_790 : i32
        %get3A_792 = arith.index_cast %add3A_791 : i32 to index
        %get3A_793 = arith.constant 176 : index
        %get3A_794 = tpu.vector_load %arg8[%get3A_792, %get3A_793] {strides = array<i32>} : memref<96x256xf32, #tpu.memory_space<vmem>>, vector<16xf32>,
        %mul3A_795 = arith.mulf %gather3A_478, %get3A_794 : vector<16xf32>
        %add3A_796 = arith.addf %mul3A_787, %mul3A_795 : vector<16xf32>
        %mul3A_797 = arith.constant 3 : i32
        %mul3A_798 = arith.muli %mul3A_797, %scan3A_468 : i32
        %add3A_799 = arith.constant 2 : i32
        %add3A_800 = arith.addi %mul3A_798, %add3A_799 : i32
        %get3A_801 = arith.index_cast %add3A_800 : i32 to index
        %get3A_802 = arith.constant 176 : index
        %get3A_803 = tpu.vector_load %arg8[%get3A_801, %get3A_802] {strides = array<i32>} : memref<96x256xf32, #tpu.memory_space<vmem>>, vector<16xf32>,
        %mul3A_804 = arith.mulf %gather3A_484, %get3A_803 : vector<16xf32>
        %add3A_805 = arith.addf %add3A_796, %mul3A_804 : vector<16xf32>
        %swap3A_806 = arith.index_cast %scan3A_468 : i32 to index
        %swap3A_807 = arith.constant 176 : index
        %swap3A_808 = tpu.vector_load %arg9[%swap3A_806, %swap3A_807] {strides = array<i32>} : memref<32x256xf32, #tpu.memory_space<vmem>>, vector<16xf32>,
        tpu.vector_store %arg9[%swap3A_806, %swap3A_807], %add3A_805 {strides = array<i32>} : memref<32x256xf32, #tpu.memory_space<vmem>>, vector<16xf32>,
        %mul3A_809 = arith.constant 3 : i32
        %mul3A_810 = arith.muli %mul3A_809, %scan3A_468 : i32
        %get3A_811 = arith.index_cast %mul3A_810 : i32 to index
        %get3A_812 = arith.constant 192 : index
        %get3A_813 = tpu.vector_load %arg8[%get3A_811, %get3A_812] {strides = array<i32>} : memref<96x256xf32, #tpu.memory_space<vmem>>, vector<16xf32>,
        %mul3A_814 = arith.mulf %gather3A_472, %get3A_813 : vector<16xf32>
        %mul3A_815 = arith.constant 3 : i32
        %mul3A_816 = arith.muli %mul3A_815, %scan3A_468 : i32
        %add3A_817 = arith.constant 1 : i32
        %add3A_818 = arith.addi %mul3A_816, %add3A_817 : i32
        %get3A_819 = arith.index_cast %add3A_818 : i32 to index
        %get3A_820 = arith.constant 192 : index
        %get3A_821 = tpu.vector_load %arg8[%get3A_819, %get3A_820] {strides = array<i32>} : memref<96x256xf32, #tpu.memory_space<vmem>>, vector<16xf32>,
        %mul3A_822 = arith.mulf %gather3A_478, %get3A_821 : vector<16xf32>
        %add3A_823 = arith.addf %mul3A_814, %mul3A_822 : vector<16xf32>
        %mul3A_824 = arith.constant 3 : i32
        %mul3A_825 = arith.muli %mul3A_824, %scan3A_468 : i32
        %add3A_826 = arith.constant 2 : i32
        %add3A_827 = arith.addi %mul3A_825, %add3A_826 : i32
        %get3A_828 = arith.index_cast %add3A_827 : i32 to index
        %get3A_829 = arith.constant 192 : index
        %get3A_830 = tpu.vector_load %arg8[%get3A_828, %get3A_829] {strides = array<i32>} : memref<96x256xf32, #tpu.memory_space<vmem>>, vector<16xf32>,
        %mul3A_831 = arith.mulf %gather3A_484, %get3A_830 : vector<16xf32>
        %add3A_832 = arith.addf %add3A_823, %mul3A_831 : vector<16xf32>
        %swap3A_833 = arith.index_cast %scan3A_468 : i32 to index
        %swap3A_834 = arith.constant 192 : index
        %swap3A_835 = tpu.vector_load %arg9[%swap3A_833, %swap3A_834] {strides = array<i32>} : memref<32x256xf32, #tpu.memory_space<vmem>>, vector<16xf32>,
        tpu.vector_store %arg9[%swap3A_833, %swap3A_834], %add3A_832 {strides = array<i32>} : memref<32x256xf32, #tpu.memory_space<vmem>>, vector<16xf32>,
        %mul3A_836 = arith.constant 3 : i32
        %mul3A_837 = arith.muli %mul3A_836, %scan3A_468 : i32
        %get3A_838 = arith.index_cast %mul3A_837 : i32 to index
        %get3A_839 = arith.constant 208 : index
        %get3A_840 = tpu.vector_load %arg8[%get3A_838, %get3A_839] {strides = array<i32>} : memref<96x256xf32, #tpu.memory_space<vmem>>, vector<16xf32>,
        %mul3A_841 = arith.mulf %gather3A_472, %get3A_840 : vector<16xf32>
        %mul3A_842 = arith.constant 3 : i32
        %mul3A_843 = arith.muli %mul3A_842, %scan3A_468 : i32
        %add3A_844 = arith.constant 1 : i32
        %add3A_845 = arith.addi %mul3A_843, %add3A_844 : i32
        %get3A_846 = arith.index_cast %add3A_845 : i32 to index
        %get3A_847 = arith.constant 208 : index
        %get3A_848 = tpu.vector_load %arg8[%get3A_846, %get3A_847] {strides = array<i32>} : memref<96x256xf32, #tpu.memory_space<vmem>>, vector<16xf32>,
        %mul3A_849 = arith.mulf %gather3A_478, %get3A_848 : vector<16xf32>
        %add3A_850 = arith.addf %mul3A_841, %mul3A_849 : vector<16xf32>
        %mul3A_851 = arith.constant 3 : i32
        %mul3A_852 = arith.muli %mul3A_851, %scan3A_468 : i32
        %add3A_853 = arith.constant 2 : i32
        %add3A_854 = arith.addi %mul3A_852, %add3A_853 : i32
        %get3A_855 = arith.index_cast %add3A_854 : i32 to index
        %get3A_856 = arith.constant 208 : index
        %get3A_857 = tpu.vector_load %arg8[%get3A_855, %get3A_856] {strides = array<i32>} : memref<96x256xf32, #tpu.memory_space<vmem>>, vector<16xf32>,
        %mul3A_858 = arith.mulf %gather3A_484, %get3A_857 : vector<16xf32>
        %add3A_859 = arith.addf %add3A_850, %mul3A_858 : vector<16xf32>
        %swap3A_860 = arith.index_cast %scan3A_468 : i32 to index
        %swap3A_861 = arith.constant 208 : index
        %swap3A_862 = tpu.vector_load %arg9[%swap3A_860, %swap3A_861] {strides = array<i32>} : memref<32x256xf32, #tpu.memory_space<vmem>>, vector<16xf32>,
        tpu.vector_store %arg9[%swap3A_860, %swap3A_861], %add3A_859 {strides = array<i32>} : memref<32x256xf32, #tpu.memory_space<vmem>>, vector<16xf32>,
        %mul3A_863 = arith.constant 3 : i32
        %mul3A_864 = arith.muli %mul3A_863, %scan3A_468 : i32
        %get3A_865 = arith.index_cast %mul3A_864 : i32 to index
        %get3A_866 = arith.constant 224 : index
        %get3A_867 = tpu.vector_load %arg8[%get3A_865, %get3A_866] {strides = array<i32>} : memref<96x256xf32, #tpu.memory_space<vmem>>, vector<16xf32>,
        %mul3A_868 = arith.mulf %gather3A_472, %get3A_867 : vector<16xf32>
        %mul3A_869 = arith.constant 3 : i32
        %mul3A_870 = arith.muli %mul3A_869, %scan3A_468 : i32
        %add3A_871 = arith.constant 1 : i32
        %add3A_872 = arith.addi %mul3A_870, %add3A_871 : i32
        %get3A_873 = arith.index_cast %add3A_872 : i32 to index
        %get3A_874 = arith.constant 224 : index
        %get3A_875 = tpu.vector_load %arg8[%get3A_873, %get3A_874] {strides = array<i32>} : memref<96x256xf32, #tpu.memory_space<vmem>>, vector<16xf32>,
        %mul3A_876 = arith.mulf %gather3A_478, %get3A_875 : vector<16xf32>
        %add3A_877 = arith.addf %mul3A_868, %mul3A_876 : vector<16xf32>
        %mul3A_878 = arith.constant 3 : i32
        %mul3A_879 = arith.muli %mul3A_878, %scan3A_468 : i32
        %add3A_880 = arith.constant 2 : i32
        %add3A_881 = arith.addi %mul3A_879, %add3A_880 : i32
        %get3A_882 = arith.index_cast %add3A_881 : i32 to index
        %get3A_883 = arith.constant 224 : index
        %get3A_884 = tpu.vector_load %arg8[%get3A_882, %get3A_883] {strides = array<i32>} : memref<96x256xf32, #tpu.memory_space<vmem>>, vector<16xf32>,
        %mul3A_885 = arith.mulf %gather3A_484, %get3A_884 : vector<16xf32>
        %add3A_886 = arith.addf %add3A_877, %mul3A_885 : vector<16xf32>
        %swap3A_887 = arith.index_cast %scan3A_468 : i32 to index
        %swap3A_888 = arith.constant 224 : index
        %swap3A_889 = tpu.vector_load %arg9[%swap3A_887, %swap3A_888] {strides = array<i32>} : memref<32x256xf32, #tpu.memory_space<vmem>>, vector<16xf32>,
        tpu.vector_store %arg9[%swap3A_887, %swap3A_888], %add3A_886 {strides = array<i32>} : memref<32x256xf32, #tpu.memory_space<vmem>>, vector<16xf32>,
        %mul3A_890 = arith.constant 3 : i32
        %mul3A_891 = arith.muli %mul3A_890, %scan3A_468 : i32
        %get3A_892 = arith.index_cast %mul3A_891 : i32 to index
        %get3A_893 = arith.constant 240 : index
        %get3A_894 = tpu.vector_load %arg8[%get3A_892, %get3A_893] {strides = array<i32>} : memref<96x256xf32, #tpu.memory_space<vmem>>, vector<16xf32>,
        %mul3A_895 = arith.mulf %gather3A_472, %get3A_894 : vector<16xf32>
        %mul3A_896 = arith.constant 3 : i32
        %mul3A_897 = arith.muli %mul3A_896, %scan3A_468 : i32
        %add3A_898 = arith.constant 1 : i32
        %add3A_899 = arith.addi %mul3A_897, %add3A_898 : i32
        %get3A_900 = arith.index_cast %add3A_899 : i32 to index
        %get3A_901 = arith.constant 240 : index
        %get3A_902 = tpu.vector_load %arg8[%get3A_900, %get3A_901] {strides = array<i32>} : memref<96x256xf32, #tpu.memory_space<vmem>>, vector<16xf32>,
        %mul3A_903 = arith.mulf %gather3A_478, %get3A_902 : vector<16xf32>
        %add3A_904 = arith.addf %mul3A_895, %mul3A_903 : vector<16xf32>
        %mul3A_905 = arith.constant 3 : i32
        %mul3A_906 = arith.muli %mul3A_905, %scan3A_468 : i32
        %add3A_907 = arith.constant 2 : i32
        %add3A_908 = arith.addi %mul3A_906, %add3A_907 : i32
        %get3A_909 = arith.index_cast %add3A_908 : i32 to index
        %get3A_910 = arith.constant 240 : index
        %get3A_911 = tpu.vector_load %arg8[%get3A_909, %get3A_910] {strides = array<i32>} : memref<96x256xf32, #tpu.memory_space<vmem>>, vector<16xf32>,
        %mul3A_912 = arith.mulf %gather3A_484, %get3A_911 : vector<16xf32>
        %add3A_913 = arith.addf %add3A_904, %mul3A_912 : vector<16xf32>
        %swap3A_914 = arith.index_cast %scan3A_468 : i32 to index
        %swap3A_915 = arith.constant 240 : index
        %swap3A_916 = tpu.vector_load %arg9[%swap3A_914, %swap3A_915] {strides = array<i32>} : memref<32x256xf32, #tpu.memory_space<vmem>>, vector<16xf32>,
        tpu.vector_store %arg9[%swap3A_914, %swap3A_915], %add3A_913 {strides = array<i32>} : memref<32x256xf32, #tpu.memory_space<vmem>>, vector<16xf32>,
        %scan3A_917 = arith.constant 2 : i32
        %scan3A_918 = arith.addi %scan3A_22, %scan3A_917 : i32
        %mul3A_919 = arith.constant 3 : i32
        %mul3A_920 = arith.muli %mul3A_919, %scan3A_918 : i32
        %broadcast_in_dim3A_921 = vector.broadcast %mul3A_920 : i32 to vector<16xi32>
        %gather3A_922 = tpu.vector_load_idx %arg7[%broadcast_in_dim3A_921] : memref<96xf32, #tpu.memory_space<vmem>>[vector<16xi32>], vector<16xf32>,
        %mul3A_923 = arith.constant 3 : i32
        %mul3A_924 = arith.muli %mul3A_923, %scan3A_918 : i32
        %add3A_925 = arith.constant 1 : i32
        %add3A_926 = arith.addi %mul3A_924, %add3A_925 : i32
        %broadcast_in_dim3A_927 = vector.broadcast %add3A_926 : i32 to vector<16xi32>
        %gather3A_928 = tpu.vector_load_idx %arg7[%broadcast_in_dim3A_927] : memref<96xf32, #tpu.memory_space<vmem>>[vector<16xi32>], vector<16xf32>,
        %mul3A_929 = arith.constant 3 : i32
        %mul3A_930 = arith.muli %mul3A_929, %scan3A_918 : i32
        %add3A_931 = arith.constant 2 : i32
        %add3A_932 = arith.addi %mul3A_930, %add3A_931 : i32
        %broadcast_in_dim3A_933 = vector.broadcast %add3A_932 : i32 to vector<16xi32>
        %gather3A_934 = tpu.vector_load_idx %arg7[%broadcast_in_dim3A_933] : memref<96xf32, #tpu.memory_space<vmem>>[vector<16xi32>], vector<16xf32>,
        %mul3A_935 = arith.constant 3 : i32
        %mul3A_936 = arith.muli %mul3A_935, %scan3A_918 : i32
        %get3A_937 = arith.index_cast %mul3A_936 : i32 to index
        %get3A_938 = arith.constant 0 : index
        %get3A_939 = tpu.vector_load %arg8[%get3A_937, %get3A_938] {strides = array<i32>} : memref<96x256xf32, #tpu.memory_space<vmem>>, vector<16xf32>,
        %mul3A_940 = arith.mulf %gather3A_922, %get3A_939 : vector<16xf32>
        %mul3A_941 = arith.constant 3 : i32
        %mul3A_942 = arith.muli %mul3A_941, %scan3A_918 : i32
        %add3A_943 = arith.constant 1 : i32
        %add3A_944 = arith.addi %mul3A_942, %add3A_943 : i32
        %get3A_945 = arith.index_cast %add3A_944 : i32 to index
        %get3A_946 = arith.constant 0 : index
        %get3A_947 = tpu.vector_load %arg8[%get3A_945, %get3A_946] {strides = array<i32>} : memref<96x256xf32, #tpu.memory_space<vmem>>, vector<16xf32>,
        %mul3A_948 = arith.mulf %gather3A_928, %get3A_947 : vector<16xf32>
        %add3A_949 = arith.addf %mul3A_940, %mul3A_948 : vector<16xf32>
        %mul3A_950 = arith.constant 3 : i32
        %mul3A_951 = arith.muli %mul3A_950, %scan3A_918 : i32
        %add3A_952 = arith.constant 2 : i32
        %add3A_953 = arith.addi %mul3A_951, %add3A_952 : i32
        %get3A_954 = arith.index_cast %add3A_953 : i32 to index
        %get3A_955 = arith.constant 0 : index
        %get3A_956 = tpu.vector_load %arg8[%get3A_954, %get3A_955] {strides = array<i32>} : memref<96x256xf32, #tpu.memory_space<vmem>>, vector<16xf32>,
        %mul3A_957 = arith.mulf %gather3A_934, %get3A_956 : vector<16xf32>
        %add3A_958 = arith.addf %add3A_949, %mul3A_957 : vector<16xf32>
        %swap3A_959 = arith.index_cast %scan3A_918 : i32 to index
        %swap3A_960 = arith.constant 0 : index
        %swap3A_961 = tpu.vector_load %arg9[%swap3A_959, %swap3A_960] {strides = array<i32>} : memref<32x256xf32, #tpu.memory_space<vmem>>, vector<16xf32>,
        tpu.vector_store %arg9[%swap3A_959, %swap3A_960], %add3A_958 {strides = array<i32>} : memref<32x256xf32, #tpu.memory_space<vmem>>, vector<16xf32>,
        %mul3A_962 = arith.constant 3 : i32
        %mul3A_963 = arith.muli %mul3A_962, %scan3A_918 : i32
        %get3A_964 = arith.index_cast %mul3A_963 : i32 to index
        %get3A_965 = arith.constant 16 : index
        %get3A_966 = tpu.vector_load %arg8[%get3A_964, %get3A_965] {strides = array<i32>} : memref<96x256xf32, #tpu.memory_space<vmem>>, vector<16xf32>,
        %mul3A_967 = arith.mulf %gather3A_922, %get3A_966 : vector<16xf32>
        %mul3A_968 = arith.constant 3 : i32
        %mul3A_969 = arith.muli %mul3A_968, %scan3A_918 : i32
        %add3A_970 = arith.constant 1 : i32
        %add3A_971 = arith.addi %mul3A_969, %add3A_970 : i32
        %get3A_972 = arith.index_cast %add3A_971 : i32 to index
        %get3A_973 = arith.constant 16 : index
        %get3A_974 = tpu.vector_load %arg8[%get3A_972, %get3A_973] {strides = array<i32>} : memref<96x256xf32, #tpu.memory_space<vmem>>, vector<16xf32>,
        %mul3A_975 = arith.mulf %gather3A_928, %get3A_974 : vector<16xf32>
        %add3A_976 = arith.addf %mul3A_967, %mul3A_975 : vector<16xf32>
        %mul3A_977 = arith.constant 3 : i32
        %mul3A_978 = arith.muli %mul3A_977, %scan3A_918 : i32
        %add3A_979 = arith.constant 2 : i32
        %add3A_980 = arith.addi %mul3A_978, %add3A_979 : i32
        %get3A_981 = arith.index_cast %add3A_980 : i32 to index
        %get3A_982 = arith.constant 16 : index
        %get3A_983 = tpu.vector_load %arg8[%get3A_981, %get3A_982] {strides = array<i32>} : memref<96x256xf32, #tpu.memory_space<vmem>>, vector<16xf32>,
        %mul3A_984 = arith.mulf %gather3A_934, %get3A_983 : vector<16xf32>
        %add3A_985 = arith.addf %add3A_976, %mul3A_984 : vector<16xf32>
        %swap3A_986 = arith.index_cast %scan3A_918 : i32 to index
        %swap3A_987 = arith.constant 16 : index
        %swap3A_988 = tpu.vector_load %arg9[%swap3A_986, %swap3A_987] {strides = array<i32>} : memref<32x256xf32, #tpu.memory_space<vmem>>, vector<16xf32>,
        tpu.vector_store %arg9[%swap3A_986, %swap3A_987], %add3A_985 {strides = array<i32>} : memref<32x256xf32, #tpu.memory_space<vmem>>, vector<16xf32>,
        %mul3A_989 = arith.constant 3 : i32
        %mul3A_990 = arith.muli %mul3A_989, %scan3A_918 : i32
        %get3A_991 = arith.index_cast %mul3A_990 : i32 to index
        %get3A_992 = arith.constant 32 : index
        %get3A_993 = tpu.vector_load %arg8[%get3A_991, %get3A_992] {strides = array<i32>} : memref<96x256xf32, #tpu.memory_space<vmem>>, vector<16xf32>,
        %mul3A_994 = arith.mulf %gather3A_922, %get3A_993 : vector<16xf32>
        %mul3A_995 = arith.constant 3 : i32
        %mul3A_996 = arith.muli %mul3A_995, %scan3A_918 : i32
        %add3A_997 = arith.constant 1 : i32
        %add3A_998 = arith.addi %mul3A_996, %add3A_997 : i32
        %get3A_999 = arith.index_cast %add3A_998 : i32 to index
        %get3A_1000 = arith.constant 32 : index
        %get3A_1001 = tpu.vector_load %arg8[%get3A_999, %get3A_1000] {strides = array<i32>} : memref<96x256xf32, #tpu.memory_space<vmem>>, vector<16xf32>,
        %mul3A_1002 = arith.mulf %gather3A_928, %get3A_1001 : vector<16xf32>
        %add3A_1003 = arith.addf %mul3A_994, %mul3A_1002 : vector<16xf32>
        %mul3A_1004 = arith.constant 3 : i32
        %mul3A_1005 = arith.muli %mul3A_1004, %scan3A_918 : i32
        %add3A_1006 = arith.constant 2 : i32
        %add3A_1007 = arith.addi %mul3A_1005, %add3A_1006 : i32
        %get3A_1008 = arith.index_cast %add3A_1007 : i32 to index
        %get3A_1009 = arith.constant 32 : index
        %get3A_1010 = tpu.vector_load %arg8[%get3A_1008, %get3A_1009] {strides = array<i32>} : memref<96x256xf32, #tpu.memory_space<vmem>>, vector<16xf32>,
        %mul3A_1011 = arith.mulf %gather3A_934, %get3A_1010 : vector<16xf32>
        %add3A_1012 = arith.addf %add3A_1003, %mul3A_1011 : vector<16xf32>
        %swap3A_1013 = arith.index_cast %scan3A_918 : i32 to index
        %swap3A_1014 = arith.constant 32 : index
        %swap3A_1015 = tpu.vector_load %arg9[%swap3A_1013, %swap3A_1014] {strides = array<i32>} : memref<32x256xf32, #tpu.memory_space<vmem>>, vector<16xf32>,
        tpu.vector_store %arg9[%swap3A_1013, %swap3A_1014], %add3A_1012 {strides = array<i32>} : memref<32x256xf32, #tpu.memory_space<vmem>>, vector<16xf32>,
        %mul3A_1016 = arith.constant 3 : i32
        %mul3A_1017 = arith.muli %mul3A_1016, %scan3A_918 : i32
        %get3A_1018 = arith.index_cast %mul3A_1017 : i32 to index
        %get3A_1019 = arith.constant 48 : index
        %get3A_1020 = tpu.vector_load %arg8[%get3A_1018, %get3A_1019] {strides = array<i32>} : memref<96x256xf32, #tpu.memory_space<vmem>>, vector<16xf32>,
        %mul3A_1021 = arith.mulf %gather3A_922, %get3A_1020 : vector<16xf32>
        %mul3A_1022 = arith.constant 3 : i32
        %mul3A_1023 = arith.muli %mul3A_1022, %scan3A_918 : i32
        %add3A_1024 = arith.constant 1 : i32
        %add3A_1025 = arith.addi %mul3A_1023, %add3A_1024 : i32
        %get3A_1026 = arith.index_cast %add3A_1025 : i32 to index
        %get3A_1027 = arith.constant 48 : index
        %get3A_1028 = tpu.vector_load %arg8[%get3A_1026, %get3A_1027] {strides = array<i32>} : memref<96x256xf32, #tpu.memory_space<vmem>>, vector<16xf32>,
        %mul3A_1029 = arith.mulf %gather3A_928, %get3A_1028 : vector<16xf32>
        %add3A_1030 = arith.addf %mul3A_1021, %mul3A_1029 : vector<16xf32>
        %mul3A_1031 = arith.constant 3 : i32
        %mul3A_1032 = arith.muli %mul3A_1031, %scan3A_918 : i32
        %add3A_1033 = arith.constant 2 : i32
        %add3A_1034 = arith.addi %mul3A_1032, %add3A_1033 : i32
        %get3A_1035 = arith.index_cast %add3A_1034 : i32 to index
        %get3A_1036 = arith.constant 48 : index
        %get3A_1037 = tpu.vector_load %arg8[%get3A_1035, %get3A_1036] {strides = array<i32>} : memref<96x256xf32, #tpu.memory_space<vmem>>, vector<16xf32>,
        %mul3A_1038 = arith.mulf %gather3A_934, %get3A_1037 : vector<16xf32>
        %add3A_1039 = arith.addf %add3A_1030, %mul3A_1038 : vector<16xf32>
        %swap3A_1040 = arith.index_cast %scan3A_918 : i32 to index
        %swap3A_1041 = arith.constant 48 : index
        %swap3A_1042 = tpu.vector_load %arg9[%swap3A_1040, %swap3A_1041] {strides = array<i32>} : memref<32x256xf32, #tpu.memory_space<vmem>>, vector<16xf32>,
        tpu.vector_store %arg9[%swap3A_1040, %swap3A_1041], %add3A_1039 {strides = array<i32>} : memref<32x256xf32, #tpu.memory_space<vmem>>, vector<16xf32>,
        %mul3A_1043 = arith.constant 3 : i32
        %mul3A_1044 = arith.muli %mul3A_1043, %scan3A_918 : i32
        %get3A_1045 = arith.index_cast %mul3A_1044 : i32 to index
        %get3A_1046 = arith.constant 64 : index
        %get3A_1047 = tpu.vector_load %arg8[%get3A_1045, %get3A_1046] {strides = array<i32>} : memref<96x256xf32, #tpu.memory_space<vmem>>, vector<16xf32>,
        %mul3A_1048 = arith.mulf %gather3A_922, %get3A_1047 : vector<16xf32>
        %mul3A_1049 = arith.constant 3 : i32
        %mul3A_1050 = arith.muli %mul3A_1049, %scan3A_918 : i32
        %add3A_1051 = arith.constant 1 : i32
        %add3A_1052 = arith.addi %mul3A_1050, %add3A_1051 : i32
        %get3A_1053 = arith.index_cast %add3A_1052 : i32 to index
        %get3A_1054 = arith.constant 64 : index
        %get3A_1055 = tpu.vector_load %arg8[%get3A_1053, %get3A_1054] {strides = array<i32>} : memref<96x256xf32, #tpu.memory_space<vmem>>, vector<16xf32>,
        %mul3A_1056 = arith.mulf %gather3A_928, %get3A_1055 : vector<16xf32>
        %add3A_1057 = arith.addf %mul3A_1048, %mul3A_1056 : vector<16xf32>
        %mul3A_1058 = arith.constant 3 : i32
        %mul3A_1059 = arith.muli %mul3A_1058, %scan3A_918 : i32
        %add3A_1060 = arith.constant 2 : i32
        %add3A_1061 = arith.addi %mul3A_1059, %add3A_1060 : i32
        %get3A_1062 = arith.index_cast %add3A_1061 : i32 to index
        %get3A_1063 = arith.constant 64 : index
        %get3A_1064 = tpu.vector_load %arg8[%get3A_1062, %get3A_1063] {strides = array<i32>} : memref<96x256xf32, #tpu.memory_space<vmem>>, vector<16xf32>,
        %mul3A_1065 = arith.mulf %gather3A_934, %get3A_1064 : vector<16xf32>
        %add3A_1066 = arith.addf %add3A_1057, %mul3A_1065 : vector<16xf32>
        %swap3A_1067 = arith.index_cast %scan3A_918 : i32 to index
        %swap3A_1068 = arith.constant 64 : index
        %swap3A_1069 = tpu.vector_load %arg9[%swap3A_1067, %swap3A_1068] {strides = array<i32>} : memref<32x256xf32, #tpu.memory_space<vmem>>, vector<16xf32>,
        tpu.vector_store %arg9[%swap3A_1067, %swap3A_1068], %add3A_1066 {strides = array<i32>} : memref<32x256xf32, #tpu.memory_space<vmem>>, vector<16xf32>,
        %mul3A_1070 = arith.constant 3 : i32
        %mul3A_1071 = arith.muli %mul3A_1070, %scan3A_918 : i32
        %get3A_1072 = arith.index_cast %mul3A_1071 : i32 to index
        %get3A_1073 = arith.constant 80 : index
        %get3A_1074 = tpu.vector_load %arg8[%get3A_1072, %get3A_1073] {strides = array<i32>} : memref<96x256xf32, #tpu.memory_space<vmem>>, vector<16xf32>,
        %mul3A_1075 = arith.mulf %gather3A_922, %get3A_1074 : vector<16xf32>
        %mul3A_1076 = arith.constant 3 : i32
        %mul3A_1077 = arith.muli %mul3A_1076, %scan3A_918 : i32
        %add3A_1078 = arith.constant 1 : i32
        %add3A_1079 = arith.addi %mul3A_1077, %add3A_1078 : i32
        %get3A_1080 = arith.index_cast %add3A_1079 : i32 to index
        %get3A_1081 = arith.constant 80 : index
        %get3A_1082 = tpu.vector_load %arg8[%get3A_1080, %get3A_1081] {strides = array<i32>} : memref<96x256xf32, #tpu.memory_space<vmem>>, vector<16xf32>,
        %mul3A_1083 = arith.mulf %gather3A_928, %get3A_1082 : vector<16xf32>
        %add3A_1084 = arith.addf %mul3A_1075, %mul3A_1083 : vector<16xf32>
        %mul3A_1085 = arith.constant 3 : i32
        %mul3A_1086 = arith.muli %mul3A_1085, %scan3A_918 : i32
        %add3A_1087 = arith.constant 2 : i32
        %add3A_1088 = arith.addi %mul3A_1086, %add3A_1087 : i32
        %get3A_1089 = arith.index_cast %add3A_1088 : i32 to index
        %get3A_1090 = arith.constant 80 : index
        %get3A_1091 = tpu.vector_load %arg8[%get3A_1089, %get3A_1090] {strides = array<i32>} : memref<96x256xf32, #tpu.memory_space<vmem>>, vector<16xf32>,
        %mul3A_1092 = arith.mulf %gather3A_934, %get3A_1091 : vector<16xf32>
        %add3A_1093 = arith.addf %add3A_1084, %mul3A_1092 : vector<16xf32>
        %swap3A_1094 = arith.index_cast %scan3A_918 : i32 to index
        %swap3A_1095 = arith.constant 80 : index
        %swap3A_1096 = tpu.vector_load %arg9[%swap3A_1094, %swap3A_1095] {strides = array<i32>} : memref<32x256xf32, #tpu.memory_space<vmem>>, vector<16xf32>,
        tpu.vector_store %arg9[%swap3A_1094, %swap3A_1095], %add3A_1093 {strides = array<i32>} : memref<32x256xf32, #tpu.memory_space<vmem>>, vector<16xf32>,
        %mul3A_1097 = arith.constant 3 : i32
        %mul3A_1098 = arith.muli %mul3A_1097, %scan3A_918 : i32
        %get3A_1099 = arith.index_cast %mul3A_1098 : i32 to index
        %get3A_1100 = arith.constant 96 : index
        %get3A_1101 = tpu.vector_load %arg8[%get3A_1099, %get3A_1100] {strides = array<i32>} : memref<96x256xf32, #tpu.memory_space<vmem>>, vector<16xf32>,
        %mul3A_1102 = arith.mulf %gather3A_922, %get3A_1101 : vector<16xf32>
        %mul3A_1103 = arith.constant 3 : i32
        %mul3A_1104 = arith.muli %mul3A_1103, %scan3A_918 : i32
        %add3A_1105 = arith.constant 1 : i32
        %add3A_1106 = arith.addi %mul3A_1104, %add3A_1105 : i32
        %get3A_1107 = arith.index_cast %add3A_1106 : i32 to index
        %get3A_1108 = arith.constant 96 : index
        %get3A_1109 = tpu.vector_load %arg8[%get3A_1107, %get3A_1108] {strides = array<i32>} : memref<96x256xf32, #tpu.memory_space<vmem>>, vector<16xf32>,
        %mul3A_1110 = arith.mulf %gather3A_928, %get3A_1109 : vector<16xf32>
        %add3A_1111 = arith.addf %mul3A_1102, %mul3A_1110 : vector<16xf32>
        %mul3A_1112 = arith.constant 3 : i32
        %mul3A_1113 = arith.muli %mul3A_1112, %scan3A_918 : i32
        %add3A_1114 = arith.constant 2 : i32
        %add3A_1115 = arith.addi %mul3A_1113, %add3A_1114 : i32
        %get3A_1116 = arith.index_cast %add3A_1115 : i32 to index
        %get3A_1117 = arith.constant 96 : index
        %get3A_1118 = tpu.vector_load %arg8[%get3A_1116, %get3A_1117] {strides = array<i32>} : memref<96x256xf32, #tpu.memory_space<vmem>>, vector<16xf32>,
        %mul3A_1119 = arith.mulf %gather3A_934, %get3A_1118 : vector<16xf32>
        %add3A_1120 = arith.addf %add3A_1111, %mul3A_1119 : vector<16xf32>
        %swap3A_1121 = arith.index_cast %scan3A_918 : i32 to index
        %swap3A_1122 = arith.constant 96 : index
        %swap3A_1123 = tpu.vector_load %arg9[%swap3A_1121, %swap3A_1122] {strides = array<i32>} : memref<32x256xf32, #tpu.memory_space<vmem>>, vector<16xf32>,
        tpu.vector_store %arg9[%swap3A_1121, %swap3A_1122], %add3A_1120 {strides = array<i32>} : memref<32x256xf32, #tpu.memory_space<vmem>>, vector<16xf32>,
        %mul3A_1124 = arith.constant 3 : i32
        %mul3A_1125 = arith.muli %mul3A_1124, %scan3A_918 : i32
        %get3A_1126 = arith.index_cast %mul3A_1125 : i32 to index
        %get3A_1127 = arith.constant 112 : index
        %get3A_1128 = tpu.vector_load %arg8[%get3A_1126, %get3A_1127] {strides = array<i32>} : memref<96x256xf32, #tpu.memory_space<vmem>>, vector<16xf32>,
        %mul3A_1129 = arith.mulf %gather3A_922, %get3A_1128 : vector<16xf32>
        %mul3A_1130 = arith.constant 3 : i32
        %mul3A_1131 = arith.muli %mul3A_1130, %scan3A_918 : i32
        %add3A_1132 = arith.constant 1 : i32
        %add3A_1133 = arith.addi %mul3A_1131, %add3A_1132 : i32
        %get3A_1134 = arith.index_cast %add3A_1133 : i32 to index
        %get3A_1135 = arith.constant 112 : index
        %get3A_1136 = tpu.vector_load %arg8[%get3A_1134, %get3A_1135] {strides = array<i32>} : memref<96x256xf32, #tpu.memory_space<vmem>>, vector<16xf32>,
        %mul3A_1137 = arith.mulf %gather3A_928, %get3A_1136 : vector<16xf32>
        %add3A_1138 = arith.addf %mul3A_1129, %mul3A_1137 : vector<16xf32>
        %mul3A_1139 = arith.constant 3 : i32
        %mul3A_1140 = arith.muli %mul3A_1139, %scan3A_918 : i32
        %add3A_1141 = arith.constant 2 : i32
        %add3A_1142 = arith.addi %mul3A_1140, %add3A_1141 : i32
        %get3A_1143 = arith.index_cast %add3A_1142 : i32 to index
        %get3A_1144 = arith.constant 112 : index
        %get3A_1145 = tpu.vector_load %arg8[%get3A_1143, %get3A_1144] {strides = array<i32>} : memref<96x256xf32, #tpu.memory_space<vmem>>, vector<16xf32>,
        %mul3A_1146 = arith.mulf %gather3A_934, %get3A_1145 : vector<16xf32>
        %add3A_1147 = arith.addf %add3A_1138, %mul3A_1146 : vector<16xf32>
        %swap3A_1148 = arith.index_cast %scan3A_918 : i32 to index
        %swap3A_1149 = arith.constant 112 : index
        %swap3A_1150 = tpu.vector_load %arg9[%swap3A_1148, %swap3A_1149] {strides = array<i32>} : memref<32x256xf32, #tpu.memory_space<vmem>>, vector<16xf32>,
        tpu.vector_store %arg9[%swap3A_1148, %swap3A_1149], %add3A_1147 {strides = array<i32>} : memref<32x256xf32, #tpu.memory_space<vmem>>, vector<16xf32>,
        %mul3A_1151 = arith.constant 3 : i32
        %mul3A_1152 = arith.muli %mul3A_1151, %scan3A_918 : i32
        %get3A_1153 = arith.index_cast %mul3A_1152 : i32 to index
        %get3A_1154 = arith.constant 128 : index
        %get3A_1155 = tpu.vector_load %arg8[%get3A_1153, %get3A_1154] {strides = array<i32>} : memref<96x256xf32, #tpu.memory_space<vmem>>, vector<16xf32>,
        %mul3A_1156 = arith.mulf %gather3A_922, %get3A_1155 : vector<16xf32>
        %mul3A_1157 = arith.constant 3 : i32
        %mul3A_1158 = arith.muli %mul3A_1157, %scan3A_918 : i32
        %add3A_1159 = arith.constant 1 : i32
        %add3A_1160 = arith.addi %mul3A_1158, %add3A_1159 : i32
        %get3A_1161 = arith.index_cast %add3A_1160 : i32 to index
        %get3A_1162 = arith.constant 128 : index
        %get3A_1163 = tpu.vector_load %arg8[%get3A_1161, %get3A_1162] {strides = array<i32>} : memref<96x256xf32, #tpu.memory_space<vmem>>, vector<16xf32>,
        %mul3A_1164 = arith.mulf %gather3A_928, %get3A_1163 : vector<16xf32>
        %add3A_1165 = arith.addf %mul3A_1156, %mul3A_1164 : vector<16xf32>
        %mul3A_1166 = arith.constant 3 : i32
        %mul3A_1167 = arith.muli %mul3A_1166, %scan3A_918 : i32
        %add3A_1168 = arith.constant 2 : i32
        %add3A_1169 = arith.addi %mul3A_1167, %add3A_1168 : i32
        %get3A_1170 = arith.index_cast %add3A_1169 : i32 to index
        %get3A_1171 = arith.constant 128 : index
        %get3A_1172 = tpu.vector_load %arg8[%get3A_1170, %get3A_1171] {strides = array<i32>} : memref<96x256xf32, #tpu.memory_space<vmem>>, vector<16xf32>,
        %mul3A_1173 = arith.mulf %gather3A_934, %get3A_1172 : vector<16xf32>
        %add3A_1174 = arith.addf %add3A_1165, %mul3A_1173 : vector<16xf32>
        %swap3A_1175 = arith.index_cast %scan3A_918 : i32 to index
        %swap3A_1176 = arith.constant 128 : index
        %swap3A_1177 = tpu.vector_load %arg9[%swap3A_1175, %swap3A_1176] {strides = array<i32>} : memref<32x256xf32, #tpu.memory_space<vmem>>, vector<16xf32>,
        tpu.vector_store %arg9[%swap3A_1175, %swap3A_1176], %add3A_1174 {strides = array<i32>} : memref<32x256xf32, #tpu.memory_space<vmem>>, vector<16xf32>,
        %mul3A_1178 = arith.constant 3 : i32
        %mul3A_1179 = arith.muli %mul3A_1178, %scan3A_918 : i32
        %get3A_1180 = arith.index_cast %mul3A_1179 : i32 to index
        %get3A_1181 = arith.constant 144 : index
        %get3A_1182 = tpu.vector_load %arg8[%get3A_1180, %get3A_1181] {strides = array<i32>} : memref<96x256xf32, #tpu.memory_space<vmem>>, vector<16xf32>,
        %mul3A_1183 = arith.mulf %gather3A_922, %get3A_1182 : vector<16xf32>
        %mul3A_1184 = arith.constant 3 : i32
        %mul3A_1185 = arith.muli %mul3A_1184, %scan3A_918 : i32
        %add3A_1186 = arith.constant 1 : i32
        %add3A_1187 = arith.addi %mul3A_1185, %add3A_1186 : i32
        %get3A_1188 = arith.index_cast %add3A_1187 : i32 to index
        %get3A_1189 = arith.constant 144 : index
        %get3A_1190 = tpu.vector_load %arg8[%get3A_1188, %get3A_1189] {strides = array<i32>} : memref<96x256xf32, #tpu.memory_space<vmem>>, vector<16xf32>,
        %mul3A_1191 = arith.mulf %gather3A_928, %get3A_1190 : vector<16xf32>
        %add3A_1192 = arith.addf %mul3A_1183, %mul3A_1191 : vector<16xf32>
        %mul3A_1193 = arith.constant 3 : i32
        %mul3A_1194 = arith.muli %mul3A_1193, %scan3A_918 : i32
        %add3A_1195 = arith.constant 2 : i32
        %add3A_1196 = arith.addi %mul3A_1194, %add3A_1195 : i32
        %get3A_1197 = arith.index_cast %add3A_1196 : i32 to index
        %get3A_1198 = arith.constant 144 : index
        %get3A_1199 = tpu.vector_load %arg8[%get3A_1197, %get3A_1198] {strides = array<i32>} : memref<96x256xf32, #tpu.memory_space<vmem>>, vector<16xf32>,
        %mul3A_1200 = arith.mulf %gather3A_934, %get3A_1199 : vector<16xf32>
        %add3A_1201 = arith.addf %add3A_1192, %mul3A_1200 : vector<16xf32>
        %swap3A_1202 = arith.index_cast %scan3A_918 : i32 to index
        %swap3A_1203 = arith.constant 144 : index
        %swap3A_1204 = tpu.vector_load %arg9[%swap3A_1202, %swap3A_1203] {strides = array<i32>} : memref<32x256xf32, #tpu.memory_space<vmem>>, vector<16xf32>,
        tpu.vector_store %arg9[%swap3A_1202, %swap3A_1203], %add3A_1201 {strides = array<i32>} : memref<32x256xf32, #tpu.memory_space<vmem>>, vector<16xf32>,
        %mul3A_1205 = arith.constant 3 : i32
        %mul3A_1206 = arith.muli %mul3A_1205, %scan3A_918 : i32
        %get3A_1207 = arith.index_cast %mul3A_1206 : i32 to index
        %get3A_1208 = arith.constant 160 : index
        %get3A_1209 = tpu.vector_load %arg8[%get3A_1207, %get3A_1208] {strides = array<i32>} : memref<96x256xf32, #tpu.memory_space<vmem>>, vector<16xf32>,
        %mul3A_1210 = arith.mulf %gather3A_922, %get3A_1209 : vector<16xf32>
        %mul3A_1211 = arith.constant 3 : i32
        %mul3A_1212 = arith.muli %mul3A_1211, %scan3A_918 : i32
        %add3A_1213 = arith.constant 1 : i32
        %add3A_1214 = arith.addi %mul3A_1212, %add3A_1213 : i32
        %get3A_1215 = arith.index_cast %add3A_1214 : i32 to index
        %get3A_1216 = arith.constant 160 : index
        %get3A_1217 = tpu.vector_load %arg8[%get3A_1215, %get3A_1216] {strides = array<i32>} : memref<96x256xf32, #tpu.memory_space<vmem>>, vector<16xf32>,
        %mul3A_1218 = arith.mulf %gather3A_928, %get3A_1217 : vector<16xf32>
        %add3A_1219 = arith.addf %mul3A_1210, %mul3A_1218 : vector<16xf32>
        %mul3A_1220 = arith.constant 3 : i32
        %mul3A_1221 = arith.muli %mul3A_1220, %scan3A_918 : i32
        %add3A_1222 = arith.constant 2 : i32
        %add3A_1223 = arith.addi %mul3A_1221, %add3A_1222 : i32
        %get3A_1224 = arith.index_cast %add3A_1223 : i32 to index
        %get3A_1225 = arith.constant 160 : index
        %get3A_1226 = tpu.vector_load %arg8[%get3A_1224, %get3A_1225] {strides = array<i32>} : memref<96x256xf32, #tpu.memory_space<vmem>>, vector<16xf32>,
        %mul3A_1227 = arith.mulf %gather3A_934, %get3A_1226 : vector<16xf32>
        %add3A_1228 = arith.addf %add3A_1219, %mul3A_1227 : vector<16xf32>
        %swap3A_1229 = arith.index_cast %scan3A_918 : i32 to index
        %swap3A_1230 = arith.constant 160 : index
        %swap3A_1231 = tpu.vector_load %arg9[%swap3A_1229, %swap3A_1230] {strides = array<i32>} : memref<32x256xf32, #tpu.memory_space<vmem>>, vector<16xf32>,
        tpu.vector_store %arg9[%swap3A_1229, %swap3A_1230], %add3A_1228 {strides = array<i32>} : memref<32x256xf32, #tpu.memory_space<vmem>>, vector<16xf32>,
        %mul3A_1232 = arith.constant 3 : i32
        %mul3A_1233 = arith.muli %mul3A_1232, %scan3A_918 : i32
        %get3A_1234 = arith.index_cast %mul3A_1233 : i32 to index
        %get3A_1235 = arith.constant 176 : index
        %get3A_1236 = tpu.vector_load %arg8[%get3A_1234, %get3A_1235] {strides = array<i32>} : memref<96x256xf32, #tpu.memory_space<vmem>>, vector<16xf32>,
        %mul3A_1237 = arith.mulf %gather3A_922, %get3A_1236 : vector<16xf32>
        %mul3A_1238 = arith.constant 3 : i32
        %mul3A_1239 = arith.muli %mul3A_1238, %scan3A_918 : i32
        %add3A_1240 = arith.constant 1 : i32
        %add3A_1241 = arith.addi %mul3A_1239, %add3A_1240 : i32
        %get3A_1242 = arith.index_cast %add3A_1241 : i32 to index
        %get3A_1243 = arith.constant 176 : index
        %get3A_1244 = tpu.vector_load %arg8[%get3A_1242, %get3A_1243] {strides = array<i32>} : memref<96x256xf32, #tpu.memory_space<vmem>>, vector<16xf32>,
        %mul3A_1245 = arith.mulf %gather3A_928, %get3A_1244 : vector<16xf32>
        %add3A_1246 = arith.addf %mul3A_1237, %mul3A_1245 : vector<16xf32>
        %mul3A_1247 = arith.constant 3 : i32
        %mul3A_1248 = arith.muli %mul3A_1247, %scan3A_918 : i32
        %add3A_1249 = arith.constant 2 : i32
        %add3A_1250 = arith.addi %mul3A_1248, %add3A_1249 : i32
        %get3A_1251 = arith.index_cast %add3A_1250 : i32 to index
        %get3A_1252 = arith.constant 176 : index
        %get3A_1253 = tpu.vector_load %arg8[%get3A_1251, %get3A_1252] {strides = array<i32>} : memref<96x256xf32, #tpu.memory_space<vmem>>, vector<16xf32>,
        %mul3A_1254 = arith.mulf %gather3A_934, %get3A_1253 : vector<16xf32>
        %add3A_1255 = arith.addf %add3A_1246, %mul3A_1254 : vector<16xf32>
        %swap3A_1256 = arith.index_cast %scan3A_918 : i32 to index
        %swap3A_1257 = arith.constant 176 : index
        %swap3A_1258 = tpu.vector_load %arg9[%swap3A_1256, %swap3A_1257] {strides = array<i32>} : memref<32x256xf32, #tpu.memory_space<vmem>>, vector<16xf32>,
        tpu.vector_store %arg9[%swap3A_1256, %swap3A_1257], %add3A_1255 {strides = array<i32>} : memref<32x256xf32, #tpu.memory_space<vmem>>, vector<16xf32>,
        %mul3A_1259 = arith.constant 3 : i32
        %mul3A_1260 = arith.muli %mul3A_1259, %scan3A_918 : i32
        %get3A_1261 = arith.index_cast %mul3A_1260 : i32 to index
        %get3A_1262 = arith.constant 192 : index
        %get3A_1263 = tpu.vector_load %arg8[%get3A_1261, %get3A_1262] {strides = array<i32>} : memref<96x256xf32, #tpu.memory_space<vmem>>, vector<16xf32>,
        %mul3A_1264 = arith.mulf %gather3A_922, %get3A_1263 : vector<16xf32>
        %mul3A_1265 = arith.constant 3 : i32
        %mul3A_1266 = arith.muli %mul3A_1265, %scan3A_918 : i32
        %add3A_1267 = arith.constant 1 : i32
        %add3A_1268 = arith.addi %mul3A_1266, %add3A_1267 : i32
        %get3A_1269 = arith.index_cast %add3A_1268 : i32 to index
        %get3A_1270 = arith.constant 192 : index
        %get3A_1271 = tpu.vector_load %arg8[%get3A_1269, %get3A_1270] {strides = array<i32>} : memref<96x256xf32, #tpu.memory_space<vmem>>, vector<16xf32>,
        %mul3A_1272 = arith.mulf %gather3A_928, %get3A_1271 : vector<16xf32>
        %add3A_1273 = arith.addf %mul3A_1264, %mul3A_1272 : vector<16xf32>
        %mul3A_1274 = arith.constant 3 : i32
        %mul3A_1275 = arith.muli %mul3A_1274, %scan3A_918 : i32
        %add3A_1276 = arith.constant 2 : i32
        %add3A_1277 = arith.addi %mul3A_1275, %add3A_1276 : i32
        %get3A_1278 = arith.index_cast %add3A_1277 : i32 to index
        %get3A_1279 = arith.constant 192 : index
        %get3A_1280 = tpu.vector_load %arg8[%get3A_1278, %get3A_1279] {strides = array<i32>} : memref<96x256xf32, #tpu.memory_space<vmem>>, vector<16xf32>,
        %mul3A_1281 = arith.mulf %gather3A_934, %get3A_1280 : vector<16xf32>
        %add3A_1282 = arith.addf %add3A_1273, %mul3A_1281 : vector<16xf32>
        %swap3A_1283 = arith.index_cast %scan3A_918 : i32 to index
        %swap3A_1284 = arith.constant 192 : index
        %swap3A_1285 = tpu.vector_load %arg9[%swap3A_1283, %swap3A_1284] {strides = array<i32>} : memref<32x256xf32, #tpu.memory_space<vmem>>, vector<16xf32>,
        tpu.vector_store %arg9[%swap3A_1283, %swap3A_1284], %add3A_1282 {strides = array<i32>} : memref<32x256xf32, #tpu.memory_space<vmem>>, vector<16xf32>,
        %mul3A_1286 = arith.constant 3 : i32
        %mul3A_1287 = arith.muli %mul3A_1286, %scan3A_918 : i32
        %get3A_1288 = arith.index_cast %mul3A_1287 : i32 to index
        %get3A_1289 = arith.constant 208 : index
        %get3A_1290 = tpu.vector_load %arg8[%get3A_1288, %get3A_1289] {strides = array<i32>} : memref<96x256xf32, #tpu.memory_space<vmem>>, vector<16xf32>,
        %mul3A_1291 = arith.mulf %gather3A_922, %get3A_1290 : vector<16xf32>
        %mul3A_1292 = arith.constant 3 : i32
        %mul3A_1293 = arith.muli %mul3A_1292, %scan3A_918 : i32
        %add3A_1294 = arith.constant 1 : i32
        %add3A_1295 = arith.addi %mul3A_1293, %add3A_1294 : i32
        %get3A_1296 = arith.index_cast %add3A_1295 : i32 to index
        %get3A_1297 = arith.constant 208 : index
        %get3A_1298 = tpu.vector_load %arg8[%get3A_1296, %get3A_1297] {strides = array<i32>} : memref<96x256xf32, #tpu.memory_space<vmem>>, vector<16xf32>,
        %mul3A_1299 = arith.mulf %gather3A_928, %get3A_1298 : vector<16xf32>
        %add3A_1300 = arith.addf %mul3A_1291, %mul3A_1299 : vector<16xf32>
        %mul3A_1301 = arith.constant 3 : i32
        %mul3A_1302 = arith.muli %mul3A_1301, %scan3A_918 : i32
        %add3A_1303 = arith.constant 2 : i32
        %add3A_1304 = arith.addi %mul3A_1302, %add3A_1303 : i32
        %get3A_1305 = arith.index_cast %add3A_1304 : i32 to index
        %get3A_1306 = arith.constant 208 : index
        %get3A_1307 = tpu.vector_load %arg8[%get3A_1305, %get3A_1306] {strides = array<i32>} : memref<96x256xf32, #tpu.memory_space<vmem>>, vector<16xf32>,
        %mul3A_1308 = arith.mulf %gather3A_934, %get3A_1307 : vector<16xf32>
        %add3A_1309 = arith.addf %add3A_1300, %mul3A_1308 : vector<16xf32>
        %swap3A_1310 = arith.index_cast %scan3A_918 : i32 to index
        %swap3A_1311 = arith.constant 208 : index
        %swap3A_1312 = tpu.vector_load %arg9[%swap3A_1310, %swap3A_1311] {strides = array<i32>} : memref<32x256xf32, #tpu.memory_space<vmem>>, vector<16xf32>,
        tpu.vector_store %arg9[%swap3A_1310, %swap3A_1311], %add3A_1309 {strides = array<i32>} : memref<32x256xf32, #tpu.memory_space<vmem>>, vector<16xf32>,
        %mul3A_1313 = arith.constant 3 : i32
        %mul3A_1314 = arith.muli %mul3A_1313, %scan3A_918 : i32
        %get3A_1315 = arith.index_cast %mul3A_1314 : i32 to index
        %get3A_1316 = arith.constant 224 : index
        %get3A_1317 = tpu.vector_load %arg8[%get3A_1315, %get3A_1316] {strides = array<i32>} : memref<96x256xf32, #tpu.memory_space<vmem>>, vector<16xf32>,
        %mul3A_1318 = arith.mulf %gather3A_922, %get3A_1317 : vector<16xf32>
        %mul3A_1319 = arith.constant 3 : i32
        %mul3A_1320 = arith.muli %mul3A_1319, %scan3A_918 : i32
        %add3A_1321 = arith.constant 1 : i32
        %add3A_1322 = arith.addi %mul3A_1320, %add3A_1321 : i32
        %get3A_1323 = arith.index_cast %add3A_1322 : i32 to index
        %get3A_1324 = arith.constant 224 : index
        %get3A_1325 = tpu.vector_load %arg8[%get3A_1323, %get3A_1324] {strides = array<i32>} : memref<96x256xf32, #tpu.memory_space<vmem>>, vector<16xf32>,
        %mul3A_1326 = arith.mulf %gather3A_928, %get3A_1325 : vector<16xf32>
        %add3A_1327 = arith.addf %mul3A_1318, %mul3A_1326 : vector<16xf32>
        %mul3A_1328 = arith.constant 3 : i32
        %mul3A_1329 = arith.muli %mul3A_1328, %scan3A_918 : i32
        %add3A_1330 = arith.constant 2 : i32
        %add3A_1331 = arith.addi %mul3A_1329, %add3A_1330 : i32
        %get3A_1332 = arith.index_cast %add3A_1331 : i32 to index
        %get3A_1333 = arith.constant 224 : index
        %get3A_1334 = tpu.vector_load %arg8[%get3A_1332, %get3A_1333] {strides = array<i32>} : memref<96x256xf32, #tpu.memory_space<vmem>>, vector<16xf32>,
        %mul3A_1335 = arith.mulf %gather3A_934, %get3A_1334 : vector<16xf32>
        %add3A_1336 = arith.addf %add3A_1327, %mul3A_1335 : vector<16xf32>
        %swap3A_1337 = arith.index_cast %scan3A_918 : i32 to index
        %swap3A_1338 = arith.constant 224 : index
        %swap3A_1339 = tpu.vector_load %arg9[%swap3A_1337, %swap3A_1338] {strides = array<i32>} : memref<32x256xf32, #tpu.memory_space<vmem>>, vector<16xf32>,
        tpu.vector_store %arg9[%swap3A_1337, %swap3A_1338], %add3A_1336 {strides = array<i32>} : memref<32x256xf32, #tpu.memory_space<vmem>>, vector<16xf32>,
        %mul3A_1340 = arith.constant 3 : i32
        %mul3A_1341 = arith.muli %mul3A_1340, %scan3A_918 : i32
        %get3A_1342 = arith.index_cast %mul3A_1341 : i32 to index
        %get3A_1343 = arith.constant 240 : index
        %get3A_1344 = tpu.vector_load %arg8[%get3A_1342, %get3A_1343] {strides = array<i32>} : memref<96x256xf32, #tpu.memory_space<vmem>>, vector<16xf32>,
        %mul3A_1345 = arith.mulf %gather3A_922, %get3A_1344 : vector<16xf32>
        %mul3A_1346 = arith.constant 3 : i32
        %mul3A_1347 = arith.muli %mul3A_1346, %scan3A_918 : i32
        %add3A_1348 = arith.constant 1 : i32
        %add3A_1349 = arith.addi %mul3A_1347, %add3A_1348 : i32
        %get3A_1350 = arith.index_cast %add3A_1349 : i32 to index
        %get3A_1351 = arith.constant 240 : index
        %get3A_1352 = tpu.vector_load %arg8[%get3A_1350, %get3A_1351] {strides = array<i32>} : memref<96x256xf32, #tpu.memory_space<vmem>>, vector<16xf32>,
        %mul3A_1353 = arith.mulf %gather3A_928, %get3A_1352 : vector<16xf32>
        %add3A_1354 = arith.addf %mul3A_1345, %mul3A_1353 : vector<16xf32>
        %mul3A_1355 = arith.constant 3 : i32
        %mul3A_1356 = arith.muli %mul3A_1355, %scan3A_918 : i32
        %add3A_1357 = arith.constant 2 : i32
        %add3A_1358 = arith.addi %mul3A_1356, %add3A_1357 : i32
        %get3A_1359 = arith.index_cast %add3A_1358 : i32 to index
        %get3A_1360 = arith.constant 240 : index
        %get3A_1361 = tpu.vector_load %arg8[%get3A_1359, %get3A_1360] {strides = array<i32>} : memref<96x256xf32, #tpu.memory_space<vmem>>, vector<16xf32>,
        %mul3A_1362 = arith.mulf %gather3A_934, %get3A_1361 : vector<16xf32>
        %add3A_1363 = arith.addf %add3A_1354, %mul3A_1362 : vector<16xf32>
        %swap3A_1364 = arith.index_cast %scan3A_918 : i32 to index
        %swap3A_1365 = arith.constant 240 : index
        %swap3A_1366 = tpu.vector_load %arg9[%swap3A_1364, %swap3A_1365] {strides = array<i32>} : memref<32x256xf32, #tpu.memory_space<vmem>>, vector<16xf32>,
        tpu.vector_store %arg9[%swap3A_1364, %swap3A_1365], %add3A_1363 {strides = array<i32>} : memref<32x256xf32, #tpu.memory_space<vmem>>, vector<16xf32>,
        %scan3A_1367 = arith.constant 3 : i32
        %scan3A_1368 = arith.addi %scan3A_22, %scan3A_1367 : i32
        %mul3A_1369 = arith.constant 3 : i32
        %mul3A_1370 = arith.muli %mul3A_1369, %scan3A_1368 : i32
        %broadcast_in_dim3A_1371 = vector.broadcast %mul3A_1370 : i32 to vector<16xi32>
        %gather3A_1372 = tpu.vector_load_idx %arg7[%broadcast_in_dim3A_1371] : memref<96xf32, #tpu.memory_space<vmem>>[vector<16xi32>], vector<16xf32>,
        %mul3A_1373 = arith.constant 3 : i32
        %mul3A_1374 = arith.muli %mul3A_1373, %scan3A_1368 : i32
        %add3A_1375 = arith.constant 1 : i32
        %add3A_1376 = arith.addi %mul3A_1374, %add3A_1375 : i32
        %broadcast_in_dim3A_1377 = vector.broadcast %add3A_1376 : i32 to vector<16xi32>
        %gather3A_1378 = tpu.vector_load_idx %arg7[%broadcast_in_dim3A_1377] : memref<96xf32, #tpu.memory_space<vmem>>[vector<16xi32>], vector<16xf32>,
        %mul3A_1379 = arith.constant 3 : i32
        %mul3A_1380 = arith.muli %mul3A_1379, %scan3A_1368 : i32
        %add3A_1381 = arith.constant 2 : i32
        %add3A_1382 = arith.addi %mul3A_1380, %add3A_1381 : i32
        %broadcast_in_dim3A_1383 = vector.broadcast %add3A_1382 : i32 to vector<16xi32>
        %gather3A_1384 = tpu.vector_load_idx %arg7[%broadcast_in_dim3A_1383] : memref<96xf32, #tpu.memory_space<vmem>>[vector<16xi32>], vector<16xf32>,
        %mul3A_1385 = arith.constant 3 : i32
        %mul3A_1386 = arith.muli %mul3A_1385, %scan3A_1368 : i32
        %get3A_1387 = arith.index_cast %mul3A_1386 : i32 to index
        %get3A_1388 = arith.constant 0 : index
        %get3A_1389 = tpu.vector_load %arg8[%get3A_1387, %get3A_1388] {strides = array<i32>} : memref<96x256xf32, #tpu.memory_space<vmem>>, vector<16xf32>,
        %mul3A_1390 = arith.mulf %gather3A_1372, %get3A_1389 : vector<16xf32>
        %mul3A_1391 = arith.constant 3 : i32
        %mul3A_1392 = arith.muli %mul3A_1391, %scan3A_1368 : i32
        %add3A_1393 = arith.constant 1 : i32
        %add3A_1394 = arith.addi %mul3A_1392, %add3A_1393 : i32
        %get3A_1395 = arith.index_cast %add3A_1394 : i32 to index
        %get3A_1396 = arith.constant 0 : index
        %get3A_1397 = tpu.vector_load %arg8[%get3A_1395, %get3A_1396] {strides = array<i32>} : memref<96x256xf32, #tpu.memory_space<vmem>>, vector<16xf32>,
        %mul3A_1398 = arith.mulf %gather3A_1378, %get3A_1397 : vector<16xf32>
        %add3A_1399 = arith.addf %mul3A_1390, %mul3A_1398 : vector<16xf32>
        %mul3A_1400 = arith.constant 3 : i32
        %mul3A_1401 = arith.muli %mul3A_1400, %scan3A_1368 : i32
        %add3A_1402 = arith.constant 2 : i32
        %add3A_1403 = arith.addi %mul3A_1401, %add3A_1402 : i32
        %get3A_1404 = arith.index_cast %add3A_1403 : i32 to index
        %get3A_1405 = arith.constant 0 : index
        %get3A_1406 = tpu.vector_load %arg8[%get3A_1404, %get3A_1405] {strides = array<i32>} : memref<96x256xf32, #tpu.memory_space<vmem>>, vector<16xf32>,
        %mul3A_1407 = arith.mulf %gather3A_1384, %get3A_1406 : vector<16xf32>
        %add3A_1408 = arith.addf %add3A_1399, %mul3A_1407 : vector<16xf32>
        %swap3A_1409 = arith.index_cast %scan3A_1368 : i32 to index
        %swap3A_1410 = arith.constant 0 : index
        %swap3A_1411 = tpu.vector_load %arg9[%swap3A_1409, %swap3A_1410] {strides = array<i32>} : memref<32x256xf32, #tpu.memory_space<vmem>>, vector<16xf32>,
        tpu.vector_store %arg9[%swap3A_1409, %swap3A_1410], %add3A_1408 {strides = array<i32>} : memref<32x256xf32, #tpu.memory_space<vmem>>, vector<16xf32>,
        %mul3A_1412 = arith.constant 3 : i32
        %mul3A_1413 = arith.muli %mul3A_1412, %scan3A_1368 : i32
        %get3A_1414 = arith.index_cast %mul3A_1413 : i32 to index
        %get3A_1415 = arith.constant 16 : index
        %get3A_1416 = tpu.vector_load %arg8[%get3A_1414, %get3A_1415] {strides = array<i32>} : memref<96x256xf32, #tpu.memory_space<vmem>>, vector<16xf32>,
        %mul3A_1417 = arith.mulf %gather3A_1372, %get3A_1416 : vector<16xf32>
        %mul3A_1418 = arith.constant 3 : i32
        %mul3A_1419 = arith.muli %mul3A_1418, %scan3A_1368 : i32
        %add3A_1420 = arith.constant 1 : i32
        %add3A_1421 = arith.addi %mul3A_1419, %add3A_1420 : i32
        %get3A_1422 = arith.index_cast %add3A_1421 : i32 to index
        %get3A_1423 = arith.constant 16 : index
        %get3A_1424 = tpu.vector_load %arg8[%get3A_1422, %get3A_1423] {strides = array<i32>} : memref<96x256xf32, #tpu.memory_space<vmem>>, vector<16xf32>,
        %mul3A_1425 = arith.mulf %gather3A_1378, %get3A_1424 : vector<16xf32>
        %add3A_1426 = arith.addf %mul3A_1417, %mul3A_1425 : vector<16xf32>
        %mul3A_1427 = arith.constant 3 : i32
        %mul3A_1428 = arith.muli %mul3A_1427, %scan3A_1368 : i32
        %add3A_1429 = arith.constant 2 : i32
        %add3A_1430 = arith.addi %mul3A_1428, %add3A_1429 : i32
        %get3A_1431 = arith.index_cast %add3A_1430 : i32 to index
        %get3A_1432 = arith.constant 16 : index
        %get3A_1433 = tpu.vector_load %arg8[%get3A_1431, %get3A_1432] {strides = array<i32>} : memref<96x256xf32, #tpu.memory_space<vmem>>, vector<16xf32>,
        %mul3A_1434 = arith.mulf %gather3A_1384, %get3A_1433 : vector<16xf32>
        %add3A_1435 = arith.addf %add3A_1426, %mul3A_1434 : vector<16xf32>
        %swap3A_1436 = arith.index_cast %scan3A_1368 : i32 to index
        %swap3A_1437 = arith.constant 16 : index
        %swap3A_1438 = tpu.vector_load %arg9[%swap3A_1436, %swap3A_1437] {strides = array<i32>} : memref<32x256xf32, #tpu.memory_space<vmem>>, vector<16xf32>,
        tpu.vector_store %arg9[%swap3A_1436, %swap3A_1437], %add3A_1435 {strides = array<i32>} : memref<32x256xf32, #tpu.memory_space<vmem>>, vector<16xf32>,
        %mul3A_1439 = arith.constant 3 : i32
        %mul3A_1440 = arith.muli %mul3A_1439, %scan3A_1368 : i32
        %get3A_1441 = arith.index_cast %mul3A_1440 : i32 to index
        %get3A_1442 = arith.constant 32 : index
        %get3A_1443 = tpu.vector_load %arg8[%get3A_1441, %get3A_1442] {strides = array<i32>} : memref<96x256xf32, #tpu.memory_space<vmem>>, vector<16xf32>,
        %mul3A_1444 = arith.mulf %gather3A_1372, %get3A_1443 : vector<16xf32>
        %mul3A_1445 = arith.constant 3 : i32
        %mul3A_1446 = arith.muli %mul3A_1445, %scan3A_1368 : i32
        %add3A_1447 = arith.constant 1 : i32
        %add3A_1448 = arith.addi %mul3A_1446, %add3A_1447 : i32
        %get3A_1449 = arith.index_cast %add3A_1448 : i32 to index
        %get3A_1450 = arith.constant 32 : index
        %get3A_1451 = tpu.vector_load %arg8[%get3A_1449, %get3A_1450] {strides = array<i32>} : memref<96x256xf32, #tpu.memory_space<vmem>>, vector<16xf32>,
        %mul3A_1452 = arith.mulf %gather3A_1378, %get3A_1451 : vector<16xf32>
        %add3A_1453 = arith.addf %mul3A_1444, %mul3A_1452 : vector<16xf32>
        %mul3A_1454 = arith.constant 3 : i32
        %mul3A_1455 = arith.muli %mul3A_1454, %scan3A_1368 : i32
        %add3A_1456 = arith.constant 2 : i32
        %add3A_1457 = arith.addi %mul3A_1455, %add3A_1456 : i32
        %get3A_1458 = arith.index_cast %add3A_1457 : i32 to index
        %get3A_1459 = arith.constant 32 : index
        %get3A_1460 = tpu.vector_load %arg8[%get3A_1458, %get3A_1459] {strides = array<i32>} : memref<96x256xf32, #tpu.memory_space<vmem>>, vector<16xf32>,
        %mul3A_1461 = arith.mulf %gather3A_1384, %get3A_1460 : vector<16xf32>
        %add3A_1462 = arith.addf %add3A_1453, %mul3A_1461 : vector<16xf32>
        %swap3A_1463 = arith.index_cast %scan3A_1368 : i32 to index
        %swap3A_1464 = arith.constant 32 : index
        %swap3A_1465 = tpu.vector_load %arg9[%swap3A_1463, %swap3A_1464] {strides = array<i32>} : memref<32x256xf32, #tpu.memory_space<vmem>>, vector<16xf32>,
        tpu.vector_store %arg9[%swap3A_1463, %swap3A_1464], %add3A_1462 {strides = array<i32>} : memref<32x256xf32, #tpu.memory_space<vmem>>, vector<16xf32>,
        %mul3A_1466 = arith.constant 3 : i32
        %mul3A_1467 = arith.muli %mul3A_1466, %scan3A_1368 : i32
        %get3A_1468 = arith.index_cast %mul3A_1467 : i32 to index
        %get3A_1469 = arith.constant 48 : index
        %get3A_1470 = tpu.vector_load %arg8[%get3A_1468, %get3A_1469] {strides = array<i32>} : memref<96x256xf32, #tpu.memory_space<vmem>>, vector<16xf32>,
        %mul3A_1471 = arith.mulf %gather3A_1372, %get3A_1470 : vector<16xf32>
        %mul3A_1472 = arith.constant 3 : i32
        %mul3A_1473 = arith.muli %mul3A_1472, %scan3A_1368 : i32
        %add3A_1474 = arith.constant 1 : i32
        %add3A_1475 = arith.addi %mul3A_1473, %add3A_1474 : i32
        %get3A_1476 = arith.index_cast %add3A_1475 : i32 to index
        %get3A_1477 = arith.constant 48 : index
        %get3A_1478 = tpu.vector_load %arg8[%get3A_1476, %get3A_1477] {strides = array<i32>} : memref<96x256xf32, #tpu.memory_space<vmem>>, vector<16xf32>,
        %mul3A_1479 = arith.mulf %gather3A_1378, %get3A_1478 : vector<16xf32>
        %add3A_1480 = arith.addf %mul3A_1471, %mul3A_1479 : vector<16xf32>
        %mul3A_1481 = arith.constant 3 : i32
        %mul3A_1482 = arith.muli %mul3A_1481, %scan3A_1368 : i32
        %add3A_1483 = arith.constant 2 : i32
        %add3A_1484 = arith.addi %mul3A_1482, %add3A_1483 : i32
        %get3A_1485 = arith.index_cast %add3A_1484 : i32 to index
        %get3A_1486 = arith.constant 48 : index
        %get3A_1487 = tpu.vector_load %arg8[%get3A_1485, %get3A_1486] {strides = array<i32>} : memref<96x256xf32, #tpu.memory_space<vmem>>, vector<16xf32>,
        %mul3A_1488 = arith.mulf %gather3A_1384, %get3A_1487 : vector<16xf32>
        %add3A_1489 = arith.addf %add3A_1480, %mul3A_1488 : vector<16xf32>
        %swap3A_1490 = arith.index_cast %scan3A_1368 : i32 to index
        %swap3A_1491 = arith.constant 48 : index
        %swap3A_1492 = tpu.vector_load %arg9[%swap3A_1490, %swap3A_1491] {strides = array<i32>} : memref<32x256xf32, #tpu.memory_space<vmem>>, vector<16xf32>,
        tpu.vector_store %arg9[%swap3A_1490, %swap3A_1491], %add3A_1489 {strides = array<i32>} : memref<32x256xf32, #tpu.memory_space<vmem>>, vector<16xf32>,
        %mul3A_1493 = arith.constant 3 : i32
        %mul3A_1494 = arith.muli %mul3A_1493, %scan3A_1368 : i32
        %get3A_1495 = arith.index_cast %mul3A_1494 : i32 to index
        %get3A_1496 = arith.constant 64 : index
        %get3A_1497 = tpu.vector_load %arg8[%get3A_1495, %get3A_1496] {strides = array<i32>} : memref<96x256xf32, #tpu.memory_space<vmem>>, vector<16xf32>,
        %mul3A_1498 = arith.mulf %gather3A_1372, %get3A_1497 : vector<16xf32>
        %mul3A_1499 = arith.constant 3 : i32
        %mul3A_1500 = arith.muli %mul3A_1499, %scan3A_1368 : i32
        %add3A_1501 = arith.constant 1 : i32
        %add3A_1502 = arith.addi %mul3A_1500, %add3A_1501 : i32
        %get3A_1503 = arith.index_cast %add3A_1502 : i32 to index
        %get3A_1504 = arith.constant 64 : index
        %get3A_1505 = tpu.vector_load %arg8[%get3A_1503, %get3A_1504] {strides = array<i32>} : memref<96x256xf32, #tpu.memory_space<vmem>>, vector<16xf32>,
        %mul3A_1506 = arith.mulf %gather3A_1378, %get3A_1505 : vector<16xf32>
        %add3A_1507 = arith.addf %mul3A_1498, %mul3A_1506 : vector<16xf32>
        %mul3A_1508 = arith.constant 3 : i32
        %mul3A_1509 = arith.muli %mul3A_1508, %scan3A_1368 : i32
        %add3A_1510 = arith.constant 2 : i32
        %add3A_1511 = arith.addi %mul3A_1509, %add3A_1510 : i32
        %get3A_1512 = arith.index_cast %add3A_1511 : i32 to index
        %get3A_1513 = arith.constant 64 : index
        %get3A_1514 = tpu.vector_load %arg8[%get3A_1512, %get3A_1513] {strides = array<i32>} : memref<96x256xf32, #tpu.memory_space<vmem>>, vector<16xf32>,
        %mul3A_1515 = arith.mulf %gather3A_1384, %get3A_1514 : vector<16xf32>
        %add3A_1516 = arith.addf %add3A_1507, %mul3A_1515 : vector<16xf32>
        %swap3A_1517 = arith.index_cast %scan3A_1368 : i32 to index
        %swap3A_1518 = arith.constant 64 : index
        %swap3A_1519 = tpu.vector_load %arg9[%swap3A_1517, %swap3A_1518] {strides = array<i32>} : memref<32x256xf32, #tpu.memory_space<vmem>>, vector<16xf32>,
        tpu.vector_store %arg9[%swap3A_1517, %swap3A_1518], %add3A_1516 {strides = array<i32>} : memref<32x256xf32, #tpu.memory_space<vmem>>, vector<16xf32>,
        %mul3A_1520 = arith.constant 3 : i32
        %mul3A_1521 = arith.muli %mul3A_1520, %scan3A_1368 : i32
        %get3A_1522 = arith.index_cast %mul3A_1521 : i32 to index
        %get3A_1523 = arith.constant 80 : index
        %get3A_1524 = tpu.vector_load %arg8[%get3A_1522, %get3A_1523] {strides = array<i32>} : memref<96x256xf32, #tpu.memory_space<vmem>>, vector<16xf32>,
        %mul3A_1525 = arith.mulf %gather3A_1372, %get3A_1524 : vector<16xf32>
        %mul3A_1526 = arith.constant 3 : i32
        %mul3A_1527 = arith.muli %mul3A_1526, %scan3A_1368 : i32
        %add3A_1528 = arith.constant 1 : i32
        %add3A_1529 = arith.addi %mul3A_1527, %add3A_1528 : i32
        %get3A_1530 = arith.index_cast %add3A_1529 : i32 to index
        %get3A_1531 = arith.constant 80 : index
        %get3A_1532 = tpu.vector_load %arg8[%get3A_1530, %get3A_1531] {strides = array<i32>} : memref<96x256xf32, #tpu.memory_space<vmem>>, vector<16xf32>,
        %mul3A_1533 = arith.mulf %gather3A_1378, %get3A_1532 : vector<16xf32>
        %add3A_1534 = arith.addf %mul3A_1525, %mul3A_1533 : vector<16xf32>
        %mul3A_1535 = arith.constant 3 : i32
        %mul3A_1536 = arith.muli %mul3A_1535, %scan3A_1368 : i32
        %add3A_1537 = arith.constant 2 : i32
        %add3A_1538 = arith.addi %mul3A_1536, %add3A_1537 : i32
        %get3A_1539 = arith.index_cast %add3A_1538 : i32 to index
        %get3A_1540 = arith.constant 80 : index
        %get3A_1541 = tpu.vector_load %arg8[%get3A_1539, %get3A_1540] {strides = array<i32>} : memref<96x256xf32, #tpu.memory_space<vmem>>, vector<16xf32>,
        %mul3A_1542 = arith.mulf %gather3A_1384, %get3A_1541 : vector<16xf32>
        %add3A_1543 = arith.addf %add3A_1534, %mul3A_1542 : vector<16xf32>
        %swap3A_1544 = arith.index_cast %scan3A_1368 : i32 to index
        %swap3A_1545 = arith.constant 80 : index
        %swap3A_1546 = tpu.vector_load %arg9[%swap3A_1544, %swap3A_1545] {strides = array<i32>} : memref<32x256xf32, #tpu.memory_space<vmem>>, vector<16xf32>,
        tpu.vector_store %arg9[%swap3A_1544, %swap3A_1545], %add3A_1543 {strides = array<i32>} : memref<32x256xf32, #tpu.memory_space<vmem>>, vector<16xf32>,
        %mul3A_1547 = arith.constant 3 : i32
        %mul3A_1548 = arith.muli %mul3A_1547, %scan3A_1368 : i32
        %get3A_1549 = arith.index_cast %mul3A_1548 : i32 to index
        %get3A_1550 = arith.constant 96 : index
        %get3A_1551 = tpu.vector_load %arg8[%get3A_1549, %get3A_1550] {strides = array<i32>} : memref<96x256xf32, #tpu.memory_space<vmem>>, vector<16xf32>,
        %mul3A_1552 = arith.mulf %gather3A_1372, %get3A_1551 : vector<16xf32>
        %mul3A_1553 = arith.constant 3 : i32
        %mul3A_1554 = arith.muli %mul3A_1553, %scan3A_1368 : i32
        %add3A_1555 = arith.constant 1 : i32
        %add3A_1556 = arith.addi %mul3A_1554, %add3A_1555 : i32
        %get3A_1557 = arith.index_cast %add3A_1556 : i32 to index
        %get3A_1558 = arith.constant 96 : index
        %get3A_1559 = tpu.vector_load %arg8[%get3A_1557, %get3A_1558] {strides = array<i32>} : memref<96x256xf32, #tpu.memory_space<vmem>>, vector<16xf32>,
        %mul3A_1560 = arith.mulf %gather3A_1378, %get3A_1559 : vector<16xf32>
        %add3A_1561 = arith.addf %mul3A_1552, %mul3A_1560 : vector<16xf32>
        %mul3A_1562 = arith.constant 3 : i32
        %mul3A_1563 = arith.muli %mul3A_1562, %scan3A_1368 : i32
        %add3A_1564 = arith.constant 2 : i32
        %add3A_1565 = arith.addi %mul3A_1563, %add3A_1564 : i32
        %get3A_1566 = arith.index_cast %add3A_1565 : i32 to index
        %get3A_1567 = arith.constant 96 : index
        %get3A_1568 = tpu.vector_load %arg8[%get3A_1566, %get3A_1567] {strides = array<i32>} : memref<96x256xf32, #tpu.memory_space<vmem>>, vector<16xf32>,
        %mul3A_1569 = arith.mulf %gather3A_1384, %get3A_1568 : vector<16xf32>
        %add3A_1570 = arith.addf %add3A_1561, %mul3A_1569 : vector<16xf32>
        %swap3A_1571 = arith.index_cast %scan3A_1368 : i32 to index
        %swap3A_1572 = arith.constant 96 : index
        %swap3A_1573 = tpu.vector_load %arg9[%swap3A_1571, %swap3A_1572] {strides = array<i32>} : memref<32x256xf32, #tpu.memory_space<vmem>>, vector<16xf32>,
        tpu.vector_store %arg9[%swap3A_1571, %swap3A_1572], %add3A_1570 {strides = array<i32>} : memref<32x256xf32, #tpu.memory_space<vmem>>, vector<16xf32>,
        %mul3A_1574 = arith.constant 3 : i32
        %mul3A_1575 = arith.muli %mul3A_1574, %scan3A_1368 : i32
        %get3A_1576 = arith.index_cast %mul3A_1575 : i32 to index
        %get3A_1577 = arith.constant 112 : index
        %get3A_1578 = tpu.vector_load %arg8[%get3A_1576, %get3A_1577] {strides = array<i32>} : memref<96x256xf32, #tpu.memory_space<vmem>>, vector<16xf32>,
        %mul3A_1579 = arith.mulf %gather3A_1372, %get3A_1578 : vector<16xf32>
        %mul3A_1580 = arith.constant 3 : i32
        %mul3A_1581 = arith.muli %mul3A_1580, %scan3A_1368 : i32
        %add3A_1582 = arith.constant 1 : i32
        %add3A_1583 = arith.addi %mul3A_1581, %add3A_1582 : i32
        %get3A_1584 = arith.index_cast %add3A_1583 : i32 to index
        %get3A_1585 = arith.constant 112 : index
        %get3A_1586 = tpu.vector_load %arg8[%get3A_1584, %get3A_1585] {strides = array<i32>} : memref<96x256xf32, #tpu.memory_space<vmem>>, vector<16xf32>,
        %mul3A_1587 = arith.mulf %gather3A_1378, %get3A_1586 : vector<16xf32>
        %add3A_1588 = arith.addf %mul3A_1579, %mul3A_1587 : vector<16xf32>
        %mul3A_1589 = arith.constant 3 : i32
        %mul3A_1590 = arith.muli %mul3A_1589, %scan3A_1368 : i32
        %add3A_1591 = arith.constant 2 : i32
        %add3A_1592 = arith.addi %mul3A_1590, %add3A_1591 : i32
        %get3A_1593 = arith.index_cast %add3A_1592 : i32 to index
        %get3A_1594 = arith.constant 112 : index
        %get3A_1595 = tpu.vector_load %arg8[%get3A_1593, %get3A_1594] {strides = array<i32>} : memref<96x256xf32, #tpu.memory_space<vmem>>, vector<16xf32>,
        %mul3A_1596 = arith.mulf %gather3A_1384, %get3A_1595 : vector<16xf32>
        %add3A_1597 = arith.addf %add3A_1588, %mul3A_1596 : vector<16xf32>
        %swap3A_1598 = arith.index_cast %scan3A_1368 : i32 to index
        %swap3A_1599 = arith.constant 112 : index
        %swap3A_1600 = tpu.vector_load %arg9[%swap3A_1598, %swap3A_1599] {strides = array<i32>} : memref<32x256xf32, #tpu.memory_space<vmem>>, vector<16xf32>,
        tpu.vector_store %arg9[%swap3A_1598, %swap3A_1599], %add3A_1597 {strides = array<i32>} : memref<32x256xf32, #tpu.memory_space<vmem>>, vector<16xf32>,
        %mul3A_1601 = arith.constant 3 : i32
        %mul3A_1602 = arith.muli %mul3A_1601, %scan3A_1368 : i32
        %get3A_1603 = arith.index_cast %mul3A_1602 : i32 to index
        %get3A_1604 = arith.constant 128 : index
        %get3A_1605 = tpu.vector_load %arg8[%get3A_1603, %get3A_1604] {strides = array<i32>} : memref<96x256xf32, #tpu.memory_space<vmem>>, vector<16xf32>,
        %mul3A_1606 = arith.mulf %gather3A_1372, %get3A_1605 : vector<16xf32>
        %mul3A_1607 = arith.constant 3 : i32
        %mul3A_1608 = arith.muli %mul3A_1607, %scan3A_1368 : i32
        %add3A_1609 = arith.constant 1 : i32
        %add3A_1610 = arith.addi %mul3A_1608, %add3A_1609 : i32
        %get3A_1611 = arith.index_cast %add3A_1610 : i32 to index
        %get3A_1612 = arith.constant 128 : index
        %get3A_1613 = tpu.vector_load %arg8[%get3A_1611, %get3A_1612] {strides = array<i32>} : memref<96x256xf32, #tpu.memory_space<vmem>>, vector<16xf32>,
        %mul3A_1614 = arith.mulf %gather3A_1378, %get3A_1613 : vector<16xf32>
        %add3A_1615 = arith.addf %mul3A_1606, %mul3A_1614 : vector<16xf32>
        %mul3A_1616 = arith.constant 3 : i32
        %mul3A_1617 = arith.muli %mul3A_1616, %scan3A_1368 : i32
        %add3A_1618 = arith.constant 2 : i32
        %add3A_1619 = arith.addi %mul3A_1617, %add3A_1618 : i32
        %get3A_1620 = arith.index_cast %add3A_1619 : i32 to index
        %get3A_1621 = arith.constant 128 : index
        %get3A_1622 = tpu.vector_load %arg8[%get3A_1620, %get3A_1621] {strides = array<i32>} : memref<96x256xf32, #tpu.memory_space<vmem>>, vector<16xf32>,
        %mul3A_1623 = arith.mulf %gather3A_1384, %get3A_1622 : vector<16xf32>
        %add3A_1624 = arith.addf %add3A_1615, %mul3A_1623 : vector<16xf32>
        %swap3A_1625 = arith.index_cast %scan3A_1368 : i32 to index
        %swap3A_1626 = arith.constant 128 : index
        %swap3A_1627 = tpu.vector_load %arg9[%swap3A_1625, %swap3A_1626] {strides = array<i32>} : memref<32x256xf32, #tpu.memory_space<vmem>>, vector<16xf32>,
        tpu.vector_store %arg9[%swap3A_1625, %swap3A_1626], %add3A_1624 {strides = array<i32>} : memref<32x256xf32, #tpu.memory_space<vmem>>, vector<16xf32>,
        %mul3A_1628 = arith.constant 3 : i32
        %mul3A_1629 = arith.muli %mul3A_1628, %scan3A_1368 : i32
        %get3A_1630 = arith.index_cast %mul3A_1629 : i32 to index
        %get3A_1631 = arith.constant 144 : index
        %get3A_1632 = tpu.vector_load %arg8[%get3A_1630, %get3A_1631] {strides = array<i32>} : memref<96x256xf32, #tpu.memory_space<vmem>>, vector<16xf32>,
        %mul3A_1633 = arith.mulf %gather3A_1372, %get3A_1632 : vector<16xf32>
        %mul3A_1634 = arith.constant 3 : i32
        %mul3A_1635 = arith.muli %mul3A_1634, %scan3A_1368 : i32
        %add3A_1636 = arith.constant 1 : i32
        %add3A_1637 = arith.addi %mul3A_1635, %add3A_1636 : i32
        %get3A_1638 = arith.index_cast %add3A_1637 : i32 to index
        %get3A_1639 = arith.constant 144 : index
        %get3A_1640 = tpu.vector_load %arg8[%get3A_1638, %get3A_1639] {strides = array<i32>} : memref<96x256xf32, #tpu.memory_space<vmem>>, vector<16xf32>,
        %mul3A_1641 = arith.mulf %gather3A_1378, %get3A_1640 : vector<16xf32>
        %add3A_1642 = arith.addf %mul3A_1633, %mul3A_1641 : vector<16xf32>
        %mul3A_1643 = arith.constant 3 : i32
        %mul3A_1644 = arith.muli %mul3A_1643, %scan3A_1368 : i32
        %add3A_1645 = arith.constant 2 : i32
        %add3A_1646 = arith.addi %mul3A_1644, %add3A_1645 : i32
        %get3A_1647 = arith.index_cast %add3A_1646 : i32 to index
        %get3A_1648 = arith.constant 144 : index
        %get3A_1649 = tpu.vector_load %arg8[%get3A_1647, %get3A_1648] {strides = array<i32>} : memref<96x256xf32, #tpu.memory_space<vmem>>, vector<16xf32>,
        %mul3A_1650 = arith.mulf %gather3A_1384, %get3A_1649 : vector<16xf32>
        %add3A_1651 = arith.addf %add3A_1642, %mul3A_1650 : vector<16xf32>
        %swap3A_1652 = arith.index_cast %scan3A_1368 : i32 to index
        %swap3A_1653 = arith.constant 144 : index
        %swap3A_1654 = tpu.vector_load %arg9[%swap3A_1652, %swap3A_1653] {strides = array<i32>} : memref<32x256xf32, #tpu.memory_space<vmem>>, vector<16xf32>,
        tpu.vector_store %arg9[%swap3A_1652, %swap3A_1653], %add3A_1651 {strides = array<i32>} : memref<32x256xf32, #tpu.memory_space<vmem>>, vector<16xf32>,
        %mul3A_1655 = arith.constant 3 : i32
        %mul3A_1656 = arith.muli %mul3A_1655, %scan3A_1368 : i32
        %get3A_1657 = arith.index_cast %mul3A_1656 : i32 to index
        %get3A_1658 = arith.constant 160 : index
        %get3A_1659 = tpu.vector_load %arg8[%get3A_1657, %get3A_1658] {strides = array<i32>} : memref<96x256xf32, #tpu.memory_space<vmem>>, vector<16xf32>,
        %mul3A_1660 = arith.mulf %gather3A_1372, %get3A_1659 : vector<16xf32>
        %mul3A_1661 = arith.constant 3 : i32
        %mul3A_1662 = arith.muli %mul3A_1661, %scan3A_1368 : i32
        %add3A_1663 = arith.constant 1 : i32
        %add3A_1664 = arith.addi %mul3A_1662, %add3A_1663 : i32
        %get3A_1665 = arith.index_cast %add3A_1664 : i32 to index
        %get3A_1666 = arith.constant 160 : index
        %get3A_1667 = tpu.vector_load %arg8[%get3A_1665, %get3A_1666] {strides = array<i32>} : memref<96x256xf32, #tpu.memory_space<vmem>>, vector<16xf32>,
        %mul3A_1668 = arith.mulf %gather3A_1378, %get3A_1667 : vector<16xf32>
        %add3A_1669 = arith.addf %mul3A_1660, %mul3A_1668 : vector<16xf32>
        %mul3A_1670 = arith.constant 3 : i32
        %mul3A_1671 = arith.muli %mul3A_1670, %scan3A_1368 : i32
        %add3A_1672 = arith.constant 2 : i32
        %add3A_1673 = arith.addi %mul3A_1671, %add3A_1672 : i32
        %get3A_1674 = arith.index_cast %add3A_1673 : i32 to index
        %get3A_1675 = arith.constant 160 : index
        %get3A_1676 = tpu.vector_load %arg8[%get3A_1674, %get3A_1675] {strides = array<i32>} : memref<96x256xf32, #tpu.memory_space<vmem>>, vector<16xf32>,
        %mul3A_1677 = arith.mulf %gather3A_1384, %get3A_1676 : vector<16xf32>
        %add3A_1678 = arith.addf %add3A_1669, %mul3A_1677 : vector<16xf32>
        %swap3A_1679 = arith.index_cast %scan3A_1368 : i32 to index
        %swap3A_1680 = arith.constant 160 : index
        %swap3A_1681 = tpu.vector_load %arg9[%swap3A_1679, %swap3A_1680] {strides = array<i32>} : memref<32x256xf32, #tpu.memory_space<vmem>>, vector<16xf32>,
        tpu.vector_store %arg9[%swap3A_1679, %swap3A_1680], %add3A_1678 {strides = array<i32>} : memref<32x256xf32, #tpu.memory_space<vmem>>, vector<16xf32>,
        %mul3A_1682 = arith.constant 3 : i32
        %mul3A_1683 = arith.muli %mul3A_1682, %scan3A_1368 : i32
        %get3A_1684 = arith.index_cast %mul3A_1683 : i32 to index
        %get3A_1685 = arith.constant 176 : index
        %get3A_1686 = tpu.vector_load %arg8[%get3A_1684, %get3A_1685] {strides = array<i32>} : memref<96x256xf32, #tpu.memory_space<vmem>>, vector<16xf32>,
        %mul3A_1687 = arith.mulf %gather3A_1372, %get3A_1686 : vector<16xf32>
        %mul3A_1688 = arith.constant 3 : i32
        %mul3A_1689 = arith.muli %mul3A_1688, %scan3A_1368 : i32
        %add3A_1690 = arith.constant 1 : i32
        %add3A_1691 = arith.addi %mul3A_1689, %add3A_1690 : i32
        %get3A_1692 = arith.index_cast %add3A_1691 : i32 to index
        %get3A_1693 = arith.constant 176 : index
        %get3A_1694 = tpu.vector_load %arg8[%get3A_1692, %get3A_1693] {strides = array<i32>} : memref<96x256xf32, #tpu.memory_space<vmem>>, vector<16xf32>,
        %mul3A_1695 = arith.mulf %gather3A_1378, %get3A_1694 : vector<16xf32>
        %add3A_1696 = arith.addf %mul3A_1687, %mul3A_1695 : vector<16xf32>
        %mul3A_1697 = arith.constant 3 : i32
        %mul3A_1698 = arith.muli %mul3A_1697, %scan3A_1368 : i32
        %add3A_1699 = arith.constant 2 : i32
        %add3A_1700 = arith.addi %mul3A_1698, %add3A_1699 : i32
        %get3A_1701 = arith.index_cast %add3A_1700 : i32 to index
        %get3A_1702 = arith.constant 176 : index
        %get3A_1703 = tpu.vector_load %arg8[%get3A_1701, %get3A_1702] {strides = array<i32>} : memref<96x256xf32, #tpu.memory_space<vmem>>, vector<16xf32>,
        %mul3A_1704 = arith.mulf %gather3A_1384, %get3A_1703 : vector<16xf32>
        %add3A_1705 = arith.addf %add3A_1696, %mul3A_1704 : vector<16xf32>
        %swap3A_1706 = arith.index_cast %scan3A_1368 : i32 to index
        %swap3A_1707 = arith.constant 176 : index
        %swap3A_1708 = tpu.vector_load %arg9[%swap3A_1706, %swap3A_1707] {strides = array<i32>} : memref<32x256xf32, #tpu.memory_space<vmem>>, vector<16xf32>,
        tpu.vector_store %arg9[%swap3A_1706, %swap3A_1707], %add3A_1705 {strides = array<i32>} : memref<32x256xf32, #tpu.memory_space<vmem>>, vector<16xf32>,
        %mul3A_1709 = arith.constant 3 : i32
        %mul3A_1710 = arith.muli %mul3A_1709, %scan3A_1368 : i32
        %get3A_1711 = arith.index_cast %mul3A_1710 : i32 to index
        %get3A_1712 = arith.constant 192 : index
        %get3A_1713 = tpu.vector_load %arg8[%get3A_1711, %get3A_1712] {strides = array<i32>} : memref<96x256xf32, #tpu.memory_space<vmem>>, vector<16xf32>,
        %mul3A_1714 = arith.mulf %gather3A_1372, %get3A_1713 : vector<16xf32>
        %mul3A_1715 = arith.constant 3 : i32
        %mul3A_1716 = arith.muli %mul3A_1715, %scan3A_1368 : i32
        %add3A_1717 = arith.constant 1 : i32
        %add3A_1718 = arith.addi %mul3A_1716, %add3A_1717 : i32
        %get3A_1719 = arith.index_cast %add3A_1718 : i32 to index
        %get3A_1720 = arith.constant 192 : index
        %get3A_1721 = tpu.vector_load %arg8[%get3A_1719, %get3A_1720] {strides = array<i32>} : memref<96x256xf32, #tpu.memory_space<vmem>>, vector<16xf32>,
        %mul3A_1722 = arith.mulf %gather3A_1378, %get3A_1721 : vector<16xf32>
        %add3A_1723 = arith.addf %mul3A_1714, %mul3A_1722 : vector<16xf32>
        %mul3A_1724 = arith.constant 3 : i32
        %mul3A_1725 = arith.muli %mul3A_1724, %scan3A_1368 : i32
        %add3A_1726 = arith.constant 2 : i32
        %add3A_1727 = arith.addi %mul3A_1725, %add3A_1726 : i32
        %get3A_1728 = arith.index_cast %add3A_1727 : i32 to index
        %get3A_1729 = arith.constant 192 : index
        %get3A_1730 = tpu.vector_load %arg8[%get3A_1728, %get3A_1729] {strides = array<i32>} : memref<96x256xf32, #tpu.memory_space<vmem>>, vector<16xf32>,
        %mul3A_1731 = arith.mulf %gather3A_1384, %get3A_1730 : vector<16xf32>
        %add3A_1732 = arith.addf %add3A_1723, %mul3A_1731 : vector<16xf32>
        %swap3A_1733 = arith.index_cast %scan3A_1368 : i32 to index
        %swap3A_1734 = arith.constant 192 : index
        %swap3A_1735 = tpu.vector_load %arg9[%swap3A_1733, %swap3A_1734] {strides = array<i32>} : memref<32x256xf32, #tpu.memory_space<vmem>>, vector<16xf32>,
        tpu.vector_store %arg9[%swap3A_1733, %swap3A_1734], %add3A_1732 {strides = array<i32>} : memref<32x256xf32, #tpu.memory_space<vmem>>, vector<16xf32>,
        %mul3A_1736 = arith.constant 3 : i32
        %mul3A_1737 = arith.muli %mul3A_1736, %scan3A_1368 : i32
        %get3A_1738 = arith.index_cast %mul3A_1737 : i32 to index
        %get3A_1739 = arith.constant 208 : index
        %get3A_1740 = tpu.vector_load %arg8[%get3A_1738, %get3A_1739] {strides = array<i32>} : memref<96x256xf32, #tpu.memory_space<vmem>>, vector<16xf32>,
        %mul3A_1741 = arith.mulf %gather3A_1372, %get3A_1740 : vector<16xf32>
        %mul3A_1742 = arith.constant 3 : i32
        %mul3A_1743 = arith.muli %mul3A_1742, %scan3A_1368 : i32
        %add3A_1744 = arith.constant 1 : i32
        %add3A_1745 = arith.addi %mul3A_1743, %add3A_1744 : i32
        %get3A_1746 = arith.index_cast %add3A_1745 : i32 to index
        %get3A_1747 = arith.constant 208 : index
        %get3A_1748 = tpu.vector_load %arg8[%get3A_1746, %get3A_1747] {strides = array<i32>} : memref<96x256xf32, #tpu.memory_space<vmem>>, vector<16xf32>,
        %mul3A_1749 = arith.mulf %gather3A_1378, %get3A_1748 : vector<16xf32>
        %add3A_1750 = arith.addf %mul3A_1741, %mul3A_1749 : vector<16xf32>
        %mul3A_1751 = arith.constant 3 : i32
        %mul3A_1752 = arith.muli %mul3A_1751, %scan3A_1368 : i32
        %add3A_1753 = arith.constant 2 : i32
        %add3A_1754 = arith.addi %mul3A_1752, %add3A_1753 : i32
        %get3A_1755 = arith.index_cast %add3A_1754 : i32 to index
        %get3A_1756 = arith.constant 208 : index
        %get3A_1757 = tpu.vector_load %arg8[%get3A_1755, %get3A_1756] {strides = array<i32>} : memref<96x256xf32, #tpu.memory_space<vmem>>, vector<16xf32>,
        %mul3A_1758 = arith.mulf %gather3A_1384, %get3A_1757 : vector<16xf32>
        %add3A_1759 = arith.addf %add3A_1750, %mul3A_1758 : vector<16xf32>
        %swap3A_1760 = arith.index_cast %scan3A_1368 : i32 to index
        %swap3A_1761 = arith.constant 208 : index
        %swap3A_1762 = tpu.vector_load %arg9[%swap3A_1760, %swap3A_1761] {strides = array<i32>} : memref<32x256xf32, #tpu.memory_space<vmem>>, vector<16xf32>,
        tpu.vector_store %arg9[%swap3A_1760, %swap3A_1761], %add3A_1759 {strides = array<i32>} : memref<32x256xf32, #tpu.memory_space<vmem>>, vector<16xf32>,
        %mul3A_1763 = arith.constant 3 : i32
        %mul3A_1764 = arith.muli %mul3A_1763, %scan3A_1368 : i32
        %get3A_1765 = arith.index_cast %mul3A_1764 : i32 to index
        %get3A_1766 = arith.constant 224 : index
        %get3A_1767 = tpu.vector_load %arg8[%get3A_1765, %get3A_1766] {strides = array<i32>} : memref<96x256xf32, #tpu.memory_space<vmem>>, vector<16xf32>,
        %mul3A_1768 = arith.mulf %gather3A_1372, %get3A_1767 : vector<16xf32>
        %mul3A_1769 = arith.constant 3 : i32
        %mul3A_1770 = arith.muli %mul3A_1769, %scan3A_1368 : i32
        %add3A_1771 = arith.constant 1 : i32
        %add3A_1772 = arith.addi %mul3A_1770, %add3A_1771 : i32
        %get3A_1773 = arith.index_cast %add3A_1772 : i32 to index
        %get3A_1774 = arith.constant 224 : index
        %get3A_1775 = tpu.vector_load %arg8[%get3A_1773, %get3A_1774] {strides = array<i32>} : memref<96x256xf32, #tpu.memory_space<vmem>>, vector<16xf32>,
        %mul3A_1776 = arith.mulf %gather3A_1378, %get3A_1775 : vector<16xf32>
        %add3A_1777 = arith.addf %mul3A_1768, %mul3A_1776 : vector<16xf32>
        %mul3A_1778 = arith.constant 3 : i32
        %mul3A_1779 = arith.muli %mul3A_1778, %scan3A_1368 : i32
        %add3A_1780 = arith.constant 2 : i32
        %add3A_1781 = arith.addi %mul3A_1779, %add3A_1780 : i32
        %get3A_1782 = arith.index_cast %add3A_1781 : i32 to index
        %get3A_1783 = arith.constant 224 : index
        %get3A_1784 = tpu.vector_load %arg8[%get3A_1782, %get3A_1783] {strides = array<i32>} : memref<96x256xf32, #tpu.memory_space<vmem>>, vector<16xf32>,
        %mul3A_1785 = arith.mulf %gather3A_1384, %get3A_1784 : vector<16xf32>
        %add3A_1786 = arith.addf %add3A_1777, %mul3A_1785 : vector<16xf32>
        %swap3A_1787 = arith.index_cast %scan3A_1368 : i32 to index
        %swap3A_1788 = arith.constant 224 : index
        %swap3A_1789 = tpu.vector_load %arg9[%swap3A_1787, %swap3A_1788] {strides = array<i32>} : memref<32x256xf32, #tpu.memory_space<vmem>>, vector<16xf32>,
        tpu.vector_store %arg9[%swap3A_1787, %swap3A_1788], %add3A_1786 {strides = array<i32>} : memref<32x256xf32, #tpu.memory_space<vmem>>, vector<16xf32>,
        %mul3A_1790 = arith.constant 3 : i32
        %mul3A_1791 = arith.muli %mul3A_1790, %scan3A_1368 : i32
        %get3A_1792 = arith.index_cast %mul3A_1791 : i32 to index
        %get3A_1793 = arith.constant 240 : index
        %get3A_1794 = tpu.vector_load %arg8[%get3A_1792, %get3A_1793] {strides = array<i32>} : memref<96x256xf32, #tpu.memory_space<vmem>>, vector<16xf32>,
        %mul3A_1795 = arith.mulf %gather3A_1372, %get3A_1794 : vector<16xf32>
        %mul3A_1796 = arith.constant 3 : i32
        %mul3A_1797 = arith.muli %mul3A_1796, %scan3A_1368 : i32
        %add3A_1798 = arith.constant 1 : i32
        %add3A_1799 = arith.addi %mul3A_1797, %add3A_1798 : i32
        %get3A_1800 = arith.index_cast %add3A_1799 : i32 to index
        %get3A_1801 = arith.constant 240 : index
        %get3A_1802 = tpu.vector_load %arg8[%get3A_1800, %get3A_1801] {strides = array<i32>} : memref<96x256xf32, #tpu.memory_space<vmem>>, vector<16xf32>,
        %mul3A_1803 = arith.mulf %gather3A_1378, %get3A_1802 : vector<16xf32>
        %add3A_1804 = arith.addf %mul3A_1795, %mul3A_1803 : vector<16xf32>
        %mul3A_1805 = arith.constant 3 : i32
        %mul3A_1806 = arith.muli %mul3A_1805, %scan3A_1368 : i32
        %add3A_1807 = arith.constant 2 : i32
        %add3A_1808 = arith.addi %mul3A_1806, %add3A_1807 : i32
        %get3A_1809 = arith.index_cast %add3A_1808 : i32 to index
        %get3A_1810 = arith.constant 240 : index
        %get3A_1811 = tpu.vector_load %arg8[%get3A_1809, %get3A_1810] {strides = array<i32>} : memref<96x256xf32, #tpu.memory_space<vmem>>, vector<16xf32>,
        %mul3A_1812 = arith.mulf %gather3A_1384, %get3A_1811 : vector<16xf32>
        %add3A_1813 = arith.addf %add3A_1804, %mul3A_1812 : vector<16xf32>
        %swap3A_1814 = arith.index_cast %scan3A_1368 : i32 to index
        %swap3A_1815 = arith.constant 240 : index
        %swap3A_1816 = tpu.vector_load %arg9[%swap3A_1814, %swap3A_1815] {strides = array<i32>} : memref<32x256xf32, #tpu.memory_space<vmem>>, vector<16xf32>,
        tpu.vector_store %arg9[%swap3A_1814, %swap3A_1815], %add3A_1813 {strides = array<i32>} : memref<32x256xf32, #tpu.memory_space<vmem>>, vector<16xf32>,
      }
      %scan3A_16 = arith.constant 32 : i32
      %mul3A_17 = arith.constant 2048 : i32
      %mul3A_18 = arith.muli %add3A, %mul3A_17 : i32
      %mul3A_19 = arith.constant 32 : i32
      %mul3A_20 = arith.muli %scan3A_6, %mul3A_19 : i32
      %add3A_21 = arith.addi %mul3A_18, %mul3A_20 : i32
      "tpu.region"() ({
        %run_scoped3A = tpu.sem_alloc : memref<!tpu.dma_semaphore, #tpu.memory_space<semaphore_mem>>
        %dma_start3A_22 = arith.constant 0 : i32
        %dma_start3A_23 = tpu.memref_slice %arg5[%add3A_21, %dma_start3A_22] : memref<65536x256xf32, #tpu.memory_space<hbm>> -> memref<32x256xf32, #tpu.memory_space<hbm>>
        %dma_start3A_24 = arith.constant 0 : i32
        %dma_start3A_25 = tpu.memref_slice %arg5[%add3A_21, %dma_start3A_24] : memref<65536x256xf32, #tpu.memory_space<hbm>> -> memref<32x256xf32, #tpu.memory_space<hbm>>
        tpu.enqueue_dma source(%arg9 : memref<32x256xf32, #tpu.memory_space<vmem>>) target(%dma_start3A_25 : memref<32x256xf32, #tpu.memory_space<hbm>>) target_semaphore(%run_scoped3A : memref<!tpu.dma_semaphore, #tpu.memory_space<semaphore_mem>>)
        %dma_wait3A_26 = arith.constant 0 : i32
        %dma_wait3A_27 = tpu.memref_slice %arg5[%add3A_21, %dma_wait3A_26] : memref<65536x256xf32, #tpu.memory_space<hbm>> -> memref<32x256xf32, #tpu.memory_space<hbm>>
        %dma_wait3A_28 = arith.constant 0 : i32
        %dma_wait3A_29 = tpu.memref_slice %arg5[%add3A_21, %dma_wait3A_28] : memref<65536x256xf32, #tpu.memory_space<hbm>> -> memref<32x256xf32, #tpu.memory_space<hbm>>
        tpu.wait_dma2 semaphore(%run_scoped3A : memref<!tpu.dma_semaphore, #tpu.memory_space<semaphore_mem>>) src(%arg9 : memref<32x256xf32, #tpu.memory_space<vmem>>) dst(%dma_wait3A_29 : memref<32x256xf32, #tpu.memory_space<hbm>>)
        tpu.yield
      }) : () -> ()
    }
    %scan3A_5 = arith.constant 64 : i32
    return
  }
}

module attributes {stable_mosaic.version = 14 : i64} {
  func.func @_knn_body(%arg0: i32, %arg1: i32, %arg2: memref<1x512x3xf32, #tpu.memory_space<vmem>>, %arg3: memref<1x3x1024xf32, #tpu.memory_space<vmem>>, %arg4: memref<1x512x3xi32, #tpu.memory_space<vmem>>, %arg5: memref<1x512x3xf32, #tpu.memory_space<vmem>>) attributes {dimension_semantics = [#tpu.dimension_semantics<arbitrary>, #tpu.dimension_semantics<arbitrary>], iteration_bounds = array<i64: 16, 8>, scalar_prefetch = 0 : i64, scratch_operands = 0 : i64, tpu.core_type = #tpu.core_type<tc>, window_params = [{transform_indices = @transform_0, window_bounds = array<i64: 1, 512, 3>}, {transform_indices = @transform_1, window_bounds = array<i64: 1, 3, 1024>}, {transform_indices = @transform_2, window_bounds = array<i64: 1, 512, 3>}, {transform_indices = @transform_3, window_bounds = array<i64: 1, 512, 3>}]} {
    %get3A = arith.constant 0 : index
    %get3A_0 = arith.constant 0 : index
    %get3A_1 = arith.constant 0 : index
    %get3A_2 = vector.load %arg2[%get3A, %get3A_0, %get3A_1] : memref<1x512x3xf32, #tpu.memory_space<vmem>>, vector<1x512x3xf32>
    %get3A_3 = vector.shape_cast %get3A_2 : vector<1x512x3xf32> to vector<512x3xf32>
    %get3A_4 = arith.constant 0 : index
    %get3A_5 = arith.constant 0 : index
    %get3A_6 = arith.constant 0 : index
    %get3A_7 = vector.load %arg3[%get3A_4, %get3A_5, %get3A_6] : memref<1x3x1024xf32, #tpu.memory_space<vmem>>, vector<1x3x1024xf32>
    %get3A_8 = vector.shape_cast %get3A_7 : vector<1x3x1024xf32> to vector<3x1024xf32>
    %slice3A = vector.extract_strided_slice %get3A_3 {offsets = [0, 0], sizes = [512, 1], strides = [1, 1]} : vector<512x3xf32> to vector<512x1xf32>
    %slice3A_9 = vector.extract_strided_slice %get3A_3 {offsets = [0, 1], sizes = [512, 1], strides = [1, 1]} : vector<512x3xf32> to vector<512x1xf32>
    %slice3A_10 = vector.extract_strided_slice %get3A_3 {offsets = [0, 2], sizes = [512, 1], strides = [1, 1]} : vector<512x3xf32> to vector<512x1xf32>
    %slice3A_11 = vector.extract_strided_slice %get3A_8 {offsets = [0, 0], sizes = [1, 1024], strides = [1, 1]} : vector<3x1024xf32> to vector<1x1024xf32>
    %slice3A_12 = vector.extract_strided_slice %get3A_8 {offsets = [1, 0], sizes = [1, 1024], strides = [1, 1]} : vector<3x1024xf32> to vector<1x1024xf32>
    %slice3A_13 = vector.extract_strided_slice %get3A_8 {offsets = [2, 0], sizes = [1, 1024], strides = [1, 1]} : vector<3x1024xf32> to vector<1x1024xf32>
    %mul3A = arith.constant -2.000000e+00 : f32
    %mul3A_14 = vector.broadcast %mul3A : f32 to vector<512x3xf32>
    %mul3A_15 = arith.mulf %mul3A_14, %get3A_3 : vector<512x3xf32>
    %convert_element_type3A = arith.truncf %mul3A_15 : vector<512x3xf32> to vector<512x3xbf16>
    %convert_element_type3A_16 = arith.truncf %get3A_8 : vector<3x1024xf32> to vector<3x1024xbf16>
    %dot_general3A = arith.constant dense<0.000000e+00> : vector<512x1024xf32>
    %dot_general3A_17 = tpu.matmul %convert_element_type3A, %convert_element_type3A_16, %dot_general3A {dimension_numbers = #tpu.dot_dimension_numbers<[1], [0], [0], [1], [0, 0, 1, 1], [], []>, transpose_lhs_hint = false} : vector<512x3xbf16>, vector<3x1024xbf16>, vector<512x1024xf32> -> vector<512x1024xf32>
    %mul3A_18 = arith.mulf %slice3A, %slice3A : vector<512x1xf32>
    %mul3A_19 = arith.mulf %slice3A_9, %slice3A_9 : vector<512x1xf32>
    %add3A = arith.addf %mul3A_18, %mul3A_19 : vector<512x1xf32>
    %mul3A_20 = arith.mulf %slice3A_10, %slice3A_10 : vector<512x1xf32>
    %add3A_21 = arith.addf %add3A, %mul3A_20 : vector<512x1xf32>
    %mul3A_22 = arith.mulf %slice3A_11, %slice3A_11 : vector<1x1024xf32>
    %mul3A_23 = arith.mulf %slice3A_12, %slice3A_12 : vector<1x1024xf32>
    %add3A_24 = arith.addf %mul3A_22, %mul3A_23 : vector<1x1024xf32>
    %mul3A_25 = arith.mulf %slice3A_13, %slice3A_13 : vector<1x1024xf32>
    %add3A_26 = arith.addf %add3A_24, %mul3A_25 : vector<1x1024xf32>
    %add3A_27 = vector.broadcast %add3A_21 : vector<512x1xf32> to vector<512x1024xf32>
    %add3A_28 = arith.addf %dot_general3A_17, %add3A_27 : vector<512x1024xf32>
    %add3A_29 = vector.broadcast %add3A_26 : vector<1x1024xf32> to vector<512x1024xf32>
    %add3A_30 = arith.addf %add3A_28, %add3A_29 : vector<512x1024xf32>
    %iota3A = tpu.iota {dimensions = array<i32: 1>} : vector<512x1024xi32>
    %convert_element_type3A_31 = arith.sitofp %iota3A : vector<512x1024xi32> to vector<512x1024xf32>
    %reduce_min3A = arith.constant dense<0x7F800000> : vector<512xf32>
    %reduce_min3A_32 = vector.multi_reduction <minimumf>, %add3A_30, %reduce_min3A [1] : vector<512x1024xf32> to vector<512xf32>
    %broadcast_in_dim3A = vector.shape_cast %reduce_min3A_32 : vector<512xf32> to vector<512x1xf32>
    %eq3A = vector.broadcast %broadcast_in_dim3A : vector<512x1xf32> to vector<512x1024xf32>
    %eq3A_33 = arith.cmpf oeq, %add3A_30, %eq3A : vector<512x1024xf32>
    %jit3A = arith.constant 1.024000e+03 : f32
    %broadcast_in_dim3A_34 = vector.broadcast %jit3A : f32 to vector<512x1024xf32>
    %select_n3A = arith.select %eq3A_33, %convert_element_type3A_31, %broadcast_in_dim3A_34 : vector<512x1024xi1>, vector<512x1024xf32>
    %reduce_min3A_35 = arith.constant dense<0x7F800000> : vector<512xf32>
    %reduce_min3A_36 = vector.multi_reduction <minimumf>, %select_n3A, %reduce_min3A_35 [1] : vector<512x1024xf32> to vector<512xf32>
    %broadcast_in_dim3A_37 = vector.shape_cast %reduce_min3A_36 : vector<512xf32> to vector<512x1xf32>
    %eq3A_38 = vector.broadcast %broadcast_in_dim3A_37 : vector<512x1xf32> to vector<512x1024xf32>
    %eq3A_39 = arith.cmpf oeq, %convert_element_type3A_31, %eq3A_38 : vector<512x1024xf32>
    %jit3A_40 = arith.constant 0x7F800000 : f32
    %broadcast_in_dim3A_41 = vector.broadcast %jit3A_40 : f32 to vector<512x1024xf32>
    %select_n3A_42 = arith.select %eq3A_39, %broadcast_in_dim3A_41, %add3A_30 : vector<512x1024xi1>, vector<512x1024xf32>
    %reduce_min3A_43 = arith.constant dense<0x7F800000> : vector<512xf32>
    %reduce_min3A_44 = vector.multi_reduction <minimumf>, %select_n3A_42, %reduce_min3A_43 [1] : vector<512x1024xf32> to vector<512xf32>
    %broadcast_in_dim3A_45 = vector.shape_cast %reduce_min3A_44 : vector<512xf32> to vector<512x1xf32>
    %eq3A_46 = vector.broadcast %broadcast_in_dim3A_45 : vector<512x1xf32> to vector<512x1024xf32>
    %eq3A_47 = arith.cmpf oeq, %select_n3A_42, %eq3A_46 : vector<512x1024xf32>
    %jit3A_48 = arith.constant 1.024000e+03 : f32
    %broadcast_in_dim3A_49 = vector.broadcast %jit3A_48 : f32 to vector<512x1024xf32>
    %select_n3A_50 = arith.select %eq3A_47, %convert_element_type3A_31, %broadcast_in_dim3A_49 : vector<512x1024xi1>, vector<512x1024xf32>
    %reduce_min3A_51 = arith.constant dense<0x7F800000> : vector<512xf32>
    %reduce_min3A_52 = vector.multi_reduction <minimumf>, %select_n3A_50, %reduce_min3A_51 [1] : vector<512x1024xf32> to vector<512xf32>
    %broadcast_in_dim3A_53 = vector.shape_cast %reduce_min3A_52 : vector<512xf32> to vector<512x1xf32>
    %eq3A_54 = vector.broadcast %broadcast_in_dim3A_53 : vector<512x1xf32> to vector<512x1024xf32>
    %eq3A_55 = arith.cmpf oeq, %convert_element_type3A_31, %eq3A_54 : vector<512x1024xf32>
    %jit3A_56 = arith.constant 0x7F800000 : f32
    %broadcast_in_dim3A_57 = vector.broadcast %jit3A_56 : f32 to vector<512x1024xf32>
    %select_n3A_58 = arith.select %eq3A_55, %broadcast_in_dim3A_57, %select_n3A_42 : vector<512x1024xi1>, vector<512x1024xf32>
    %reduce_min3A_59 = arith.constant dense<0x7F800000> : vector<512xf32>
    %reduce_min3A_60 = vector.multi_reduction <minimumf>, %select_n3A_58, %reduce_min3A_59 [1] : vector<512x1024xf32> to vector<512xf32>
    %broadcast_in_dim3A_61 = vector.shape_cast %reduce_min3A_60 : vector<512xf32> to vector<512x1xf32>
    %eq3A_62 = vector.broadcast %broadcast_in_dim3A_61 : vector<512x1xf32> to vector<512x1024xf32>
    %eq3A_63 = arith.cmpf oeq, %select_n3A_58, %eq3A_62 : vector<512x1024xf32>
    %jit3A_64 = arith.constant 1.024000e+03 : f32
    %broadcast_in_dim3A_65 = vector.broadcast %jit3A_64 : f32 to vector<512x1024xf32>
    %select_n3A_66 = arith.select %eq3A_63, %convert_element_type3A_31, %broadcast_in_dim3A_65 : vector<512x1024xi1>, vector<512x1024xf32>
    %reduce_min3A_67 = arith.constant dense<0x7F800000> : vector<512xf32>
    %reduce_min3A_68 = vector.multi_reduction <minimumf>, %select_n3A_66, %reduce_min3A_67 [1] : vector<512x1024xf32> to vector<512xf32>
    %broadcast_in_dim3A_69 = vector.shape_cast %reduce_min3A_68 : vector<512xf32> to vector<512x1xf32>
    %add3A_70 = arith.constant 9.99999993E-9 : f32
    %add3A_71 = vector.broadcast %add3A_70 : f32 to vector<512x1xf32>
    %add3A_72 = arith.addf %broadcast_in_dim3A, %add3A_71 : vector<512x1xf32>
    %div3A = arith.constant 1.000000e+00 : f32
    %div3A_73 = vector.broadcast %div3A : f32 to vector<512x1xf32>
    %div3A_74 = arith.divf %div3A_73, %add3A_72 : vector<512x1xf32>
    %add3A_75 = arith.constant 9.99999993E-9 : f32
    %add3A_76 = vector.broadcast %add3A_75 : f32 to vector<512x1xf32>
    %add3A_77 = arith.addf %broadcast_in_dim3A_45, %add3A_76 : vector<512x1xf32>
    %div3A_78 = arith.constant 1.000000e+00 : f32
    %div3A_79 = vector.broadcast %div3A_78 : f32 to vector<512x1xf32>
    %div3A_80 = arith.divf %div3A_79, %add3A_77 : vector<512x1xf32>
    %add3A_81 = arith.constant 9.99999993E-9 : f32
    %add3A_82 = vector.broadcast %add3A_81 : f32 to vector<512x1xf32>
    %add3A_83 = arith.addf %broadcast_in_dim3A_61, %add3A_82 : vector<512x1xf32>
    %div3A_84 = arith.constant 1.000000e+00 : f32
    %div3A_85 = vector.broadcast %div3A_84 : f32 to vector<512x1xf32>
    %div3A_86 = arith.divf %div3A_85, %add3A_83 : vector<512x1xf32>
    %add3A_87 = arith.addf %div3A_74, %div3A_80 : vector<512x1xf32>
    %add3A_88 = arith.addf %add3A_87, %div3A_86 : vector<512x1xf32>
    %mul3A_89 = arith.constant 1024 : i32
    %mul3A_90 = arith.muli %arg0, %mul3A_89 : i32
    %convert_element_type3A_91 = arith.sitofp %mul3A_90 : i32 to f32
    %add3A_92 = vector.broadcast %convert_element_type3A_91 : f32 to vector<512x1xf32>
    %add3A_93 = arith.addf %broadcast_in_dim3A_37, %add3A_92 : vector<512x1xf32>
    %convert_element_type3A_94 = arith.fptosi %add3A_93 : vector<512x1xf32> to vector<512x1xi32>
    %swap3A = arith.constant 0 : index
    %swap3A_95 = arith.constant 0 : index
    %swap3A_96 = arith.constant 0 : index
    %swap3A_97 = vector.load %arg4[%swap3A, %swap3A_95, %swap3A_96] : memref<1x512x3xi32, #tpu.memory_space<vmem>>, vector<1x512x1xi32>
    %swap3A_98 = vector.shape_cast %swap3A_97 : vector<1x512x1xi32> to vector<512x1xi32>
    %swap3A_99 = vector.shape_cast %convert_element_type3A_94 : vector<512x1xi32> to vector<1x512x1xi32>
    tpu.vector_store %arg4[%swap3A, %swap3A_95, %swap3A_96], %swap3A_99 {strides = array<i32>} : memref<1x512x3xi32, #tpu.memory_space<vmem>>, vector<1x512x1xi32>,
    %add3A_100 = vector.broadcast %convert_element_type3A_91 : f32 to vector<512x1xf32>
    %add3A_101 = arith.addf %broadcast_in_dim3A_53, %add3A_100 : vector<512x1xf32>
    %convert_element_type3A_102 = arith.fptosi %add3A_101 : vector<512x1xf32> to vector<512x1xi32>
    %swap3A_103 = arith.constant 0 : index
    %swap3A_104 = arith.constant 0 : index
    %swap3A_105 = arith.constant 1 : index
    %swap3A_106 = vector.load %arg4[%swap3A_103, %swap3A_104, %swap3A_105] : memref<1x512x3xi32, #tpu.memory_space<vmem>>, vector<1x512x1xi32>
    %swap3A_107 = vector.shape_cast %swap3A_106 : vector<1x512x1xi32> to vector<512x1xi32>
    %swap3A_108 = vector.shape_cast %convert_element_type3A_102 : vector<512x1xi32> to vector<1x512x1xi32>
    tpu.vector_store %arg4[%swap3A_103, %swap3A_104, %swap3A_105], %swap3A_108 {strides = array<i32>} : memref<1x512x3xi32, #tpu.memory_space<vmem>>, vector<1x512x1xi32>,
    %add3A_109 = vector.broadcast %convert_element_type3A_91 : f32 to vector<512x1xf32>
    %add3A_110 = arith.addf %broadcast_in_dim3A_69, %add3A_109 : vector<512x1xf32>
    %convert_element_type3A_111 = arith.fptosi %add3A_110 : vector<512x1xf32> to vector<512x1xi32>
    %swap3A_112 = arith.constant 0 : index
    %swap3A_113 = arith.constant 0 : index
    %swap3A_114 = arith.constant 2 : index
    %swap3A_115 = vector.load %arg4[%swap3A_112, %swap3A_113, %swap3A_114] : memref<1x512x3xi32, #tpu.memory_space<vmem>>, vector<1x512x1xi32>
    %swap3A_116 = vector.shape_cast %swap3A_115 : vector<1x512x1xi32> to vector<512x1xi32>
    %swap3A_117 = vector.shape_cast %convert_element_type3A_111 : vector<512x1xi32> to vector<1x512x1xi32>
    tpu.vector_store %arg4[%swap3A_112, %swap3A_113, %swap3A_114], %swap3A_117 {strides = array<i32>} : memref<1x512x3xi32, #tpu.memory_space<vmem>>, vector<1x512x1xi32>,
    %div3A_118 = arith.divf %div3A_74, %add3A_88 : vector<512x1xf32>
    %swap3A_119 = arith.constant 0 : index
    %swap3A_120 = arith.constant 0 : index
    %swap3A_121 = arith.constant 0 : index
    %swap3A_122 = vector.load %arg5[%swap3A_119, %swap3A_120, %swap3A_121] : memref<1x512x3xf32, #tpu.memory_space<vmem>>, vector<1x512x1xf32>
    %swap3A_123 = vector.shape_cast %swap3A_122 : vector<1x512x1xf32> to vector<512x1xf32>
    %swap3A_124 = vector.shape_cast %div3A_118 : vector<512x1xf32> to vector<1x512x1xf32>
    tpu.vector_store %arg5[%swap3A_119, %swap3A_120, %swap3A_121], %swap3A_124 {strides = array<i32>} : memref<1x512x3xf32, #tpu.memory_space<vmem>>, vector<1x512x1xf32>,
    %div3A_125 = arith.divf %div3A_80, %add3A_88 : vector<512x1xf32>
    %swap3A_126 = arith.constant 0 : index
    %swap3A_127 = arith.constant 0 : index
    %swap3A_128 = arith.constant 1 : index
    %swap3A_129 = vector.load %arg5[%swap3A_126, %swap3A_127, %swap3A_128] : memref<1x512x3xf32, #tpu.memory_space<vmem>>, vector<1x512x1xf32>
    %swap3A_130 = vector.shape_cast %swap3A_129 : vector<1x512x1xf32> to vector<512x1xf32>
    %swap3A_131 = vector.shape_cast %div3A_125 : vector<512x1xf32> to vector<1x512x1xf32>
    tpu.vector_store %arg5[%swap3A_126, %swap3A_127, %swap3A_128], %swap3A_131 {strides = array<i32>} : memref<1x512x3xf32, #tpu.memory_space<vmem>>, vector<1x512x1xf32>,
    %div3A_132 = arith.divf %div3A_86, %add3A_88 : vector<512x1xf32>
    %swap3A_133 = arith.constant 0 : index
    %swap3A_134 = arith.constant 0 : index
    %swap3A_135 = arith.constant 2 : index
    %swap3A_136 = vector.load %arg5[%swap3A_133, %swap3A_134, %swap3A_135] : memref<1x512x3xf32, #tpu.memory_space<vmem>>, vector<1x512x1xf32>
    %swap3A_137 = vector.shape_cast %swap3A_136 : vector<1x512x1xf32> to vector<512x1xf32>
    %swap3A_138 = vector.shape_cast %div3A_132 : vector<512x1xf32> to vector<1x512x1xf32>
    tpu.vector_store %arg5[%swap3A_133, %swap3A_134, %swap3A_135], %swap3A_138 {strides = array<i32>} : memref<1x512x3xf32, #tpu.memory_space<vmem>>, vector<1x512x1xf32>,
    return
  }
  func.func @transform_0(%arg0: i32, %arg1: i32) -> (i32, i32, i32) {
    %c0_i32 = arith.constant 0 : i32
    %c0_i32_0 = arith.constant 0 : i32
    return %arg0, %arg1, %c0_i32 : i32, i32, i32
  }
  func.func @transform_1(%arg0: i32, %arg1: i32) -> (i32, i32, i32) {
    %c0_i32 = arith.constant 0 : i32
    %c0_i32_0 = arith.constant 0 : i32
    %c0_i32_1 = arith.constant 0 : i32
    return %arg0, %c0_i32, %c0_i32_0 : i32, i32, i32
  }
  func.func @transform_2(%arg0: i32, %arg1: i32) -> (i32, i32, i32) {
    %c0_i32 = arith.constant 0 : i32
    %c0_i32_0 = arith.constant 0 : i32
    return %arg0, %arg1, %c0_i32 : i32, i32, i32
  }
  func.func @transform_3(%arg0: i32, %arg1: i32) -> (i32, i32, i32) {
    %c0_i32 = arith.constant 0 : i32
    %c0_i32_0 = arith.constant 0 : i32
    return %arg0, %arg1, %c0_i32 : i32, i32, i32
  }
}

module attributes {stable_mosaic.version = 14 : i64} {
  func.func @_mlp_body(%arg0: i32, %arg1: i32, %arg2: memref<1x512x128xf32, #tpu.memory_space<vmem>>, %arg3: memref<1x512x256xf32, #tpu.memory_space<vmem>>, %arg4: memref<128x256xbf16, #tpu.memory_space<vmem>>, %arg5: memref<256x256xbf16, #tpu.memory_space<vmem>>, %arg6: memref<1x256xf32, #tpu.memory_space<vmem>>, %arg7: memref<256x256xbf16, #tpu.memory_space<vmem>>, %arg8: memref<1x256xf32, #tpu.memory_space<vmem>>, %arg9: memref<1x512x256xf32, #tpu.memory_space<vmem>>) attributes {dimension_semantics = [#tpu.dimension_semantics<arbitrary>, #tpu.dimension_semantics<arbitrary>], iteration_bounds = array<i64: 16, 8>, scalar_prefetch = 0 : i64, scratch_operands = 0 : i64, tpu.core_type = #tpu.core_type<tc>, window_params = [{transform_indices = @transform_0, window_bounds = array<i64: 1, 512, 128>}, {transform_indices = @transform_1, window_bounds = array<i64: 1, 512, 256>}, {pipeline_mode = #tpu.pipeline_mode<synchronous>, transform_indices = @transform_2, window_bounds = array<i64: 128, 256>}, {pipeline_mode = #tpu.pipeline_mode<synchronous>, transform_indices = @transform_3, window_bounds = array<i64: 256, 256>}, {pipeline_mode = #tpu.pipeline_mode<synchronous>, transform_indices = @transform_4, window_bounds = array<i64: 1, 256>}, {pipeline_mode = #tpu.pipeline_mode<synchronous>, transform_indices = @transform_5, window_bounds = array<i64: 256, 256>}, {pipeline_mode = #tpu.pipeline_mode<synchronous>, transform_indices = @transform_6, window_bounds = array<i64: 1, 256>}, {transform_indices = @transform_7, window_bounds = array<i64: 1, 512, 256>}]} {
    %get3A = arith.constant 0 : index
    %get3A_0 = arith.constant 0 : index
    %get3A_1 = arith.constant 0 : index
    %get3A_2 = vector.load %arg2[%get3A, %get3A_0, %get3A_1] : memref<1x512x128xf32, #tpu.memory_space<vmem>>, vector<1x512x128xf32>
    %get3A_3 = vector.shape_cast %get3A_2 : vector<1x512x128xf32> to vector<512x128xf32>
    %convert_element_type3A = arith.truncf %get3A_3 : vector<512x128xf32> to vector<512x128xbf16>
    %get3A_4 = arith.constant 0 : index
    %get3A_5 = arith.constant 0 : index
    %get3A_6 = vector.load %arg4[%get3A_4, %get3A_5] : memref<128x256xbf16, #tpu.memory_space<vmem>>, vector<128x256xbf16>
    %dot_general3A = arith.constant dense<0.000000e+00> : vector<512x256xf32>
    %dot_general3A_7 = tpu.matmul %convert_element_type3A, %get3A_6, %dot_general3A {dimension_numbers = #tpu.dot_dimension_numbers<[1], [0], [0], [1], [0, 0, 1, 1], [], []>, transpose_lhs_hint = false} : vector<512x128xbf16>, vector<128x256xbf16>, vector<512x256xf32> -> vector<512x256xf32>
    %get3A_8 = arith.constant 0 : index
    %get3A_9 = arith.constant 0 : index
    %get3A_10 = arith.constant 0 : index
    %get3A_11 = vector.load %arg3[%get3A_8, %get3A_9, %get3A_10] : memref<1x512x256xf32, #tpu.memory_space<vmem>>, vector<1x512x256xf32>
    %get3A_12 = vector.shape_cast %get3A_11 : vector<1x512x256xf32> to vector<512x256xf32>
    %convert_element_type3A_13 = arith.truncf %get3A_12 : vector<512x256xf32> to vector<512x256xbf16>
    %get3A_14 = arith.constant 0 : index
    %get3A_15 = arith.constant 0 : index
    %get3A_16 = vector.load %arg5[%get3A_14, %get3A_15] : memref<256x256xbf16, #tpu.memory_space<vmem>>, vector<256x256xbf16>
    %dot_general3A_17 = arith.constant dense<0.000000e+00> : vector<512x256xf32>
    %dot_general3A_18 = tpu.matmul %convert_element_type3A_13, %get3A_16, %dot_general3A_17 {dimension_numbers = #tpu.dot_dimension_numbers<[1], [0], [0], [1], [0, 0, 1, 1], [], []>, transpose_lhs_hint = false} : vector<512x256xbf16>, vector<256x256xbf16>, vector<512x256xf32> -> vector<512x256xf32>
    %add3A = arith.addf %dot_general3A_7, %dot_general3A_18 : vector<512x256xf32>
    %get3A_19 = arith.constant 0 : index
    %get3A_20 = arith.constant 0 : index
    %get3A_21 = vector.load %arg6[%get3A_19, %get3A_20] : memref<1x256xf32, #tpu.memory_space<vmem>>, vector<1x256xf32>
    %add3A_22 = vector.broadcast %get3A_21 : vector<1x256xf32> to vector<512x256xf32>
    %add3A_23 = arith.addf %add3A, %add3A_22 : vector<512x256xf32>
    %max3A = arith.constant 0.000000e+00 : f32
    %max3A_24 = vector.broadcast %max3A : f32 to vector<512x256xf32>
    %max3A_25 = arith.maximumf %add3A_23, %max3A_24 : vector<512x256xf32>
    %convert_element_type3A_26 = arith.truncf %max3A_25 : vector<512x256xf32> to vector<512x256xbf16>
    %get3A_27 = arith.constant 0 : index
    %get3A_28 = arith.constant 0 : index
    %get3A_29 = vector.load %arg7[%get3A_27, %get3A_28] : memref<256x256xbf16, #tpu.memory_space<vmem>>, vector<256x256xbf16>
    %dot_general3A_30 = arith.constant dense<0.000000e+00> : vector<512x256xf32>
    %dot_general3A_31 = tpu.matmul %convert_element_type3A_26, %get3A_29, %dot_general3A_30 {dimension_numbers = #tpu.dot_dimension_numbers<[1], [0], [0], [1], [0, 0, 1, 1], [], []>, transpose_lhs_hint = false} : vector<512x256xbf16>, vector<256x256xbf16>, vector<512x256xf32> -> vector<512x256xf32>
    %get3A_32 = arith.constant 0 : index
    %get3A_33 = arith.constant 0 : index
    %get3A_34 = vector.load %arg8[%get3A_32, %get3A_33] : memref<1x256xf32, #tpu.memory_space<vmem>>, vector<1x256xf32>
    %add3A_35 = vector.broadcast %get3A_34 : vector<1x256xf32> to vector<512x256xf32>
    %add3A_36 = arith.addf %dot_general3A_31, %add3A_35 : vector<512x256xf32>
    %max3A_37 = arith.constant 0.000000e+00 : f32
    %max3A_38 = vector.broadcast %max3A_37 : f32 to vector<512x256xf32>
    %max3A_39 = arith.maximumf %add3A_36, %max3A_38 : vector<512x256xf32>
    %swap3A = arith.constant 0 : index
    %swap3A_40 = arith.constant 0 : index
    %swap3A_41 = arith.constant 0 : index
    %swap3A_42 = vector.load %arg9[%swap3A, %swap3A_40, %swap3A_41] : memref<1x512x256xf32, #tpu.memory_space<vmem>>, vector<1x512x256xf32>
    %swap3A_43 = vector.shape_cast %swap3A_42 : vector<1x512x256xf32> to vector<512x256xf32>
    %swap3A_44 = vector.shape_cast %max3A_39 : vector<512x256xf32> to vector<1x512x256xf32>
    tpu.vector_store %arg9[%swap3A, %swap3A_40, %swap3A_41], %swap3A_44 {strides = array<i32>} : memref<1x512x256xf32, #tpu.memory_space<vmem>>, vector<1x512x256xf32>,
    return
  }
  func.func @transform_0(%arg0: i32, %arg1: i32) -> (i32, i32, i32) {
    %c0_i32 = arith.constant 0 : i32
    %c0_i32_0 = arith.constant 0 : i32
    return %arg0, %arg1, %c0_i32 : i32, i32, i32
  }
  func.func @transform_1(%arg0: i32, %arg1: i32) -> (i32, i32, i32) {
    %c0_i32 = arith.constant 0 : i32
    %c0_i32_0 = arith.constant 0 : i32
    return %arg0, %arg1, %c0_i32 : i32, i32, i32
  }
  func.func @transform_2(%arg0: i32, %arg1: i32) -> (i32, i32) {
    %c0_i32 = arith.constant 0 : i32
    %c0_i32_0 = arith.constant 0 : i32
    %c0_i32_1 = arith.constant 0 : i32
    return %c0_i32, %c0_i32_0 : i32, i32
  }
  func.func @transform_3(%arg0: i32, %arg1: i32) -> (i32, i32) {
    %c0_i32 = arith.constant 0 : i32
    %c0_i32_0 = arith.constant 0 : i32
    %c0_i32_1 = arith.constant 0 : i32
    return %c0_i32, %c0_i32_0 : i32, i32
  }
  func.func @transform_4(%arg0: i32, %arg1: i32) -> (i32, i32) {
    %c0_i32 = arith.constant 0 : i32
    %c0_i32_0 = arith.constant 0 : i32
    %c0_i32_1 = arith.constant 0 : i32
    return %c0_i32, %c0_i32_0 : i32, i32
  }
  func.func @transform_5(%arg0: i32, %arg1: i32) -> (i32, i32) {
    %c0_i32 = arith.constant 0 : i32
    %c0_i32_0 = arith.constant 0 : i32
    %c0_i32_1 = arith.constant 0 : i32
    return %c0_i32, %c0_i32_0 : i32, i32
  }
  func.func @transform_6(%arg0: i32, %arg1: i32) -> (i32, i32) {
    %c0_i32 = arith.constant 0 : i32
    %c0_i32_0 = arith.constant 0 : i32
    %c0_i32_1 = arith.constant 0 : i32
    return %c0_i32, %c0_i32_0 : i32, i32
  }
  func.func @transform_7(%arg0: i32, %arg1: i32) -> (i32, i32, i32) {
    %c0_i32 = arith.constant 0 : i32
    %c0_i32_0 = arith.constant 0 : i32
    return %arg0, %arg1, %c0_i32 : i32, i32, i32
  }
}

</mosaic_0001>

<sc_bundles>
// kernel: kernel.5.cloned.1.call-start
scs
__scs_entry_jumppad:
0x0: {  	(pc) =	sbr.rel $0x88, $3  }
0x1: {  	(tag) =	ssettag $0x0;
	lr =	simm.s32 $0x1  }
0x2: {  	[smem:$0x3F99] =	sst lr;
	_ =	strace $0xD0000000  }
0x3: {  	_ = 	snop  }
0x4: {  	_ = 	snop  }
0x5: {  	_ = 	snop  }
0x6: {  	_ = 	snop  }
0x7: {  	_ = 	snop  }
__scs_overlays_trampoline_lowered:
0x8: {  	[smem:$0x3FA8] =	sst s0  }
0x9: {  	[smem:$0x3FA9] =	sst s1  }
0xa: {  	[smem:$0x3FAA] =	sst s2  }
0xb: {  	[smem:$0x3FAB] =	sst s3  }
0xc: {  	[smem:$0x3FAC] =	sst s4  }
0xd: {  	[smem:$0x3FAD] =	sst s5  }
0xe: {  	[smem:$0x3FAE] =	sst s6  }
0xf: {  	[smem:$0x3FAF] =	sst s7  }
0x10: {  	[smem:$0x3FB0] =	sst s8  }
0x11: {  	[smem:$0x3FB1] =	sst s9;
	s0 =	simm.s32 @!p0 $0x0  }
0x12: {  	s1 =	sld [smem:$0x3F97];
	s0 =	simm.s32 @p0 $0x1  }
0x13: {  	[smem:$0x3FB2] =	sst s0;
	s0 =	simm.s32 @!p1 $0x0  }
0x14: {  	s2 =	sld [smem:$0x3F96];
	s0 =	simm.s32 @p1 $0x1  }
0x15: {  	[smem:$0x3FB3] =	sst s0;
	s0 =	simm.s32 @!p2 $0x0  }
0x16: {  	s3 =	sld [smem:$0x3FDB];
	s0 =	simm.s32 @p2 $0x1  }
0x17: {  	s4 =	simm.s32 $0x1BF5;
	[smem:$0x3FB5] =	sst s0  }
0x18: {  	s0 =	sld [smem:$0x3F98];
	_ =	swait.ge [sflag:s4], $0x0  }
0x19: {  	s7 =	sld [smem:$0x3F99]  }
0x1a: {  	s8 =	sadd.s32 $0xFFFFE003, lr  }
0x1b: {  	s9 =	sadd.s32 $0xFFFFFEF7, lr;
	s5 =	simm.s32 $0xFFFFFFFF;
	p2 =	slt.u32 s8, $0xFFFFF086  }
0x1c: {  	p1 =	slt.u32 s9, $0xF7A;
	s5 =	simm.s32 @!p2 $0x0  }
0x1d: {  	s5 =	simm.s32 @p1 $0x1;
	p0 =	seq.s32 s7, s2  }
0x1e: {  	s7 =	smul.u32 @!p0 $0xF7A, s2;
	p2 =	seq.s32 @!p0 s5, $0x0  }
0x1f: {  	s9 =	smul.u32 $0xF7A, s1;
	s8 =	simm.s32 @!p0 $0x1BF5;
	p2 =	por !p2, p0  }
0x20: {  	[sflag:s8] =	ssyncset.s32 @!p0 $0xFFFFF086;
	s6 =	sadd.s32 @!p0 s3, s7;
	s7 =	simm.s32 @!p0 $0x108  }
0x21: {  	s3 =	sadd.s32 s3, s9;
	s6 =	sadd.s32 @!p0 $0x88, s6;
	s7 =	simm.s32 @p2 $0x1082  }
0x22: {  	[simem:s7], [sflag:s8] =	dma.local @!p0 [hbm:s6], $0xF7A  }
0x23: {  	s9 =	sor.u32 $0xD0000000, s2;
	s6 =	simm.s32 $0x108;
	_ =	swait.ge @!p0 [sflag:s8], $0x0  }
0x24: {  	s3 =	sadd.s32 $0x88, s3;
	s6 =	simm.s32 @!p1 $0x1082;
	[sflag:s4] =	ssyncset.s32 $0xFFFFF086  }
0x25: {  	[simem:s6], [sflag:s4] =	dma.local [hbm:s3], $0xF7A  }
0x26: {  	[smem:$0x3F99] =	sst s1;
	(tag) =	ssettag s2;
	_ =	strace s9  }
0x27: {  	s1 =	sld [smem:$0x3FA9]  }
0x28: {  	s2 =	sld [smem:$0x3FAA]  }
0x29: {  	s4 =	sld [smem:$0x3FAC]  }
0x2a: {  	p0 =	seq.s32 s5, $0x0;
	s5 =	sld [smem:$0x3FAD]  }
0x2b: {  	s6 =	sld [smem:$0x3FAE]  }
0x2c: {  	s7 =	sld [smem:$0x3FAF]  }
0x2d: {  	s3 =	simm.s32 $0x108;
	s8 =	sld [smem:$0x3FB0]  }
0x2e: {  	s3 =	simm.s32 @!p0 $0x1082;
	s9 =	sld [smem:$0x3FB1]  }
0x2f: {  	lr =	sadd.s32 s0, s3;
	s0 =	sld [smem:$0x3FA8]  }
0x30: {  	s3 =	sld [smem:$0x3FAB]  }
0x31: {  	[smem:$0x3FB4] =	sst s10  }
0x32: {  	s10 =	sld [smem:$0x3FB2];
	_ =	sdelay $0x3  }
0x33: {  	p0 =	seq.s32 s10, $0x1;
	s10 =	sld [smem:$0x3FB4];
	_ =	sdelay $0x3  }
0x34: {  	[smem:$0x3FB4] =	sst s10  }
0x35: {  	s10 =	sld [smem:$0x3FB3];
	_ =	sdelay $0x3  }
0x36: {  	p1 =	seq.s32 s10, $0x1;
	s10 =	sld [smem:$0x3FB4];
	_ =	sdelay $0x3  }
0x37: {  	[smem:$0x3FB4] =	sst s10  }
0x38: {  	s10 =	sld [smem:$0x3FB5]  }
0x39: {  	_ = 	snop;
	(pc) =	sbr.ind lr, $3  }
0x3a: {  	_ = 	snop  }
0x3b: {  	_ = 	snop  }
0x3c: {  	p2 =	seq.s32 s10, $0x1;
	s10 =	sld [smem:$0x3FB4]  }
0x3d: {  	_ =	shalt  }
0x3e: {  	_ =	shalt  }
0x3f: {  	_ =	shalt  }
0x40: {  	_ =	shalt  }
0x41: {  	_ =	shalt  }
0x42: {  	_ =	shalt  }
0x43: {  	_ =	shalt  }
0x44: {  	_ =	shalt  }
0x45: {  	_ =	shalt  }
0x46: {  	_ =	shalt  }
0x47: {  	_ =	shalt  }
0x48: {  	_ =	shalt  }
0x49: {  	_ =	shalt  }
0x4a: {  	_ =	shalt  }
0x4b: {  	_ =	shalt  }
0x4c: {  	_ =	shalt  }
0x4d: {  	_ =	shalt  }
0x4e: {  	_ =	shalt  }
0x4f: {  	_ =	shalt  }
0x50: {  	_ =	shalt  }
0x51: {  	_ =	shalt  }
0x52: {  	_ =	shalt  }
0x53: {  	_ =	shalt  }
0x54: {  	_ =	shalt  }
0x55: {  	_ =	shalt  }
0x56: {  	_ =	shalt  }
0x57: {  	_ =	shalt  }
0x58: {  	_ =	shalt  }
0x59: {  	_ =	shalt  }
0x5a: {  	_ =	shalt  }
0x5b: {  	_ =	shalt  }
0x5c: {  	_ =	shalt  }
0x5d: {  	_ =	shalt  }
0x5e: {  	_ =	shalt  }
0x5f: {  	_ =	shalt  }
0x60: {  	_ =	shalt  }
0x61: {  	_ =	shalt  }
0x62: {  	_ =	shalt  }
0x63: {  	_ =	shalt  }
0x64: {  	_ =	shalt  }
0x65: {  	_ =	shalt  }
0x66: {  	_ =	shalt  }
0x67: {  	_ =	shalt  }
0x68: {  	_ =	shalt  }
0x69: {  	_ =	shalt  }
0x6a: {  	_ =	shalt  }
0x6b: {  	_ =	shalt  }
0x6c: {  	_ =	shalt  }
0x6d: {  	_ =	shalt  }
0x6e: {  	_ =	shalt  }
0x6f: {  	_ =	shalt  }
0x70: {  	_ =	shalt  }
0x71: {  	_ =	shalt  }
0x72: {  	_ =	shalt  }
0x73: {  	_ =	shalt  }
0x74: {  	_ =	shalt  }
0x75: {  	_ =	shalt  }
0x76: {  	_ =	shalt  }
0x77: {  	_ =	shalt  }
0x78: {  	_ =	shalt  }
0x79: {  	_ =	shalt  }
0x7a: {  	_ =	shalt  }
0x7b: {  	_ =	shalt  }
0x7c: {  	_ =	shalt  }
0x7d: {  	_ =	shalt  }
0x7e: {  	_ =	shalt  }
0x7f: {  	_ =	shalt  }
0x80: {  	_ =	shalt  }
0x81: {  	_ =	shalt  }
0x82: {  	_ =	shalt  }
0x83: {  	_ =	shalt  }
0x84: {  	_ =	shalt  }
0x85: {  	_ =	shalt  }
0x86: {  	_ =	shalt  }
0x87: {  	_ =	shalt  }
.Lfunc_end0:
.L_simem_size_0:
called_computation_lowered:
.L_overlay_start_0:
0x88: {  	s2 =	sld [smem:$0x3FD9]  }
0x89: {  	s3 =	sld [smem:$0x3FFE];
	_ =	sdelay $0x1  }
0x8a: {  	s1 =	srdreg.scid  }
0x8b: {  	s0 =	sand.u32 $0x1, s1  }
0x8c: {  	s17 =	sshll.u32 s0, $0xA;
	s2 =	sadd.s32 s3, s2  }
0x8d: {  	s2 =	sadd.s32 s2, s17  }
0x8e: {  	[smem:$0x3FC0] =	sst s2  }
0x8f: {  	_ = 	snop  }
0x90: {  	s2 =	sld [smem:$0x3FC6]  }
0x91: {  	s18 =	sld [smem:$0x3FD0];
	(tm) =	ssettm $0x1  }
0x92: {  	s4 =	sld [smem:$0x3FFB];
	_ =	sdelay $0x3  }
0x93: {  	_ =	strace s4  }
0x94: {  	s4 =	sld [smem:$0x3FFC];
	_ =	sdelay $0x3  }
0x95: {  	_ =	strace s4  }
0x96: {  	s4 =	sld [smem:$0x3FFD];
	_ =	sdelay $0x3  }
0x97: {  	_ =	strace s4  }
0x98: {  	_ =	strace $0x8FFFFFFF  }
0x99: {  	s19 =	sld [smem:$0x3FDB];
	_ =	sdelay $0x1  }
0x9a: {  	s5 =	simm.s32 $_scs_section_size  }
0x9b: {  	s6 =	simm.s32 $_size__tile_overlayer_lowered;
	s7 =	simm.s32 $_tile_overlayer_lowered  }
0x9c: {  	s22 =	simm.s32 $0x1BFF;
	s21 =	sshll.u32 s7, $0x1;
	s4 =	sadd.s32 s5, s19  }
0x9d: {  	s8 =	simm.s32 $0x0;
	s20 =	sshll.u32 s6, $0x1;
	s6 =	sadd.s32 s21, s4  }
0x9e: {  	[timem:s8], [sflag:s22] =	dma.local [hbm:s6], s20  }
0x9f: {  	_ =	swait.ge [sflag:s22], s20  }
0xa0: {  	s5 =	ssub.s32 $0x0, s20;
	[sflag:s22] =	ssyncset.done $0x0  }
0xa1: {  	[sflag:s22] =	ssyncadd.s32 s5;
	_ =	sdelay $0x1  }
0xa2: {  	s23 =	simm.s32 $0x1B8B  }
0xa3: {  	_ =	swait.ge [sflag:s23], $0x1  }
0xa4: {  	[sflag:s23] =	ssyncset.done $0x0  }
0xa5: {  	s25 =	simm.s32 $0x1B8E;
	s24 =	sld [smem:$0x3FFE];
	[sflag:s23] =	ssyncadd.s32 $0xFFFFFFFF  }
0xa6: {  	s26 =	simm.s32 $execute0_lowered;
	[smem:$0x3FD2] =	sst s25  }
0xa7: {  	s6 =	sshll.u32 s26, $0x1;
	_ =	strace $0x80000046;
	[dreg:$0x1] =	wrdreg $0xFFFFFFFF  }
0xa8: {  	s28 =	simm.s32 $_size_execute0_lowered;
	s4 =	sadd.s32 s4, s6;
	[dreg:$0x0] =	wrdreg $0x0  }
0xa9: {  	s6 =	sshll.u32 s28, $0x1;
	[dreg:$0x2] =	wrdreg s4  }
0xaa: {  	[dreg:$0x3] =	wrdreg s6  }
0xab: {  	[dreg:$0x4] =	wrdreg $0xC0  }
0xac: {  	_ =	task [dreg:s8], $0x5FFFF  }
0xad: {  	[dreg:$0x1] =	wrdreg $0xFFFFFFFF  }
0xae: {  	[dreg:$0x0] =	wrdreg $0x60  }
0xaf: {  	[dreg:$0x2] =	wrdreg s2  }
0xb0: {  	[dreg:$0x3] =	wrdreg s18  }
0xb1: {  	[dreg:$0x4] =	wrdreg s24  }
0xb2: {  	[dreg:$0x5] =	wrdreg $0x9  }
0xb3: {  	_ =	task.clear_ibuf [dreg:s8], $0x6FFFF;
	_ =	strace $0x90000046  }
0xb4: {  	s29 =	simm.s32 $0x9;
	_ =	strace $0x80000048  }
0xb5: {  	_ =	swait.ge [sflag:s29], $0x1  }
0xb6: {  	[sflag:s29] =	ssyncadd.s32 $0xFFFFFFFF  }
0xb7: {  	_ =	strace $0x90000048  }
0xb8: {  	_ =	sfence  }
0xb9: {  	s30 =	sld [smem:$0x0];
	_ =	sdelay $0x2  }
0xba: {  	s31 =	sshll.u32 s1, $0xD;
	s1 =	sshrl.u32 s1, $0x2  }
0xbb: {  	s3 =	sand.u32 $0x4000, s31;
	s1 =	sadd.s32 s1, s30  }
0xbc: {  	s0 =	sor.u32 s3, s0;
	s1 =	sshll.u32 s1, $0x11  }
0xbd: {  	s0 =	sor.u32 s1, s0  }
0xbe: {  	s0 =	sadd.s32 $0x8F2B, s0  }
0xbf: {  	[sflag:s0] =	ssyncadd.remote.s32 $0x1  }
0xc0: {  	_ =	sfence.sel $0xFFFF  }
0xc1: {  	[dreg:$0x0] =	wrdreg $0xFFFFFFFF;
	(pc) =	sbr.abs _section_cstart, $3  }
0xc2: {  	[dreg:$0x1] =	wrdreg $0xFFFFFFFF  }
0xc3: {  	_ =	task.clear_ibuf [dreg:s8], $0x2FFFF;
	_ =	strace $0x9FFFFFFF  }
0xc4: {  	(tm) =	ssettm $0x7FFFFFFF  }
0xc5: {  	_ =	shalt  }
tec
execute0_lowered:
.L_overlay_start_1:
0x0: {  	(tag) =	ssettag $0x1  }
0x1: {  	s1 =	rddreg [dreg:$0x0]  }
0x2: {  	s0 =	rddreg [dreg:$0x2];
	s2 =	srdreg.scid  }
0x3: {  	s3 =	stileid.u32;
	s4 =	simm.s32 $0x0;
	s9 =	simm.s32 $0x2  }
0x4: {  	s10 =	simm.s32 $0x80;
	s18 =	simm.s32 $0x3900;
	s19 =	simm.s32 $0x4100  }
0x5: {  	s20 =	simm.s32 $0x4900;
	s21 =	simm.s32 $0x5100;
	s22 =	simm.s32 $0x5900  }
0x6: {  	s23 =	simm.s32 $0x1;
	s2 =	sand.u32 $0x1, s2;
	s3 =	sshll.u32 s3, $0x1  }
0x7: {  	s24 =	simm.s32 $0x6100;
	s3 =	sor.u32 s2, s3;
	s2 =	ssub.s32 $0x2, s2  }
0x8: {  	[smem:$0x7FF] =	sst s4;
	s5 =	sadd.s32 $0xE00, s0;
	s30 =	sshrl.u32 s2, $0x1  }
0x9: {  	v2 =	vlaneseq.u32;
	_ =	strace $0x80000047;
	s29 =	sshll.u32 s3, $0x10;
	s2 =	ssub.s32 s2, s30  }
0xa: {  	vm0 =	vmmov $0xffff;
	v1 =	vshrl.u32 v2, $0x3;
	s6 =	sshll.u32 s3, $0xA;
	s0 =	sadd.s32 s29, s0;
	s31 =	smax.u32 s2, $0x1  }
0xb: {  	v0 =	vand.u32 $0x7, v2;
	v2 =	vor.u32 $0x8, v2;
	v1 =	vmul.u32 $0x8, v1;
	s7 =	sadd.s32 $0x8E00, s0;
	s2 =	simm.s32 $0x0;
	[dreg:$0x4] =	wrdreg s31  }
.LBB2_1:
0xc: {  	[dreg:$0x5] =	wrdreg s2;
	s26 =	simm.s32 $0x0  }
.LBB2_2:
0xd: {  	s0 =	sshll.u32 s26, $0x4  }
0xe: {  	s2 =	rddreg [dreg:$0x1];
	s0 =	sadd.s32 s6, s0  }
0xf: {  	s28 =	simm.s32 $0x0;
	s2 =	sadd.s32 s2, s0  }
0x10: {  	[tilespmem:s28], [sflag:$0x2] =	stream.linear.gather [hbm4b:s2+s28], $0x80, $0x38;
	[tilespmem:$0x8100] =	vst v63  }
0x11: {  	_ =	swait.ge [sflag:s9], $0x80  }
0x12: {  	[sflag:s9] =	ssyncset.done $0x0  }
0x13: {  	s0 =	sadd.s32 s5, s0;
	[sflag:s9] =	ssyncadd.s32 $0xFFFFFF80  }
0x14: {  	[tilespmem:s10], [sflag:$0x2] =	stream.linear.gather [hbm4b:s0+s28], $0x80, $0x38;
	[tilespmem:$0x8100] =	vst v63  }
0x15: {  	_ =	swait.ge [sflag:s9], $0x80  }
0x16: {  	[sflag:s9] =	ssyncset.done $0x0  }
0x17: {  	[sflag:s9] =	ssyncadd.s32 $0xFFFFFF80  }
0x18: {  	v3 =	vld [tilespmem:$0x0];
	_ =	sdelay $0x4  }
0x19: {  	v4 =	vshll.u32 v3, $0x1  }
0x1a: {  	v3 =	vand.u32 $0x7, v3;
	v4 =	vand.u32 $0xFFFFFFF0, v4  }
0x1b: {  	v3 =	vor.u32 v3, v4  }
0x1c: {  	v4 =	vperm.xlane v3, v0;
	_ =	sdelay $0x1  }
0x1d: {  	v3 =	vperm.xlane v3, v2;
	v4 =	vadd.s32 v1, v4;
	_ =	sdelay $0x1  }
0x1e: {  	v3 =	vadd.s32 v1, v3;
	_ =	sdelay $0x1  }
0x1f: {  	s12 =	simm.s32 $0x100  }
0x20: {  	[tilespmem:s12], [sflag:$0x1] =	stream.indirect_vreg.gather [hbm4b:s1+s28], $0x80, v4, vm0, $0xb8;
	[tilespmem:$0x8100] =	vst v63  }
0x21: {  	s13 =	simm.s32 $0x900  }
0x22: {  	[tilespmem:s13], [sflag:$0x1] =	stream.indirect_vreg.gather [hbm4b:s1+s28], $0x80, v3, vm0, $0xb8;
	[tilespmem:$0x8100] =	vst v63  }
0x23: {  	v3 =	vld [tilespmem:$0x10];
	_ =	sdelay $0x4  }
0x24: {  	v59 =	vshll.u32 v3, $0x1  }
0x25: {  	v3 =	vand.u32 $0x7, v3;
	v4 =	vand.u32 $0xFFFFFFF0, v59  }
0x26: {  	v3 =	vor.u32 v3, v4  }
0x27: {  	v4 =	vperm.xlane v3, v0;
	_ =	sdelay $0x1  }
0x28: {  	v3 =	vperm.xlane v3, v2;
	v4 =	vadd.s32 v1, v4;
	_ =	sdelay $0x1  }
0x29: {  	v3 =	vadd.s32 v1, v3;
	_ =	sdelay $0x1  }
0x2a: {  	s14 =	simm.s32 $0x1100  }
0x2b: {  	[tilespmem:s14], [sflag:$0x1] =	stream.indirect_vreg.gather [hbm4b:s1+s28], $0x80, v4, vm0, $0xb8;
	[tilespmem:$0x8100] =	vst v63  }
0x2c: {  	s15 =	simm.s32 $0x1900  }
0x2d: {  	[tilespmem:s15], [sflag:$0x1] =	stream.indirect_vreg.gather [hbm4b:s1+s28], $0x80, v3, vm0, $0xb8;
	[tilespmem:$0x8100] =	vst v63  }
0x2e: {  	v3 =	vld [tilespmem:$0x20];
	_ =	sdelay $0x4  }
0x2f: {  	v60 =	vshll.u32 v3, $0x1  }
0x30: {  	v3 =	vand.u32 $0x7, v3;
	v4 =	vand.u32 $0xFFFFFFF0, v60  }
0x31: {  	v3 =	vor.u32 v3, v4  }
0x32: {  	v4 =	vperm.xlane v3, v0;
	_ =	sdelay $0x1  }
0x33: {  	v3 =	vperm.xlane v3, v2;
	v4 =	vadd.s32 v1, v4;
	_ =	sdelay $0x1  }
0x34: {  	v3 =	vadd.s32 v1, v3;
	_ =	sdelay $0x1  }
0x35: {  	s16 =	simm.s32 $0x2100  }
0x36: {  	[tilespmem:s16], [sflag:$0x1] =	stream.indirect_vreg.gather [hbm4b:s1+s28], $0x80, v4, vm0, $0xb8;
	[tilespmem:$0x8100] =	vst v63  }
0x37: {  	s17 =	simm.s32 $0x2900  }
0x38: {  	[tilespmem:s17], [sflag:$0x1] =	stream.indirect_vreg.gather [hbm4b:s1+s28], $0x80, v3, vm0, $0xb8;
	[tilespmem:$0x8100] =	vst v63  }
0x39: {  	v3 =	vld [tilespmem:$0x30];
	_ =	sdelay $0x4  }
0x3a: {  	v61 =	vshll.u32 v3, $0x1  }
0x3b: {  	v3 =	vand.u32 $0x7, v3;
	v4 =	vand.u32 $0xFFFFFFF0, v61  }
0x3c: {  	v3 =	vor.u32 v3, v4  }
0x3d: {  	v4 =	vperm.xlane v3, v0;
	_ =	sdelay $0x1  }
0x3e: {  	v3 =	vperm.xlane v3, v2;
	v4 =	vadd.s32 v1, v4;
	_ =	sdelay $0x1  }
0x3f: {  	v3 =	vadd.s32 v1, v3;
	_ =	sdelay $0x1  }
0x40: {  	s25 =	simm.s32 $0x3100  }
0x41: {  	[tilespmem:s25], [sflag:$0x1] =	stream.indirect_vreg.gather [hbm4b:s1+s28], $0x80, v4, vm0, $0xb8;
	[tilespmem:$0x8100] =	vst v63  }
0x42: {  	_ = 	snop  }
0x43: {  	[tilespmem:s18], [sflag:$0x1] =	stream.indirect_vreg.gather [hbm4b:s1+s28], $0x80, v3, vm0, $0xb8;
	[tilespmem:$0x8100] =	vst v63  }
0x44: {  	v3 =	vld [tilespmem:$0x40];
	_ =	sdelay $0x4  }
0x45: {  	v62 =	vshll.u32 v3, $0x1  }
0x46: {  	v3 =	vand.u32 $0x7, v3;
	v4 =	vand.u32 $0xFFFFFFF0, v62  }
0x47: {  	v3 =	vor.u32 v3, v4  }
0x48: {  	v4 =	vperm.xlane v3, v0;
	_ =	sdelay $0x1  }
0x49: {  	v3 =	vperm.xlane v3, v2;
	v4 =	vadd.s32 v1, v4;
	_ =	sdelay $0x1  }
0x4a: {  	v3 =	vadd.s32 v1, v3;
	_ =	sdelay $0x2  }
0x4b: {  	[tilespmem:s19], [sflag:$0x1] =	stream.indirect_vreg.gather [hbm4b:s1+s28], $0x80, v4, vm0, $0xb8;
	[tilespmem:$0x8100] =	vst v63  }
0x4c: {  	_ = 	snop  }
0x4d: {  	[tilespmem:s20], [sflag:$0x1] =	stream.indirect_vreg.gather [hbm4b:s1+s28], $0x80, v3, vm0, $0xb8;
	[tilespmem:$0x8100] =	vst v63  }
0x4e: {  	v3 =	vld [tilespmem:$0x50];
	_ =	sdelay $0x4  }
0x4f: {  	v63 =	vshll.u32 v3, $0x1  }
0x50: {  	v3 =	vand.u32 $0x7, v3;
	v4 =	vand.u32 $0xFFFFFFF0, v63  }
0x51: {  	v3 =	vor.u32 v3, v4  }
0x52: {  	v4 =	vperm.xlane v3, v0;
	_ =	sdelay $0x1  }
0x53: {  	v3 =	vperm.xlane v3, v2;
	v4 =	vadd.s32 v1, v4;
	_ =	sdelay $0x1  }
0x54: {  	v3 =	vadd.s32 v1, v3;
	_ =	sdelay $0x2  }
0x55: {  	[tilespmem:s21], [sflag:$0x1] =	stream.indirect_vreg.gather [hbm4b:s1+s28], $0x80, v4, vm0, $0xb8;
	[tilespmem:$0x8100] =	vst v63  }
0x56: {  	s29 =	simm.s32 $0xFFFFFFFC;
	s30 =	simm.s32 $0x180  }
0x57: {  	[tilespmem:s22], [sflag:$0x1] =	stream.indirect_vreg.gather [hbm4b:s1+s28], $0x80, v3, vm0, $0xb8;
	[tilespmem:$0x8100] =	vst v63  }
0x58: {  	s31 =	simm.s32 $0x580;
	p0 =	por $0x0, $0x0;
	_ =	swait.ge [sflag:s23], $0x6000  }
0x59: {  	s8 =	simm.s32 $0x0;
	s2 =	simm.s32 $0x0;
	[sflag:s23] =	ssyncset.done $0x0  }
0x5a: {  	s0 =	simm.s32 $0xB;
	s25 =	simm.s32 $0x0;
	[sflag:s23] =	ssyncadd.s32 $0xFFFFA000  }
.LBB2_3:
0x5b: {  	s3 =	sadd.s32 $0xFFFFFFF5, s0  }
0x5c: {  	s12 =	sadd.s32 $0xFFFFFFF6, s0;
	v3 =	vmov s3  }
0x5d: {  	v4 =	vmov s12;
	v3 =	vand.u32 $0xFFFFFFFC, v3  }
0x5e: {  	s13 =	sadd.s32 $0xFFFFFFF7, s0;
	v4 =	vand.u32 $0xFFFFFFFD, v4;
	v3 =	vbroadcast v3, $0x0  }
0x5f: {  	s14 =	sand.u32 $0x7800, s25;
	s4 =	sadd.s32 $0xFFFFFA80, s31;
	v5 =	vmov s13;
	v4 =	vbroadcast v4, $0x0  }
0x60: {  	s11 =	sadd.s32 $0xFFFFFB00, s31;
	s4 =	sand.u32 $0x200, s4;
	s12 =	sor.u32 $0x100, s14;
	v5 =	vand.u32 $0xFFFFFFFE, v5  }
0x61: {  	s15 =	sand.u32 $0x280, s11;
	s3 =	sor.u32 s4, s12;
	v5 =	vbroadcast v5, $0x0  }
0x62: {  	s11 =	sor.u32 s15, s12;
	v6 =	vld [tilespmem:s3+$0x0]  }
0x63: {  	s16 =	sadd.s32 $0xFFFFFB80, s31;
	v7 =	vld [tilespmem:s11+$0x0]  }
0x64: {  	s4 =	sand.u32 $0x300, s16;
	v3 =	vld.idx.msk [tilespmem:v3+s10+$0x0], $0xffff  }
0x65: {  	s12 =	sadd.s32 s4, s12;
	v4 =	vld.idx.msk [tilespmem:v4+s10+$0x0], $0xffff  }
0x66: {  	v8 =	vld [tilespmem:s12+$0x0]  }
0x67: {  	v5 =	vld.idx.msk [tilespmem:v5+s10+$0x0], $0xffff;
	_ =	sdelay $0x2  }
0x68: {  	v6 =	vmul.f32 v6, v3;
	v7 =	vmul.f32 v7, v4;
	_ =	sdelay $0x1  }
0x69: {  	v19 =	vmul.f32 v8, v5;
	v6 =	vadd.f32 v7, v6  }
0x6a: {  	s17 =	sand.u32 $0x1800, s2;
	s13 =	sadd.s32 $0xFFFFFE80, s30  }
0x6b: {  	s13 =	sand.u32 $0x200, s13;
	s4 =	sor.u32 $0x6100, s17;
	v6 =	vadd.f32 v19, v6  }
0x6c: {  	s13 =	sor.u32 s13, s4  }
0x6d: {  	[tilespmem:s13+$0x0] =	vst v6  }
0x6e: {  	v6 =	vld [tilespmem:s3+$0x10]  }
0x6f: {  	v20 =	vld [tilespmem:s11+$0x10];
	_ =	sdelay $0x1  }
0x70: {  	v21 =	vld [tilespmem:s12+$0x10];
	_ =	sdelay $0x2  }
0x71: {  	v6 =	vmul.f32 v6, v3;
	v7 =	vmul.f32 v20, v4;
	_ =	sdelay $0x1  }
0x72: {  	v22 =	vmul.f32 v21, v5;
	v6 =	vadd.f32 v7, v6;
	_ =	sdelay $0x1  }
0x73: {  	v6 =	vadd.f32 v22, v6;
	_ =	sdelay $0x1  }
0x74: {  	[tilespmem:s13+$0x10] =	vst v6  }
0x75: {  	v6 =	vld [tilespmem:s3+$0x20]  }
0x76: {  	v23 =	vld [tilespmem:s11+$0x20];
	_ =	sdelay $0x1  }
0x77: {  	v24 =	vld [tilespmem:s12+$0x20];
	_ =	sdelay $0x2  }
0x78: {  	v6 =	vmul.f32 v6, v3;
	v7 =	vmul.f32 v23, v4;
	_ =	sdelay $0x1  }
0x79: {  	v25 =	vmul.f32 v24, v5;
	v6 =	vadd.f32 v7, v6;
	_ =	sdelay $0x1  }
0x7a: {  	v6 =	vadd.f32 v25, v6;
	_ =	sdelay $0x1  }
0x7b: {  	[tilespmem:s13+$0x20] =	vst v6  }
0x7c: {  	v6 =	vld [tilespmem:s3+$0x30]  }
0x7d: {  	v26 =	vld [tilespmem:s11+$0x30];
	_ =	sdelay $0x1  }
0x7e: {  	v27 =	vld [tilespmem:s12+$0x30];
	_ =	sdelay $0x2  }
0x7f: {  	v6 =	vmul.f32 v6, v3;
	v7 =	vmul.f32 v26, v4;
	_ =	sdelay $0x1  }
0x80: {  	v28 =	vmul.f32 v27, v5;
	v6 =	vadd.f32 v7, v6;
	_ =	sdelay $0x1  }
0x81: {  	v6 =	vadd.f32 v28, v6;
	_ =	sdelay $0x1  }
0x82: {  	[tilespmem:s13+$0x30] =	vst v6  }
0x83: {  	v6 =	vld [tilespmem:s3+$0x40]  }
0x84: {  	v29 =	vld [tilespmem:s11+$0x40];
	_ =	sdelay $0x1  }
0x85: {  	v30 =	vld [tilespmem:s12+$0x40];
	_ =	sdelay $0x2  }
0x86: {  	v6 =	vmul.f32 v6, v3;
	v7 =	vmul.f32 v29, v4;
	_ =	sdelay $0x1  }
0x87: {  	v31 =	vmul.f32 v30, v5;
	v6 =	vadd.f32 v7, v6;
	_ =	sdelay $0x1  }
0x88: {  	v6 =	vadd.f32 v31, v6;
	_ =	sdelay $0x1  }
0x89: {  	[tilespmem:s13+$0x40] =	vst v6  }
0x8a: {  	v6 =	vld [tilespmem:s3+$0x50]  }
0x8b: {  	v32 =	vld [tilespmem:s11+$0x50];
	_ =	sdelay $0x1  }
0x8c: {  	v33 =	vld [tilespmem:s12+$0x50];
	_ =	sdelay $0x2  }
0x8d: {  	v6 =	vmul.f32 v6, v3;
	v7 =	vmul.f32 v32, v4;
	_ =	sdelay $0x1  }
0x8e: {  	v34 =	vmul.f32 v33, v5;
	v6 =	vadd.f32 v7, v6;
	_ =	sdelay $0x1  }
0x8f: {  	v6 =	vadd.f32 v34, v6;
	_ =	sdelay $0x1  }
0x90: {  	[tilespmem:s13+$0x50] =	vst v6  }
0x91: {  	v6 =	vld [tilespmem:s3+$0x60]  }
0x92: {  	v35 =	vld [tilespmem:s11+$0x60];
	_ =	sdelay $0x1  }
0x93: {  	v36 =	vld [tilespmem:s12+$0x60];
	_ =	sdelay $0x2  }
0x94: {  	v6 =	vmul.f32 v6, v3;
	v7 =	vmul.f32 v35, v4;
	_ =	sdelay $0x1  }
0x95: {  	v37 =	vmul.f32 v36, v5;
	v6 =	vadd.f32 v7, v6;
	_ =	sdelay $0x1  }
0x96: {  	v6 =	vadd.f32 v37, v6;
	_ =	sdelay $0x1  }
0x97: {  	[tilespmem:s13+$0x60] =	vst v6  }
0x98: {  	v6 =	vld [tilespmem:s3+$0x70]  }
0x99: {  	v38 =	vld [tilespmem:s11+$0x70];
	_ =	sdelay $0x1  }
0x9a: {  	v39 =	vld [tilespmem:s12+$0x70];
	_ =	sdelay $0x2  }
0x9b: {  	v6 =	vmul.f32 v6, v3;
	v7 =	vmul.f32 v38, v4;
	_ =	sdelay $0x1  }
0x9c: {  	s11 =	simm.s32 $0x1;
	v40 =	vmul.f32 v39, v5;
	v6 =	vadd.f32 v7, v6  }
0x9d: {  	s14 =	sshll.u32 s8, $0x7;
	s11 =	simm.s32 @!p0 $0x0  }
0x9e: {  	s3 =	sand.u32 $0x380, s14;
	s17 =	sshll.u32 s11, $0x9;
	v6 =	vadd.f32 v40, v6  }
0x9f: {  	s15 =	sand.u32 $0x3, s28;
	s12 =	sadd.s32 $0x80, s3;
	s14 =	sadd.s32 s17, s25  }
0xa0: {  	s11 =	sshll.u32 s15, $0x8;
	s15 =	sadd.s32 s12, s25;
	s16 =	sor.u32 $0x400, s14;
	[tilespmem:s13+$0x70] =	vst v6  }
0xa1: {  	s11 =	sadd.s32 $0x100, s11;
	v6 =	vld [tilespmem:s16+$0x100];
	s16 =	sor.u32 $0x400, s15  }
0xa2: {  	v41 =	vld [tilespmem:s16+$0x100];
	s16 =	sadd.s32 s11, s25  }
0xa3: {  	s13 =	sor.u32 $0x400, s16  }
0xa4: {  	v42 =	vld [tilespmem:s13+$0x100];
	_ =	sdelay $0x2  }
0xa5: {  	v6 =	vmul.f32 v6, v3;
	v7 =	vmul.f32 v41, v4;
	_ =	sdelay $0x1  }
0xa6: {  	v6 =	vadd.f32 v7, v6;
	v43 =	vmul.f32 v42, v5;
	_ =	sdelay $0x1  }
0xa7: {  	s13 =	sadd.s32 s17, s2;
	v6 =	vadd.f32 v43, v6  }
0xa8: {  	s17 =	sor.u32 $0x400, s13  }
0xa9: {  	[tilespmem:s17+$0x6100] =	vst v6;
	s17 =	sor.u32 $0x410, s14  }
0xaa: {  	v6 =	vld [tilespmem:s17+$0x100];
	s17 =	sor.u32 $0x410, s15  }
0xab: {  	v44 =	vld [tilespmem:s17+$0x100]  }
0xac: {  	s17 =	sor.u32 $0x410, s16  }
0xad: {  	v45 =	vld [tilespmem:s17+$0x100];
	_ =	sdelay $0x2  }
0xae: {  	v6 =	vmul.f32 v6, v3;
	v7 =	vmul.f32 v44, v4;
	_ =	sdelay $0x1  }
0xaf: {  	v46 =	vmul.f32 v45, v5;
	v6 =	vadd.f32 v7, v6;
	_ =	sdelay $0x1  }
0xb0: {  	v6 =	vadd.f32 v46, v6  }
0xb1: {  	s17 =	sor.u32 $0x410, s13  }
0xb2: {  	[tilespmem:s17+$0x6100] =	vst v6;
	s17 =	sor.u32 $0x420, s14  }
0xb3: {  	v6 =	vld [tilespmem:s17+$0x100];
	s17 =	sor.u32 $0x420, s15  }
0xb4: {  	v47 =	vld [tilespmem:s17+$0x100]  }
0xb5: {  	s17 =	sor.u32 $0x420, s16  }
0xb6: {  	v48 =	vld [tilespmem:s17+$0x100];
	_ =	sdelay $0x2  }
0xb7: {  	v6 =	vmul.f32 v6, v3;
	v7 =	vmul.f32 v47, v4;
	_ =	sdelay $0x1  }
0xb8: {  	v49 =	vmul.f32 v48, v5;
	v6 =	vadd.f32 v7, v6;
	_ =	sdelay $0x1  }
0xb9: {  	v6 =	vadd.f32 v49, v6  }
0xba: {  	s17 =	sor.u32 $0x420, s13  }
0xbb: {  	[tilespmem:s17+$0x6100] =	vst v6;
	s17 =	sor.u32 $0x430, s14  }
0xbc: {  	v6 =	vld [tilespmem:s17+$0x100];
	s17 =	sor.u32 $0x430, s15  }
0xbd: {  	v50 =	vld [tilespmem:s17+$0x100]  }
0xbe: {  	s17 =	sor.u32 $0x430, s16  }
0xbf: {  	v51 =	vld [tilespmem:s17+$0x100];
	_ =	sdelay $0x2  }
0xc0: {  	v6 =	vmul.f32 v6, v3;
	v7 =	vmul.f32 v50, v4;
	_ =	sdelay $0x1  }
0xc1: {  	v52 =	vmul.f32 v51, v5;
	v6 =	vadd.f32 v7, v6;
	_ =	sdelay $0x1  }
0xc2: {  	v6 =	vadd.f32 v52, v6  }
0xc3: {  	s17 =	sor.u32 $0x430, s13  }
0xc4: {  	[tilespmem:s17+$0x6100] =	vst v6;
	s17 =	sor.u32 $0x440, s14  }
0xc5: {  	v6 =	vld [tilespmem:s17+$0x100];
	s17 =	sor.u32 $0x440, s15  }
0xc6: {  	v53 =	vld [tilespmem:s17+$0x100]  }
0xc7: {  	s17 =	sor.u32 $0x440, s16  }
0xc8: {  	v54 =	vld [tilespmem:s17+$0x100];
	_ =	sdelay $0x2  }
0xc9: {  	v6 =	vmul.f32 v6, v3;
	v7 =	vmul.f32 v53, v4;
	_ =	sdelay $0x1  }
0xca: {  	v55 =	vmul.f32 v54, v5;
	v6 =	vadd.f32 v7, v6;
	_ =	sdelay $0x1  }
0xcb: {  	v6 =	vadd.f32 v55, v6  }
0xcc: {  	s17 =	sor.u32 $0x440, s13  }
0xcd: {  	[tilespmem:s17+$0x6100] =	vst v6;
	s17 =	sor.u32 $0x450, s14  }
0xce: {  	v6 =	vld [tilespmem:s17+$0x100];
	s17 =	sor.u32 $0x450, s15  }
0xcf: {  	v56 =	vld [tilespmem:s17+$0x100]  }
0xd0: {  	s17 =	sor.u32 $0x450, s16  }
0xd1: {  	v57 =	vld [tilespmem:s17+$0x100];
	_ =	sdelay $0x2  }
0xd2: {  	v6 =	vmul.f32 v6, v3;
	v7 =	vmul.f32 v56, v4;
	_ =	sdelay $0x1  }
0xd3: {  	v58 =	vmul.f32 v57, v5;
	v6 =	vadd.f32 v7, v6;
	_ =	sdelay $0x1  }
0xd4: {  	v6 =	vadd.f32 v58, v6  }
0xd5: {  	s17 =	sor.u32 $0x450, s13  }
0xd6: {  	[tilespmem:s17+$0x6100] =	vst v6;
	s17 =	sor.u32 $0x460, s14  }
0xd7: {  	v6 =	vld [tilespmem:s17+$0x100];
	s17 =	sor.u32 $0x460, s15  }
0xd8: {  	v59 =	vld [tilespmem:s17+$0x100]  }
0xd9: {  	s17 =	sor.u32 $0x460, s16  }
0xda: {  	v60 =	vld [tilespmem:s17+$0x100];
	_ =	sdelay $0x2  }
0xdb: {  	v6 =	vmul.f32 v6, v3;
	v7 =	vmul.f32 v59, v4;
	_ =	sdelay $0x1  }
0xdc: {  	v61 =	vmul.f32 v60, v5;
	v6 =	vadd.f32 v7, v6;
	_ =	sdelay $0x1  }
0xdd: {  	v6 =	vadd.f32 v61, v6  }
0xde: {  	s17 =	sor.u32 $0x460, s13  }
0xdf: {  	s14 =	sor.u32 $0x470, s14;
	[tilespmem:s17+$0x6100] =	vst v6  }
0xe0: {  	s15 =	sor.u32 $0x470, s15;
	v6 =	vld [tilespmem:s14+$0x100]  }
0xe1: {  	v62 =	vld [tilespmem:s15+$0x100]  }
0xe2: {  	s16 =	sor.u32 $0x470, s16  }
0xe3: {  	v63 =	vld [tilespmem:s16+$0x100];
	_ =	sdelay $0x1  }
0xe4: {  	s17 =	sadd.s32 $0xFFFFFFF9, s0  }
0xe5: {  	v11 =	vmov s17;
	s15 =	sadd.s32 $0xFFFFFFF8, s0;
	v3 =	vmul.f32 v6, v3;
	v4 =	vmul.f32 v62, v4  }
0xe6: {  	v12 =	vand.u32 $0xFFFFFFFC, v11;
	v13 =	vmov s15  }
0xe7: {  	s16 =	sadd.s32 $0xFFFFFFFA, s0;
	v5 =	vmul.f32 v63, v5;
	v3 =	vadd.f32 v4, v3;
	v4 =	vbroadcast v12, $0x0  }
0xe8: {  	v14 =	vmov s16  }
0xe9: {  	v15 =	vand.u32 $0xFFFFFFFD, v14;
	v3 =	vadd.f32 v5, v3  }
0xea: {  	s13 =	sor.u32 $0x470, s13;
	v5 =	vbroadcast v15, $0x0  }
0xeb: {  	s17 =	sadd.s32 $0x300, s25;
	s15 =	sadd.s32 $0xFFFFFC00, s31;
	s16 =	sadd.s32 $0x400, s25;
	[tilespmem:s13+$0x6100] =	vst v3  }
0xec: {  	s14 =	sand.u32 $0x380, s15;
	s13 =	sand.u32 $0x7800, s17;
	s17 =	sadd.s32 $0xFFFFFC80, s31;
	v3 =	vld.idx.msk [tilespmem:v13+s10+$0x0], $0xffff  }
0xed: {  	s15 =	sand.u32 $0xF800, s16;
	s13 =	sor.u32 s14, s13;
	s17 =	sand.u32 $0x200, s17;
	v4 =	vld.idx.msk [tilespmem:v4+s10+$0x0], $0xffff  }
0xee: {  	s16 =	sadd.s32 $0x500, s25;
	v16 =	vld [tilespmem:s13+$0x100];
	s14 =	sor.u32 s17, s15;
	s17 =	sadd.s32 $0xFFFFFD00, s31  }
0xef: {  	s15 =	sand.u32 $0xF800, s16;
	v17 =	vld [tilespmem:s14+$0x100];
	s16 =	sand.u32 $0x280, s17  }
0xf0: {  	v5 =	vld.idx.msk [tilespmem:v5+s10+$0x0], $0xffff;
	s15 =	sor.u32 s16, s15  }
0xf1: {  	v18 =	vld [tilespmem:s15+$0x100];
	_ =	sdelay $0x2  }
0xf2: {  	v6 =	vmul.f32 v16, v3;
	v7 =	vmul.f32 v17, v4;
	_ =	sdelay $0x1  }
0xf3: {  	v6 =	vadd.f32 v7, v6;
	v19 =	vmul.f32 v18, v5  }
0xf4: {  	s17 =	sadd.s32 $0xFFFFFF00, s30  }
0xf5: {  	s16 =	sand.u32 $0x280, s17;
	v6 =	vadd.f32 v19, v6  }
0xf6: {  	s16 =	sor.u32 s16, s4  }
0xf7: {  	[tilespmem:s16+$0x0] =	vst v6  }
0xf8: {  	v6 =	vld [tilespmem:s13+$0x110]  }
0xf9: {  	v20 =	vld [tilespmem:s14+$0x110];
	_ =	sdelay $0x1  }
0xfa: {  	v21 =	vld [tilespmem:s15+$0x110];
	_ =	sdelay $0x2  }
0xfb: {  	v6 =	vmul.f32 v6, v3;
	v7 =	vmul.f32 v20, v4;
	_ =	sdelay $0x1  }
0xfc: {  	v22 =	vmul.f32 v21, v5;
	v6 =	vadd.f32 v7, v6;
	_ =	sdelay $0x1  }
0xfd: {  	v6 =	vadd.f32 v22, v6;
	_ =	sdelay $0x1  }
0xfe: {  	[tilespmem:s16+$0x10] =	vst v6  }
0xff: {  	v6 =	vld [tilespmem:s13+$0x120]  }
0x100: {  	v23 =	vld [tilespmem:s14+$0x120];
	_ =	sdelay $0x1  }
0x101: {  	v24 =	vld [tilespmem:s15+$0x120];
	_ =	sdelay $0x2  }
0x102: {  	v6 =	vmul.f32 v6, v3;
	v7 =	vmul.f32 v23, v4;
	_ =	sdelay $0x1  }
0x103: {  	v25 =	vmul.f32 v24, v5;
	v6 =	vadd.f32 v7, v6;
	_ =	sdelay $0x1  }
0x104: {  	v6 =	vadd.f32 v25, v6;
	_ =	sdelay $0x1  }
0x105: {  	[tilespmem:s16+$0x20] =	vst v6  }
0x106: {  	v6 =	vld [tilespmem:s13+$0x130]  }
0x107: {  	v26 =	vld [tilespmem:s14+$0x130];
	_ =	sdelay $0x1  }
0x108: {  	v27 =	vld [tilespmem:s15+$0x130];
	_ =	sdelay $0x2  }
0x109: {  	v6 =	vmul.f32 v6, v3;
	v7 =	vmul.f32 v26, v4;
	_ =	sdelay $0x1  }
0x10a: {  	v28 =	vmul.f32 v27, v5;
	v6 =	vadd.f32 v7, v6;
	_ =	sdelay $0x1  }
0x10b: {  	v6 =	vadd.f32 v28, v6;
	_ =	sdelay $0x1  }
0x10c: {  	[tilespmem:s16+$0x30] =	vst v6  }
0x10d: {  	v6 =	vld [tilespmem:s13+$0x140]  }
0x10e: {  	v29 =	vld [tilespmem:s14+$0x140];
	_ =	sdelay $0x1  }
0x10f: {  	v30 =	vld [tilespmem:s15+$0x140];
	_ =	sdelay $0x2  }
0x110: {  	v6 =	vmul.f32 v6, v3;
	v7 =	vmul.f32 v29, v4;
	_ =	sdelay $0x1  }
0x111: {  	v31 =	vmul.f32 v30, v5;
	v6 =	vadd.f32 v7, v6;
	_ =	sdelay $0x1  }
0x112: {  	v6 =	vadd.f32 v31, v6;
	_ =	sdelay $0x1  }
0x113: {  	[tilespmem:s16+$0x40] =	vst v6  }
0x114: {  	v6 =	vld [tilespmem:s13+$0x150]  }
0x115: {  	v32 =	vld [tilespmem:s14+$0x150];
	_ =	sdelay $0x1  }
0x116: {  	v33 =	vld [tilespmem:s15+$0x150];
	_ =	sdelay $0x2  }
0x117: {  	v6 =	vmul.f32 v6, v3;
	v7 =	vmul.f32 v32, v4;
	_ =	sdelay $0x1  }
0x118: {  	v34 =	vmul.f32 v33, v5;
	v6 =	vadd.f32 v7, v6;
	_ =	sdelay $0x1  }
0x119: {  	v6 =	vadd.f32 v34, v6;
	_ =	sdelay $0x1  }
0x11a: {  	[tilespmem:s16+$0x50] =	vst v6  }
0x11b: {  	v6 =	vld [tilespmem:s13+$0x160]  }
0x11c: {  	v35 =	vld [tilespmem:s14+$0x160];
	_ =	sdelay $0x1  }
0x11d: {  	v36 =	vld [tilespmem:s15+$0x160];
	_ =	sdelay $0x2  }
0x11e: {  	v6 =	vmul.f32 v6, v3;
	v7 =	vmul.f32 v35, v4;
	_ =	sdelay $0x1  }
0x11f: {  	v37 =	vmul.f32 v36, v5;
	v6 =	vadd.f32 v7, v6;
	_ =	sdelay $0x1  }
0x120: {  	v6 =	vadd.f32 v37, v6;
	_ =	sdelay $0x1  }
0x121: {  	[tilespmem:s16+$0x60] =	vst v6  }
0x122: {  	v6 =	vld [tilespmem:s13+$0x170]  }
0x123: {  	v38 =	vld [tilespmem:s14+$0x170];
	_ =	sdelay $0x1  }
0x124: {  	v39 =	vld [tilespmem:s15+$0x170];
	_ =	sdelay $0x2  }
0x125: {  	v6 =	vmul.f32 v6, v3;
	v7 =	vmul.f32 v38, v4;
	_ =	sdelay $0x1  }
0x126: {  	v40 =	vmul.f32 v39, v5;
	v6 =	vadd.f32 v7, v6;
	_ =	sdelay $0x1  }
0x127: {  	v6 =	vadd.f32 v40, v6;
	_ =	sdelay $0x1  }
0x128: {  	[tilespmem:s16+$0x70] =	vst v6  }
0x129: {  	v6 =	vld [tilespmem:s13+$0x500]  }
0x12a: {  	v41 =	vld [tilespmem:s14+$0x500];
	_ =	sdelay $0x1  }
0x12b: {  	v42 =	vld [tilespmem:s15+$0x500];
	_ =	sdelay $0x2  }
0x12c: {  	v6 =	vmul.f32 v6, v3;
	v7 =	vmul.f32 v41, v4;
	_ =	sdelay $0x1  }
0x12d: {  	v43 =	vmul.f32 v42, v5;
	v6 =	vadd.f32 v7, v6;
	_ =	sdelay $0x1  }
0x12e: {  	s12 =	sadd.s32 s12, s2;
	v6 =	vadd.f32 v43, v6  }
0x12f: {  	s17 =	sor.u32 $0x400, s12  }
0x130: {  	[tilespmem:s17+$0x6100] =	vst v6  }
0x131: {  	v6 =	vld [tilespmem:s13+$0x510]  }
0x132: {  	v44 =	vld [tilespmem:s14+$0x510];
	_ =	sdelay $0x1  }
0x133: {  	v45 =	vld [tilespmem:s15+$0x510];
	_ =	sdelay $0x2  }
0x134: {  	v6 =	vmul.f32 v6, v3;
	v7 =	vmul.f32 v44, v4;
	_ =	sdelay $0x1  }
0x135: {  	v46 =	vmul.f32 v45, v5;
	v6 =	vadd.f32 v7, v6;
	_ =	sdelay $0x1  }
0x136: {  	v6 =	vadd.f32 v46, v6  }
0x137: {  	s17 =	sor.u32 $0x410, s12  }
0x138: {  	[tilespmem:s17+$0x6100] =	vst v6  }
0x139: {  	v6 =	vld [tilespmem:s13+$0x520]  }
0x13a: {  	v47 =	vld [tilespmem:s14+$0x520];
	_ =	sdelay $0x1  }
0x13b: {  	v48 =	vld [tilespmem:s15+$0x520];
	_ =	sdelay $0x2  }
0x13c: {  	v6 =	vmul.f32 v6, v3;
	v7 =	vmul.f32 v47, v4;
	_ =	sdelay $0x1  }
0x13d: {  	v49 =	vmul.f32 v48, v5;
	v6 =	vadd.f32 v7, v6;
	_ =	sdelay $0x1  }
0x13e: {  	v6 =	vadd.f32 v49, v6  }
0x13f: {  	s17 =	sor.u32 $0x420, s12  }
0x140: {  	[tilespmem:s17+$0x6100] =	vst v6  }
0x141: {  	v6 =	vld [tilespmem:s13+$0x530]  }
0x142: {  	v50 =	vld [tilespmem:s14+$0x530];
	_ =	sdelay $0x1  }
0x143: {  	v51 =	vld [tilespmem:s15+$0x530];
	_ =	sdelay $0x2  }
0x144: {  	v6 =	vmul.f32 v6, v3;
	v7 =	vmul.f32 v50, v4;
	_ =	sdelay $0x1  }
0x145: {  	v52 =	vmul.f32 v51, v5;
	v6 =	vadd.f32 v7, v6;
	_ =	sdelay $0x1  }
0x146: {  	v6 =	vadd.f32 v52, v6  }
0x147: {  	s17 =	sor.u32 $0x430, s12  }
0x148: {  	[tilespmem:s17+$0x6100] =	vst v6  }
0x149: {  	v6 =	vld [tilespmem:s13+$0x540]  }
0x14a: {  	v53 =	vld [tilespmem:s14+$0x540];
	_ =	sdelay $0x1  }
0x14b: {  	v54 =	vld [tilespmem:s15+$0x540];
	_ =	sdelay $0x2  }
0x14c: {  	v6 =	vmul.f32 v6, v3;
	v7 =	vmul.f32 v53, v4;
	_ =	sdelay $0x1  }
0x14d: {  	v55 =	vmul.f32 v54, v5;
	v6 =	vadd.f32 v7, v6;
	_ =	sdelay $0x1  }
0x14e: {  	v6 =	vadd.f32 v55, v6  }
0x14f: {  	s17 =	sor.u32 $0x440, s12  }
0x150: {  	[tilespmem:s17+$0x6100] =	vst v6  }
0x151: {  	v6 =	vld [tilespmem:s13+$0x550]  }
0x152: {  	v56 =	vld [tilespmem:s14+$0x550];
	_ =	sdelay $0x1  }
0x153: {  	v57 =	vld [tilespmem:s15+$0x550];
	_ =	sdelay $0x2  }
0x154: {  	v6 =	vmul.f32 v6, v3;
	v7 =	vmul.f32 v56, v4;
	_ =	sdelay $0x1  }
0x155: {  	v58 =	vmul.f32 v57, v5;
	v6 =	vadd.f32 v7, v6;
	_ =	sdelay $0x1  }
0x156: {  	v6 =	vadd.f32 v58, v6  }
0x157: {  	s17 =	sor.u32 $0x450, s12  }
0x158: {  	[tilespmem:s17+$0x6100] =	vst v6  }
0x159: {  	v6 =	vld [tilespmem:s13+$0x560]  }
0x15a: {  	v59 =	vld [tilespmem:s14+$0x560];
	_ =	sdelay $0x1  }
0x15b: {  	v60 =	vld [tilespmem:s15+$0x560];
	_ =	sdelay $0x2  }
0x15c: {  	v6 =	vmul.f32 v6, v3;
	v7 =	vmul.f32 v59, v4;
	_ =	sdelay $0x1  }
0x15d: {  	v61 =	vmul.f32 v60, v5;
	v6 =	vadd.f32 v7, v6;
	_ =	sdelay $0x1  }
0x15e: {  	v6 =	vadd.f32 v61, v6  }
0x15f: {  	s17 =	sor.u32 $0x460, s12  }
0x160: {  	[tilespmem:s17+$0x6100] =	vst v6  }
0x161: {  	v6 =	vld [tilespmem:s13+$0x570]  }
0x162: {  	v62 =	vld [tilespmem:s14+$0x570];
	_ =	sdelay $0x1  }
0x163: {  	v63 =	vld [tilespmem:s15+$0x570]  }
0x164: {  	s14 =	sadd.s32 $0xFFFFFFFB, s0  }
0x165: {  	v9 =	vmov s14  }
0x166: {  	v10 =	vand.u32 $0xFFFFFFFE, v9;
	v3 =	vmul.f32 v6, v3;
	v4 =	vmul.f32 v62, v4  }
0x167: {  	v6 =	vbroadcast v10, $0x0  }
0x168: {  	s16 =	sadd.s32 $0xFFFFFFFD, s0;
	s15 =	sadd.s32 $0xFFFFFFFC, s0;
	v11 =	vmul.f32 v63, v5;
	v3 =	vadd.f32 v4, v3  }
0x169: {  	v13 =	vmov s16;
	v12 =	vmov s15  }
0x16a: {  	v14 =	vand.u32 $0xFFFFFFFC, v13;
	v3 =	vadd.f32 v11, v3  }
0x16b: {  	s12 =	sor.u32 $0x470, s12;
	v7 =	vbroadcast v14, $0x0;
	s17 =	sadd.s32 $0x600, s25  }
0x16c: {  	s14 =	sand.u32 $0x7800, s17;
	s15 =	sadd.s32 $0xFFFFFD80, s31;
	[tilespmem:s12+$0x6100] =	vst v3  }
0x16d: {  	s16 =	sadd.s32 $0xFFFFFE00, s31;
	s13 =	sand.u32 $0x300, s15;
	s14 =	sor.u32 $0x100, s14;
	v3 =	vld.idx.msk [tilespmem:v6+s10+$0x0], $0xffff  }
0x16e: {  	s17 =	sand.u32 $0x380, s16;
	s12 =	sadd.s32 s13, s14;
	v15 =	vld.idx.msk [tilespmem:v12+s10+$0x0], $0xffff  }
0x16f: {  	s16 =	sadd.s32 $0xFFFFFE80, s31;
	s15 =	sadd.s32 $0x800, s25;
	s13 =	sadd.s32 s17, s14;
	v16 =	vld [tilespmem:s12+$0x0]  }
0x170: {  	s14 =	sand.u32 $0xF800, s15;
	s15 =	sand.u32 $0x200, s16;
	v17 =	vld [tilespmem:s13+$0x0]  }
0x171: {  	v18 =	vld.idx.msk [tilespmem:v7+s10+$0x0], $0xffff;
	s14 =	sor.u32 s15, s14  }
0x172: {  	v19 =	vld [tilespmem:s14+$0x100];
	_ =	sdelay $0x2  }
0x173: {  	v6 =	vmul.f32 v16, v3;
	v8 =	vmul.f32 v17, v15;
	_ =	sdelay $0x1  }
0x174: {  	v7 =	vmul.f32 v19, v18;
	v6 =	vadd.f32 v8, v6  }
0x175: {  	s17 =	sadd.s32 $0xFFFFFF80, s30  }
0x176: {  	s15 =	sand.u32 $0x300, s17;
	v6 =	vadd.f32 v7, v6  }
0x177: {  	s15 =	sadd.s32 s15, s4  }
0x178: {  	[tilespmem:s15+$0x0] =	vst v6  }
0x179: {  	v6 =	vld [tilespmem:s12+$0x10]  }
0x17a: {  	v20 =	vld [tilespmem:s13+$0x10];
	_ =	sdelay $0x1  }
0x17b: {  	v21 =	vld [tilespmem:s14+$0x110];
	_ =	sdelay $0x2  }
0x17c: {  	v6 =	vmul.f32 v6, v3;
	v7 =	vmul.f32 v20, v15;
	_ =	sdelay $0x1  }
0x17d: {  	v22 =	vmul.f32 v21, v18;
	v6 =	vadd.f32 v7, v6;
	_ =	sdelay $0x1  }
0x17e: {  	v6 =	vadd.f32 v22, v6;
	_ =	sdelay $0x1  }
0x17f: {  	[tilespmem:s15+$0x10] =	vst v6  }
0x180: {  	v6 =	vld [tilespmem:s12+$0x20]  }
0x181: {  	v23 =	vld [tilespmem:s13+$0x20];
	_ =	sdelay $0x1  }
0x182: {  	v24 =	vld [tilespmem:s14+$0x120];
	_ =	sdelay $0x2  }
0x183: {  	v6 =	vmul.f32 v6, v3;
	v7 =	vmul.f32 v23, v15;
	_ =	sdelay $0x1  }
0x184: {  	v25 =	vmul.f32 v24, v18;
	v6 =	vadd.f32 v7, v6;
	_ =	sdelay $0x1  }
0x185: {  	v6 =	vadd.f32 v25, v6;
	_ =	sdelay $0x1  }
0x186: {  	[tilespmem:s15+$0x20] =	vst v6  }
0x187: {  	v6 =	vld [tilespmem:s12+$0x30]  }
0x188: {  	v26 =	vld [tilespmem:s13+$0x30];
	_ =	sdelay $0x1  }
0x189: {  	v27 =	vld [tilespmem:s14+$0x130];
	_ =	sdelay $0x2  }
0x18a: {  	v6 =	vmul.f32 v6, v3;
	v7 =	vmul.f32 v26, v15;
	_ =	sdelay $0x1  }
0x18b: {  	v28 =	vmul.f32 v27, v18;
	v6 =	vadd.f32 v7, v6;
	_ =	sdelay $0x1  }
0x18c: {  	v6 =	vadd.f32 v28, v6;
	_ =	sdelay $0x1  }
0x18d: {  	[tilespmem:s15+$0x30] =	vst v6  }
0x18e: {  	v6 =	vld [tilespmem:s12+$0x40]  }
0x18f: {  	v29 =	vld [tilespmem:s13+$0x40];
	_ =	sdelay $0x1  }
0x190: {  	v30 =	vld [tilespmem:s14+$0x140];
	_ =	sdelay $0x2  }
0x191: {  	v6 =	vmul.f32 v6, v3;
	v7 =	vmul.f32 v29, v15;
	_ =	sdelay $0x1  }
0x192: {  	v31 =	vmul.f32 v30, v18;
	v6 =	vadd.f32 v7, v6;
	_ =	sdelay $0x1  }
0x193: {  	v6 =	vadd.f32 v31, v6;
	_ =	sdelay $0x1  }
0x194: {  	[tilespmem:s15+$0x40] =	vst v6  }
0x195: {  	v6 =	vld [tilespmem:s12+$0x50]  }
0x196: {  	v32 =	vld [tilespmem:s13+$0x50];
	_ =	sdelay $0x1  }
0x197: {  	v33 =	vld [tilespmem:s14+$0x150];
	_ =	sdelay $0x2  }
0x198: {  	v6 =	vmul.f32 v6, v3;
	v7 =	vmul.f32 v32, v15;
	_ =	sdelay $0x1  }
0x199: {  	v34 =	vmul.f32 v33, v18;
	v6 =	vadd.f32 v7, v6;
	_ =	sdelay $0x1  }
0x19a: {  	v6 =	vadd.f32 v34, v6;
	_ =	sdelay $0x1  }
0x19b: {  	[tilespmem:s15+$0x50] =	vst v6  }
0x19c: {  	v6 =	vld [tilespmem:s12+$0x60]  }
0x19d: {  	v35 =	vld [tilespmem:s13+$0x60];
	_ =	sdelay $0x1  }
0x19e: {  	v36 =	vld [tilespmem:s14+$0x160];
	_ =	sdelay $0x2  }
0x19f: {  	v6 =	vmul.f32 v6, v3;
	v7 =	vmul.f32 v35, v15;
	_ =	sdelay $0x1  }
0x1a0: {  	v37 =	vmul.f32 v36, v18;
	v6 =	vadd.f32 v7, v6;
	_ =	sdelay $0x1  }
0x1a1: {  	v6 =	vadd.f32 v37, v6;
	_ =	sdelay $0x1  }
0x1a2: {  	[tilespmem:s15+$0x60] =	vst v6  }
0x1a3: {  	v6 =	vld [tilespmem:s12+$0x70]  }
0x1a4: {  	v38 =	vld [tilespmem:s13+$0x70];
	_ =	sdelay $0x1  }
0x1a5: {  	v39 =	vld [tilespmem:s14+$0x170];
	_ =	sdelay $0x2  }
0x1a6: {  	v6 =	vmul.f32 v6, v3;
	v7 =	vmul.f32 v38, v15;
	_ =	sdelay $0x1  }
0x1a7: {  	v40 =	vmul.f32 v39, v18;
	v6 =	vadd.f32 v7, v6;
	_ =	sdelay $0x1  }
0x1a8: {  	v6 =	vadd.f32 v40, v6;
	_ =	sdelay $0x1  }
0x1a9: {  	[tilespmem:s15+$0x70] =	vst v6  }
0x1aa: {  	v6 =	vld [tilespmem:s12+$0x400]  }
0x1ab: {  	v41 =	vld [tilespmem:s13+$0x400];
	_ =	sdelay $0x1  }
0x1ac: {  	v42 =	vld [tilespmem:s14+$0x500];
	_ =	sdelay $0x2  }
0x1ad: {  	v6 =	vmul.f32 v6, v3;
	v7 =	vmul.f32 v41, v15;
	_ =	sdelay $0x1  }
0x1ae: {  	v43 =	vmul.f32 v42, v18;
	v6 =	vadd.f32 v7, v6;
	_ =	sdelay $0x1  }
0x1af: {  	s11 =	sadd.s32 s11, s2;
	v6 =	vadd.f32 v43, v6  }
0x1b0: {  	s16 =	sor.u32 $0x400, s11  }
0x1b1: {  	[tilespmem:s16+$0x6100] =	vst v6  }
0x1b2: {  	v6 =	vld [tilespmem:s12+$0x410]  }
0x1b3: {  	v44 =	vld [tilespmem:s13+$0x410];
	_ =	sdelay $0x1  }
0x1b4: {  	v45 =	vld [tilespmem:s14+$0x510];
	_ =	sdelay $0x2  }
0x1b5: {  	v6 =	vmul.f32 v6, v3;
	v7 =	vmul.f32 v44, v15;
	_ =	sdelay $0x1  }
0x1b6: {  	v46 =	vmul.f32 v45, v18;
	v6 =	vadd.f32 v7, v6;
	_ =	sdelay $0x1  }
0x1b7: {  	v6 =	vadd.f32 v46, v6  }
0x1b8: {  	s17 =	sor.u32 $0x410, s11  }
0x1b9: {  	[tilespmem:s17+$0x6100] =	vst v6  }
0x1ba: {  	v6 =	vld [tilespmem:s12+$0x420]  }
0x1bb: {  	v47 =	vld [tilespmem:s13+$0x420];
	_ =	sdelay $0x1  }
0x1bc: {  	v48 =	vld [tilespmem:s14+$0x520];
	_ =	sdelay $0x2  }
0x1bd: {  	v6 =	vmul.f32 v6, v3;
	v7 =	vmul.f32 v47, v15;
	_ =	sdelay $0x1  }
0x1be: {  	v49 =	vmul.f32 v48, v18;
	v6 =	vadd.f32 v7, v6;
	_ =	sdelay $0x1  }
0x1bf: {  	v6 =	vadd.f32 v49, v6  }
0x1c0: {  	s16 =	sor.u32 $0x420, s11  }
0x1c1: {  	[tilespmem:s16+$0x6100] =	vst v6  }
0x1c2: {  	v6 =	vld [tilespmem:s12+$0x430]  }
0x1c3: {  	v50 =	vld [tilespmem:s13+$0x430];
	_ =	sdelay $0x1  }
0x1c4: {  	v51 =	vld [tilespmem:s14+$0x530];
	_ =	sdelay $0x2  }
0x1c5: {  	v6 =	vmul.f32 v6, v3;
	v7 =	vmul.f32 v50, v15;
	_ =	sdelay $0x1  }
0x1c6: {  	v52 =	vmul.f32 v51, v18;
	v6 =	vadd.f32 v7, v6;
	_ =	sdelay $0x1  }
0x1c7: {  	v6 =	vadd.f32 v52, v6  }
0x1c8: {  	s17 =	sor.u32 $0x430, s11  }
0x1c9: {  	[tilespmem:s17+$0x6100] =	vst v6  }
0x1ca: {  	v6 =	vld [tilespmem:s12+$0x440]  }
0x1cb: {  	v53 =	vld [tilespmem:s13+$0x440];
	_ =	sdelay $0x1  }
0x1cc: {  	v54 =	vld [tilespmem:s14+$0x540];
	_ =	sdelay $0x2  }
0x1cd: {  	v6 =	vmul.f32 v6, v3;
	v7 =	vmul.f32 v53, v15;
	_ =	sdelay $0x1  }
0x1ce: {  	v55 =	vmul.f32 v54, v18;
	v6 =	vadd.f32 v7, v6;
	_ =	sdelay $0x1  }
0x1cf: {  	v6 =	vadd.f32 v55, v6  }
0x1d0: {  	s16 =	sor.u32 $0x440, s11  }
0x1d1: {  	[tilespmem:s16+$0x6100] =	vst v6  }
0x1d2: {  	v6 =	vld [tilespmem:s12+$0x450]  }
0x1d3: {  	v56 =	vld [tilespmem:s13+$0x450];
	_ =	sdelay $0x1  }
0x1d4: {  	v57 =	vld [tilespmem:s14+$0x550];
	_ =	sdelay $0x2  }
0x1d5: {  	v6 =	vmul.f32 v6, v3;
	v7 =	vmul.f32 v56, v15;
	_ =	sdelay $0x1  }
0x1d6: {  	v58 =	vmul.f32 v57, v18;
	v6 =	vadd.f32 v7, v6;
	_ =	sdelay $0x1  }
0x1d7: {  	v6 =	vadd.f32 v58, v6  }
0x1d8: {  	s17 =	sor.u32 $0x450, s11  }
0x1d9: {  	[tilespmem:s17+$0x6100] =	vst v6  }
0x1da: {  	v6 =	vld [tilespmem:s12+$0x460]  }
0x1db: {  	v59 =	vld [tilespmem:s13+$0x460];
	_ =	sdelay $0x1  }
0x1dc: {  	v60 =	vld [tilespmem:s14+$0x560];
	_ =	sdelay $0x2  }
0x1dd: {  	v6 =	vmul.f32 v6, v3;
	v7 =	vmul.f32 v59, v15;
	_ =	sdelay $0x1  }
0x1de: {  	v61 =	vmul.f32 v60, v18;
	v6 =	vadd.f32 v7, v6;
	_ =	sdelay $0x1  }
0x1df: {  	v6 =	vadd.f32 v61, v6  }
0x1e0: {  	s16 =	sor.u32 $0x460, s11  }
0x1e1: {  	[tilespmem:s16+$0x6100] =	vst v6  }
0x1e2: {  	v6 =	vld [tilespmem:s12+$0x470]  }
0x1e3: {  	v62 =	vld [tilespmem:s13+$0x470];
	_ =	sdelay $0x1  }
0x1e4: {  	v63 =	vld [tilespmem:s14+$0x570]  }
0x1e5: {  	s17 =	sadd.s32 $0xFFFFFFFE, s0;
	s13 =	sadd.s32 $0xFFFFFFFF, s0  }
0x1e6: {  	v9 =	vmov s17;
	v10 =	vmov s13  }
0x1e7: {  	v3 =	vmul.f32 v6, v3;
	v4 =	vmul.f32 v62, v15;
	v6 =	vand.u32 $0xFFFFFFFD, v9  }
0x1e8: {  	v7 =	vand.u32 $0xFFFFFFFE, v10;
	v6 =	vbroadcast v6, $0x0  }
0x1e9: {  	v12 =	vbroadcast v7, $0x0;
	v11 =	vmul.f32 v63, v18;
	v3 =	vadd.f32 v4, v3;
	_ =	sdelay $0x1  }
0x1ea: {  	v3 =	vadd.f32 v11, v3  }
0x1eb: {  	s11 =	sor.u32 $0x470, s11;
	s13 =	sadd.s32 $0x900, s25  }
0x1ec: {  	v13 =	vmov s0;
	s17 =	sadd.s32 $0xFFFFFF80, s31;
	s14 =	sadd.s32 $0xFFFFFF00, s31;
	s15 =	sand.u32 $0x7800, s13;
	[tilespmem:s11+$0x6100] =	vst v3  }
0x1ed: {  	s16 =	sadd.s32 $0xA00, s25;
	s12 =	sand.u32 $0x280, s14;
	s15 =	sor.u32 $0x100, s15;
	v3 =	vld.idx.msk [tilespmem:v6+s10+$0x0], $0xffff  }
0x1ee: {  	s14 =	sand.u32 $0x7800, s16;
	s16 =	sand.u32 $0x300, s17;
	s11 =	sor.u32 s12, s15;
	v14 =	vld.idx.msk [tilespmem:v12+s10+$0x0], $0xffff  }
0x1ef: {  	s12 =	sor.u32 s16, s14;
	v15 =	vld [tilespmem:s11+$0x0]  }
0x1f0: {  	s14 =	sand.u32 $0x380, s31;
	v16 =	vld [tilespmem:s12+$0x100]  }
0x1f1: {  	v17 =	vld.idx.msk [tilespmem:v13+s10+$0x0], $0xffff;
	s15 =	sadd.s32 s14, s15  }
0x1f2: {  	v18 =	vld [tilespmem:s15+$0x0];
	_ =	sdelay $0x2  }
0x1f3: {  	v6 =	vmul.f32 v15, v3;
	v8 =	vmul.f32 v16, v14;
	_ =	sdelay $0x1  }
0x1f4: {  	v7 =	vmul.f32 v18, v17;
	v6 =	vadd.f32 v8, v6;
	_ =	sdelay $0x1  }
0x1f5: {  	s17 =	sand.u32 $0x380, s30;
	v6 =	vadd.f32 v7, v6  }
0x1f6: {  	s4 =	sadd.s32 s17, s4  }
0x1f7: {  	[tilespmem:s4+$0x0] =	vst v6  }
0x1f8: {  	v6 =	vld [tilespmem:s11+$0x10]  }
0x1f9: {  	v19 =	vld [tilespmem:s12+$0x110];
	_ =	sdelay $0x1  }
0x1fa: {  	v20 =	vld [tilespmem:s15+$0x10];
	_ =	sdelay $0x2  }
0x1fb: {  	v6 =	vmul.f32 v6, v3;
	v7 =	vmul.f32 v19, v14;
	_ =	sdelay $0x1  }
0x1fc: {  	v21 =	vmul.f32 v20, v17;
	v6 =	vadd.f32 v7, v6;
	_ =	sdelay $0x1  }
0x1fd: {  	v6 =	vadd.f32 v21, v6;
	_ =	sdelay $0x1  }
0x1fe: {  	[tilespmem:s4+$0x10] =	vst v6  }
0x1ff: {  	v6 =	vld [tilespmem:s11+$0x20]  }
0x200: {  	v22 =	vld [tilespmem:s12+$0x120];
	_ =	sdelay $0x1  }
0x201: {  	v23 =	vld [tilespmem:s15+$0x20];
	_ =	sdelay $0x2  }
0x202: {  	v6 =	vmul.f32 v6, v3;
	v7 =	vmul.f32 v22, v14;
	_ =	sdelay $0x1  }
0x203: {  	v24 =	vmul.f32 v23, v17;
	v6 =	vadd.f32 v7, v6;
	_ =	sdelay $0x1  }
0x204: {  	v6 =	vadd.f32 v24, v6;
	_ =	sdelay $0x1  }
0x205: {  	[tilespmem:s4+$0x20] =	vst v6  }
0x206: {  	v6 =	vld [tilespmem:s11+$0x30]  }
0x207: {  	v25 =	vld [tilespmem:s12+$0x130];
	_ =	sdelay $0x1  }
0x208: {  	v26 =	vld [tilespmem:s15+$0x30];
	_ =	sdelay $0x2  }
0x209: {  	v6 =	vmul.f32 v6, v3;
	v7 =	vmul.f32 v25, v14;
	_ =	sdelay $0x1  }
0x20a: {  	v27 =	vmul.f32 v26, v17;
	v6 =	vadd.f32 v7, v6;
	_ =	sdelay $0x1  }
0x20b: {  	v6 =	vadd.f32 v27, v6;
	_ =	sdelay $0x1  }
0x20c: {  	[tilespmem:s4+$0x30] =	vst v6  }
0x20d: {  	v6 =	vld [tilespmem:s11+$0x40]  }
0x20e: {  	v28 =	vld [tilespmem:s12+$0x140];
	_ =	sdelay $0x1  }
0x20f: {  	v29 =	vld [tilespmem:s15+$0x40];
	_ =	sdelay $0x2  }
0x210: {  	v6 =	vmul.f32 v6, v3;
	v7 =	vmul.f32 v28, v14;
	_ =	sdelay $0x1  }
0x211: {  	v30 =	vmul.f32 v29, v17;
	v6 =	vadd.f32 v7, v6;
	_ =	sdelay $0x1  }
0x212: {  	v6 =	vadd.f32 v30, v6;
	_ =	sdelay $0x1  }
0x213: {  	[tilespmem:s4+$0x40] =	vst v6  }
0x214: {  	v6 =	vld [tilespmem:s11+$0x50]  }
0x215: {  	v31 =	vld [tilespmem:s12+$0x150];
	_ =	sdelay $0x1  }
0x216: {  	v32 =	vld [tilespmem:s15+$0x50];
	_ =	sdelay $0x2  }
0x217: {  	v6 =	vmul.f32 v6, v3;
	v7 =	vmul.f32 v31, v14;
	_ =	sdelay $0x1  }
0x218: {  	v33 =	vmul.f32 v32, v17;
	v6 =	vadd.f32 v7, v6;
	_ =	sdelay $0x1  }
0x219: {  	v6 =	vadd.f32 v33, v6;
	_ =	sdelay $0x1  }
0x21a: {  	[tilespmem:s4+$0x50] =	vst v6  }
0x21b: {  	v6 =	vld [tilespmem:s11+$0x60]  }
0x21c: {  	v34 =	vld [tilespmem:s12+$0x160];
	_ =	sdelay $0x1  }
0x21d: {  	v35 =	vld [tilespmem:s15+$0x60];
	_ =	sdelay $0x2  }
0x21e: {  	v6 =	vmul.f32 v6, v3;
	v7 =	vmul.f32 v34, v14;
	_ =	sdelay $0x1  }
0x21f: {  	v36 =	vmul.f32 v35, v17;
	v6 =	vadd.f32 v7, v6;
	_ =	sdelay $0x1  }
0x220: {  	v6 =	vadd.f32 v36, v6;
	_ =	sdelay $0x1  }
0x221: {  	[tilespmem:s4+$0x60] =	vst v6  }
0x222: {  	v6 =	vld [tilespmem:s11+$0x70]  }
0x223: {  	v37 =	vld [tilespmem:s12+$0x170];
	_ =	sdelay $0x1  }
0x224: {  	v38 =	vld [tilespmem:s15+$0x70];
	_ =	sdelay $0x2  }
0x225: {  	v6 =	vmul.f32 v6, v3;
	v7 =	vmul.f32 v37, v14;
	_ =	sdelay $0x1  }
0x226: {  	v39 =	vmul.f32 v38, v17;
	v6 =	vadd.f32 v7, v6;
	_ =	sdelay $0x1  }
0x227: {  	v6 =	vadd.f32 v39, v6;
	_ =	sdelay $0x1  }
0x228: {  	[tilespmem:s4+$0x70] =	vst v6  }
0x229: {  	v6 =	vld [tilespmem:s11+$0x400]  }
0x22a: {  	s4 =	sor.u32 s13, s14;
	v40 =	vld [tilespmem:s12+$0x500]  }
0x22b: {  	s13 =	sor.u32 $0x400, s4  }
0x22c: {  	v41 =	vld [tilespmem:s13+$0x100];
	_ =	sdelay $0x2  }
0x22d: {  	v6 =	vmul.f32 v6, v3;
	v7 =	vmul.f32 v40, v14;
	_ =	sdelay $0x1  }
0x22e: {  	v42 =	vmul.f32 v41, v17;
	v6 =	vadd.f32 v7, v6  }
0x22f: {  	s3 =	sadd.s32 s2, s3  }
0x230: {  	s3 =	sadd.s32 $0x180, s3;
	v6 =	vadd.f32 v42, v6  }
0x231: {  	s17 =	sor.u32 $0x400, s3  }
0x232: {  	[tilespmem:s17+$0x6100] =	vst v6  }
0x233: {  	v6 =	vld [tilespmem:s11+$0x410]  }
0x234: {  	v43 =	vld [tilespmem:s12+$0x510]  }
0x235: {  	s14 =	sor.u32 $0x410, s4  }
0x236: {  	v44 =	vld [tilespmem:s14+$0x100];
	_ =	sdelay $0x2  }
0x237: {  	v6 =	vmul.f32 v6, v3;
	v7 =	vmul.f32 v43, v14;
	_ =	sdelay $0x1  }
0x238: {  	v45 =	vmul.f32 v44, v17;
	v6 =	vadd.f32 v7, v6;
	_ =	sdelay $0x1  }
0x239: {  	v6 =	vadd.f32 v45, v6  }
0x23a: {  	s15 =	sor.u32 $0x410, s3  }
0x23b: {  	[tilespmem:s15+$0x6100] =	vst v6  }
0x23c: {  	v6 =	vld [tilespmem:s11+$0x420]  }
0x23d: {  	v46 =	vld [tilespmem:s12+$0x520]  }
0x23e: {  	s16 =	sor.u32 $0x420, s4  }
0x23f: {  	v47 =	vld [tilespmem:s16+$0x100];
	_ =	sdelay $0x2  }
0x240: {  	v6 =	vmul.f32 v6, v3;
	v7 =	vmul.f32 v46, v14;
	_ =	sdelay $0x1  }
0x241: {  	v48 =	vmul.f32 v47, v17;
	v6 =	vadd.f32 v7, v6;
	_ =	sdelay $0x1  }
0x242: {  	v6 =	vadd.f32 v48, v6  }
0x243: {  	s17 =	sor.u32 $0x420, s3  }
0x244: {  	[tilespmem:s17+$0x6100] =	vst v6  }
0x245: {  	v6 =	vld [tilespmem:s11+$0x430]  }
0x246: {  	v49 =	vld [tilespmem:s12+$0x530]  }
0x247: {  	s14 =	sor.u32 $0x430, s4  }
0x248: {  	v50 =	vld [tilespmem:s14+$0x100];
	_ =	sdelay $0x2  }
0x249: {  	v6 =	vmul.f32 v6, v3;
	v7 =	vmul.f32 v49, v14;
	_ =	sdelay $0x1  }
0x24a: {  	v51 =	vmul.f32 v50, v17;
	v6 =	vadd.f32 v7, v6;
	_ =	sdelay $0x1  }
0x24b: {  	v6 =	vadd.f32 v51, v6  }
0x24c: {  	s15 =	sor.u32 $0x430, s3  }
0x24d: {  	[tilespmem:s15+$0x6100] =	vst v6  }
0x24e: {  	v6 =	vld [tilespmem:s11+$0x440]  }
0x24f: {  	v52 =	vld [tilespmem:s12+$0x540]  }
0x250: {  	s16 =	sor.u32 $0x440, s4  }
0x251: {  	v53 =	vld [tilespmem:s16+$0x100];
	_ =	sdelay $0x2  }
0x252: {  	v6 =	vmul.f32 v6, v3;
	v7 =	vmul.f32 v52, v14;
	_ =	sdelay $0x1  }
0x253: {  	v54 =	vmul.f32 v53, v17;
	v6 =	vadd.f32 v7, v6;
	_ =	sdelay $0x1  }
0x254: {  	v6 =	vadd.f32 v54, v6  }
0x255: {  	s17 =	sor.u32 $0x440, s3  }
0x256: {  	[tilespmem:s17+$0x6100] =	vst v6  }
0x257: {  	v6 =	vld [tilespmem:s11+$0x450]  }
0x258: {  	v55 =	vld [tilespmem:s12+$0x550]  }
0x259: {  	s14 =	sor.u32 $0x450, s4  }
0x25a: {  	v56 =	vld [tilespmem:s14+$0x100];
	_ =	sdelay $0x2  }
0x25b: {  	v6 =	vmul.f32 v6, v3;
	v7 =	vmul.f32 v55, v14;
	_ =	sdelay $0x1  }
0x25c: {  	v57 =	vmul.f32 v56, v17;
	v6 =	vadd.f32 v7, v6;
	_ =	sdelay $0x1  }
0x25d: {  	v6 =	vadd.f32 v57, v6  }
0x25e: {  	s15 =	sor.u32 $0x450, s3  }
0x25f: {  	[tilespmem:s15+$0x6100] =	vst v6  }
0x260: {  	v6 =	vld [tilespmem:s11+$0x460]  }
0x261: {  	v58 =	vld [tilespmem:s12+$0x560]  }
0x262: {  	s16 =	sor.u32 $0x460, s4  }
0x263: {  	v59 =	vld [tilespmem:s16+$0x100];
	_ =	sdelay $0x2  }
0x264: {  	v6 =	vmul.f32 v6, v3;
	v7 =	vmul.f32 v58, v14;
	_ =	sdelay $0x1  }
0x265: {  	v60 =	vmul.f32 v59, v17;
	v6 =	vadd.f32 v7, v6;
	_ =	sdelay $0x1  }
0x266: {  	v6 =	vadd.f32 v60, v6  }
0x267: {  	s17 =	sor.u32 $0x460, s3  }
0x268: {  	[tilespmem:s17+$0x6100] =	vst v6  }
0x269: {  	v6 =	vld [tilespmem:s11+$0x470]  }
0x26a: {  	v61 =	vld [tilespmem:s12+$0x570]  }
0x26b: {  	s4 =	sor.u32 $0x470, s4  }
0x26c: {  	v62 =	vld [tilespmem:s4+$0x100];
	_ =	sdelay $0x2  }
0x26d: {  	s29 =	sadd.s32 $0x4, s29;
	v3 =	vmul.f32 v6, v3;
	v4 =	vmul.f32 v61, v14  }
0x26e: {  	p1 =	slt.u32 s29, $0x1C  }
.Ltmp0:
0x26f: {  	v63 =	vmul.f32 v62, v17;
	v3 =	vadd.f32 v4, v3;
	(pc) =	sbr.rel @p1 .LBB2_3-.Ltmp0, $4  }
0x270: {  	_ = 	snop  }
0x271: {  	s8 =	sadd.s32 $0x4, s8;
	s28 =	sadd.s32 $0x2, s28;
	p0 =	por !p0, !p0;
	v3 =	vadd.f32 v63, v3  }
0x272: {  	s2 =	sadd.s32 $0x400, s2;
	s0 =	sadd.s32 $0xC, s0;
	s3 =	sor.u32 $0x470, s3  }
0x273: {  	s30 =	sadd.s32 $0x200, s30;
	s25 =	sadd.s32 $0xC00, s25;
	s31 =	sadd.s32 $0x600, s31;
	[tilespmem:s3+$0x6100] =	vst v3  }
0x274: {  	s0 =	sshll.u32 s26, $0xA;
	s26 =	sadd.s32 $0x1, s26  }
0x275: {  	p0 =	sne.s32 s26, $0x40  }
.Ltmp1:
0x276: {  	s2 =	simm.s32 $0x0;
	s0 =	sadd.s32 s0, s7;
	(pc) =	sbr.rel @p0 .LBB2_2-.Ltmp1, $4  }
0x277: {  	[hbm4b:s0+s2] =	stream.linear.scatter [tilespmem:s24], [sflag:$0x2], $0x2000, $0x38;
	[tilespmem:$0x8100] =	vst v63  }
0x278: {  	_ =	swait.ge [sflag:s9], $0x2000  }
0x279: {  	[sflag:s9] =	ssyncset.done $0x0  }
0x27a: {  	[sflag:s9] =	ssyncadd.s32 $0xFFFFE000  }
0x27b: {  	s2 =	rddreg [dreg:$0x5]  }
0x27c: {  	s0 =	rddreg [dreg:$0x4];
	s2 =	sadd.s32 $0x1, s2  }
0x27d: {  	p0 =	sne.s32 s2, s0  }
.Ltmp2:
0x27e: {  	_ = 	snop;
	(pc) =	sbr.rel @p0 .LBB2_1-.Ltmp2, $1  }
0x27f: {  	_ =	sdelay $0x3  }
0x280: {  	_ =	sfence.sel $0x180000  }
0x281: {  	[bflag:$0x0] =	sbarrier.arrive $0xFFFF  }
0x282: {  	_ =	strace $0x90000047  }
0x283: {  	s0 =	stileid.u32;
	[bflag:$0x2] =	sbarrier.arrive $0xFFFF  }
0x284: {  	p0 =	sne.s32 s0, $0x0;
	s0 =	rddreg [dreg:$0x3]  }
0x285: {  	s0 =	sadd.s32 @!p0 $0x100000, s0  }
0x286: {  	[sflag:s0] =	ssyncadd.tile.s32 @!p0 $0x1;
	_ =	shalt  }
.Lfunc_end2:
_tile_overlayer_lowered:
.L_overlay_start_2:
0x287: {  	(tag) =	ssettag $0x2  }
0x288: {  	s0 =	rddreg [dreg:$0x0];
	s2 =	stileid.u32  }
0x289: {  	s1 =	rddreg [dreg:$0x1];
	p0 =	sne.s32 s2, $0x0  }
0x28a: {  	s3 =	rddreg [dreg:$0x2];
	[bflag:$0x3] =	sbarrier.arrive $0xFFFF;
	s2 =	simm.s32 @!p0 $0x1C02  }
0x28b: {  	[timem:s3], [sflag:s2] =	dma.local @!p0 [hbm:s0], s1  }
0x28c: {  	s0 =	simm.s32 @!p0 $0x2  }
0x28d: {  	_ =	swait.ge @!p0 [sflag:s0], s1  }
0x28e: {  	s1 =	ssub.s32 @!p0 $0x0, s1;
	[sflag:s0] =	ssyncset.done @!p0 $0x0  }
0x28f: {  	[sflag:s0] =	ssyncadd.s32 @!p0 s1  }
0x290: {  	[bflag:$0x3] =	sbarrier.arrive $0xFFFF  }
0x291: {  	_ =	shalt  }

</sc_bundles>
